<compile_context>
chip_gen: v7x
topology: tpu7x:2x2x1
jax: 0.10.2.dev20260603
libtpu: 0.0.44.dev20260713+nightly
codegen_flags: <defaults>
</compile_context>

<pallas_src>
import functools

import jax
import jax.numpy as jnp
from jax import lax
from jax.experimental import pallas as pl
from jax.experimental.pallas import tpu as pltpu
from jax.experimental.pallas import tpu_sc as plsc

EPS = 0.0001
B, C, H, W, N = 32, 2, 512, 512, 1000
HW = H * W
CHUNK = 128
NJ = 8
LANES = 16

NC, NS = 2, 16


ROWS = B * C * H
BLK = 2048


def _dense_body(c_ref, g_ref, m_ref, sabs_ref, smask_ref):
    i = pl.program_id(0)

    @pl.when(i == 0)
    def _():
        sabs_ref[0, 0] = 0.0
        smask_ref[0, 0] = 0.0

    m = m_ref[...]
    sabs_ref[0, 0] += jnp.sum(jnp.abs(c_ref[...] * m - g_ref[...] * m))
    smask_ref[0, 0] += jnp.sum(m)


def _dense_sums(coord2d, gt2d, mask2d, blk0, nblk):
    sabs, smask = pl.pallas_call(
        _dense_body,
        grid=(nblk,),
        in_specs=[pl.BlockSpec((BLK, W), lambda i: (i + blk0, 0))] * 3,
        out_specs=[
            pl.BlockSpec(memory_space=pltpu.SMEM),
            pl.BlockSpec(memory_space=pltpu.SMEM),
        ],
        out_shape=[jax.ShapeDtypeStruct((1, 1), jnp.float32)] * 2,
        cost_estimate=pl.CostEstimate(
            flops=5 * nblk * BLK * W, transcendentals=0,
            bytes_accessed=3 * 4 * nblk * BLK * W,
        ),
    )(coord2d, gt2d, mask2d)
    return sabs[0, 0], smask[0, 0]



NP = 1008
_ROW_CHUNKS = [(c * CHUNK, CHUNK) for c in range(NP // CHUNK)]
_ROW_CHUNKS.append(((NP // CHUNK) * CHUNK, NP - (NP // CHUNK) * CHUNK))


@functools.cache
def _sc_span_kernel_fn():
    mesh = plsc.VectorSubcoreMesh(
        core_axis_name="c", subcore_axis_name="s", num_cores=NC,
        num_subcores=NS,
    )
    scratch = (
        [pltpu.VMEM((NP,), jnp.int32) for _ in range(4)]
        + [pltpu.VMEM((NP,), jnp.int32) for _ in range(NJ)]
        + [pltpu.VMEM((NP,), jnp.float32) for _ in range(NJ)]
        + [pltpu.VMEM((NP,), jnp.float32) for _ in range(3)]
        + [pltpu.VMEM((2, LANES), jnp.float32), pltpu.SemaphoreType.DMA]
    )
    return pl.kernel(
        _sc_span_body,
        out_type=jax.ShapeDtypeStruct((B, 2, LANES), jnp.float32),
        mesh=mesh,
        scratch_types=scratch,
    )


def _sc_span_body(ind_hbm, coord_hbm, m_hbm, span_hbm, out_hbm, *refs):
    dint = refs[0:4]
    idxs = refs[4:4 + NJ]
    gath = refs[12:12 + NJ]
    m_v, gc_v, gr_v, res_v, sem = refs[20:]
    b = lax.axis_index("s") * NC + lax.axis_index("c")
    lane = lax.iota(jnp.int32, LANES)
    nblk = NP // LANES

    copies = []
    for j in range(4):
        copies.append(pltpu.async_copy(
            ind_hbm.at[pl.ds((j * B + b) * N, N)], dint[j].at[pl.ds(0, N)],
            sem))
    copies.append(pltpu.async_copy(
        span_hbm.at[pl.ds(b * N, N)], gc_v.at[pl.ds(0, N)], sem))
    copies.append(pltpu.async_copy(
        span_hbm.at[pl.ds((B + b) * N, N)], gr_v.at[pl.ds(0, N)], sem))
    copies.append(pltpu.async_copy(
        m_hbm.at[pl.ds(b * N, N)], m_v.at[pl.ds(0, N)], sem))
    for cp in copies:
        cp.wait()

    bcol = b * (C * HW)

    def addbase(k, _):
        sl = pl.ds(k * LANES, LANES)
        for j in range(4):
            v = jnp.clip(dint[j][sl], 0, HW - 1) + bcol
            idxs[j][sl] = v
            idxs[j + 4][sl] = v + HW
        return 0

    lax.fori_loop(0, nblk, addbase, 0)

    copies = []
    for off, size in _ROW_CHUNKS:
        sl = pl.ds(off, size)
        for j in range(NJ):
            copies.append(pltpu.async_copy(
                coord_hbm.at[idxs[j].at[sl]], gath[j].at[sl], sem))
    for cp in copies:
        cp.wait()

    def block(p0, m16, gc, gr, acc, macc):
        sl = pl.ds(p0, LANES)
        c0, c1, c2, c3, r0, r1, r2, r3 = (g[sl] for g in gath)
        acc = acc + m16 * (jnp.abs(c1 - c0 - gc) + jnp.abs(c2 - c3 - gc)
                           + jnp.abs(r3 - r0 - gr) + jnp.abs(r2 - r1 - gr))
        macc = macc + m16
        return acc, macc

    def step(k, carry):
        p0 = k * LANES
        sl = pl.ds(p0, LANES)
        return block(p0, m_v[sl], gc_v[sl], gr_v[sl], *carry)

    zero = jnp.zeros((LANES,), jnp.float32)
    acc, macc = lax.fori_loop(0, nblk - 1, step, (zero, zero))
    p0 = (nblk - 1) * LANES
    sl = pl.ds(p0, LANES)
    ok = lane < N - p0
    acc, macc = block(p0, jnp.where(ok, m_v[sl], 0.0),
                      jnp.where(ok, gc_v[sl], 0.0),
                      jnp.where(ok, gr_v[sl], 0.0), acc, macc)
    res_v[0, :] = acc
    res_v[1, :] = macc
    pltpu.sync_copy(res_v, out_hbm.at[b])




def kernel(coord, coord_gt, coord_mask, lc_ind, lc_span, ct_mask):
    coord2d = coord.reshape(ROWS, W)
    gt2d = coord_gt.reshape(ROWS, W)
    mask2d = coord_mask.reshape(ROWS, W)
    sabs, smask = _dense_sums(coord2d, gt2d, mask2d, 0, ROWS // BLK)
    coord_loss = sabs / (smask + EPS)

    ind_t = lc_ind.astype(jnp.int32).transpose(2, 0, 1).reshape(-1)
    span_t = lc_span.transpose(2, 0, 1).reshape(-1)
    partials = _sc_span_kernel_fn()(ind_t, coord.reshape(-1),
                                    ct_mask.reshape(-1), span_t)
    span_sum = jnp.sum(partials[:, 0, :])
    msum = jnp.sum(partials[:, 1, :])
    span_diff_loss = span_sum / (2.0 * msum + EPS)
    return (coord_loss, span_diff_loss)

# --- scband reference (transcript-rebuilt; emitter-appended) ---
"""Pipeline reference for scband-logic-coord-loss-395136991503 (READ-ONLY COPY).

The authoritative reference and input builder live on the scoring server;
editing this copy changes nothing except your own understanding.
"""

import jax, jax.numpy as jnp
import numpy as np

EPS = 0.0001


def setup_inputs(seed: int = 0) -> dict:
    key = jax.random.key(seed)
    ks = jax.random.split(key, 6)
    B, C, H, W, N = 32, 2, 512, 512, 1000
    coord = jax.random.normal(ks[0], (B, C, H, W), dtype=jnp.float32)
    coord_gt = jax.random.normal(ks[1], (B, C, H, W), dtype=jnp.float32)
    coord_mask = jax.random.uniform(ks[2], (B, C, H, W), dtype=jnp.float32)
    lc_ind = jax.random.randint(ks[3], (B, N, 4), 0, H * W).astype(jnp.int64)
    lc_span = jax.random.uniform(ks[4], (B, N, 2), dtype=jnp.float32)
    ct_mask = jax.random.uniform(ks[5], (B, N), dtype=jnp.float32)
    return {"coord": coord, "coord_gt": coord_gt, "coord_mask": coord_mask,
            "lc_ind": lc_ind, "lc_span": lc_span, "ct_mask": ct_mask}


def _tranpose_and_gather_feat(feat, ind):
    # feat: [B, C, H, W], ind: [B, K] with values in [0, H*W)
    B, C, H, W = feat.shape
    feat = jnp.transpose(feat, (0, 2, 3, 1)).reshape(B, H * W, C)
    ind_exp = jnp.broadcast_to(ind[:, :, None], (B, ind.shape[1], C))
    return jnp.take_along_axis(feat, ind_exp, axis=1)


def reference(coord, coord_gt, coord_mask, lc_ind, lc_span, ct_mask):
    B = lc_span.shape[0]
    N = lc_span.shape[1]
    coords_pred = _tranpose_and_gather_feat(coord, lc_ind.reshape(B, N * 4)).reshape(B, N, 4, 2)
    cols_pred = coords_pred[..., 0]
    rows_pred = coords_pred[..., 1]
    span_mask = jnp.broadcast_to(ct_mask[:, :, None], (B, N, 2)).astype(jnp.float32)
    num_span_mask = span_mask.sum() + EPS
    coord_loss = jnp.abs(coord * coord_mask - coord_gt * coord_mask).sum() / (coord_mask.sum() + EPS)
    col_span_diff_pred = cols_pred[..., jnp.array([1, 2])] - cols_pred[..., jnp.array([0, 3])]
    row_span_diff_pred = rows_pred[..., jnp.array([3, 2])] - rows_pred[..., jnp.array([0, 1])]
    col_span_gt = jnp.broadcast_to(lc_span[..., 0][:, :, None], (B, N, 2))
    row_span_gt = jnp.broadcast_to(lc_span[..., 1][:, :, None], (B, N, 2))
    col_span_diff_loss = jnp.abs(col_span_diff_pred * span_mask - col_span_gt * span_mask).sum() / num_span_mask
    row_span_diff_loss = jnp.abs(row_span_diff_pred * span_mask - row_span_gt * span_mask).sum() / num_span_mask
    span_diff_loss = col_span_diff_loss + row_span_diff_loss
    return (coord_loss, span_diff_loss)

if __name__ == "__main__":
    import jax
    _d = setup_inputs()
    print(jax.jit(kernel)(*tuple(_d.values())))

</pallas_src>

<mosaic_0001>
#map = affine_map<(d0, d1) -> (0)>
#map1 = affine_map<(d0, d1) -> (0, 0, 0)>
module attributes {stable_mosaic.version = 14 : i64} {
  func.func @_sc_span_body(%arg0: i32, %arg1: i32, %arg2: memref<128000xi32, #tpu.memory_space<hbm>>, %arg3: memref<16777216xf32, #tpu.memory_space<hbm>>, %arg4: memref<32000xf32, #tpu.memory_space<hbm>>, %arg5: memref<64000xf32, #tpu.memory_space<hbm>>, %arg6: memref<32x2x16xf32, #tpu.memory_space<hbm>>, %arg7: memref<1008xi32, #tpu.memory_space<vmem>>, %arg8: memref<1008xi32, #tpu.memory_space<vmem>>, %arg9: memref<1008xi32, #tpu.memory_space<vmem>>, %arg10: memref<1008xi32, #tpu.memory_space<vmem>>, %arg11: memref<1008xi32, #tpu.memory_space<vmem>>, %arg12: memref<1008xi32, #tpu.memory_space<vmem>>, %arg13: memref<1008xi32, #tpu.memory_space<vmem>>, %arg14: memref<1008xi32, #tpu.memory_space<vmem>>, %arg15: memref<1008xi32, #tpu.memory_space<vmem>>, %arg16: memref<1008xi32, #tpu.memory_space<vmem>>, %arg17: memref<1008xi32, #tpu.memory_space<vmem>>, %arg18: memref<1008xi32, #tpu.memory_space<vmem>>, %arg19: memref<1008xf32, #tpu.memory_space<vmem>>, %arg20: memref<1008xf32, #tpu.memory_space<vmem>>, %arg21: memref<1008xf32, #tpu.memory_space<vmem>>, %arg22: memref<1008xf32, #tpu.memory_space<vmem>>, %arg23: memref<1008xf32, #tpu.memory_space<vmem>>, %arg24: memref<1008xf32, #tpu.memory_space<vmem>>, %arg25: memref<1008xf32, #tpu.memory_space<vmem>>, %arg26: memref<1008xf32, #tpu.memory_space<vmem>>, %arg27: memref<1008xf32, #tpu.memory_space<vmem>>, %arg28: memref<1008xf32, #tpu.memory_space<vmem>>, %arg29: memref<1008xf32, #tpu.memory_space<vmem>>, %arg30: memref<2x16xf32, #tpu.memory_space<vmem>>, %arg31: memref<!tpu.dma_semaphore, #tpu.memory_space<semaphore_mem>>) attributes {dimension_semantics = [#tpu.dimension_semantics<core_parallel>, #tpu.dimension_semantics<subcore_parallel>], iteration_bounds = array<i64: 2, 16>, scalar_prefetch = 0 : i64, scratch_operands = 25 : i64, tpu.core_type = #tpu.core_type<sc_vector_subcore>, window_params = [{transform_indices = #map}, {transform_indices = #map}, {transform_indices = #map}, {transform_indices = #map}, {transform_indices = #map1}]} {
    %mul3A = arith.constant 2 : i32
    %mul3A_0 = arith.muli %arg1, %mul3A : i32
    %add3A = arith.addi %mul3A_0, %arg0 : i32
    %iota3A = tpu.iota {dimensions = array<i32: 0>} : vector<16xi32>
    %add3A_1 = arith.constant 0 : i32
    %add3A_2 = arith.addi %add3A_1, %add3A : i32
    %mul3A_3 = arith.constant 1000 : i32
    %mul3A_4 = arith.muli %add3A_2, %mul3A_3 : i32
    %dma_start3A = arith.constant 0 : i32
    %dma_start3A_5 = tpu.memref_slice %arg7[%dma_start3A] : memref<1008xi32, #tpu.memory_space<vmem>> -> memref<1000xi32, #tpu.memory_space<vmem>>
    %dma_start3A_6 = tpu.memref_slice %arg2[%mul3A_4] : memref<128000xi32, #tpu.memory_space<hbm>> -> memref<1000xi32, #tpu.memory_space<hbm>>
    %dma_start3A_7 = arith.constant 0 : i32
    %dma_start3A_8 = tpu.memref_slice %arg7[%dma_start3A_7] : memref<1008xi32, #tpu.memory_space<vmem>> -> memref<1000xi32, #tpu.memory_space<vmem>>
    %dma_start3A_9 = tpu.memref_slice %arg2[%mul3A_4] : memref<128000xi32, #tpu.memory_space<hbm>> -> memref<1000xi32, #tpu.memory_space<hbm>>
    tpu.enqueue_dma source(%dma_start3A_9 : memref<1000xi32, #tpu.memory_space<hbm>>) target(%dma_start3A_8 : memref<1000xi32, #tpu.memory_space<vmem>>) target_semaphore(%arg31 : memref<!tpu.dma_semaphore, #tpu.memory_space<semaphore_mem>>)
    %add3A_10 = arith.constant 32 : i32
    %add3A_11 = arith.addi %add3A_10, %add3A : i32
    %mul3A_12 = arith.constant 1000 : i32
    %mul3A_13 = arith.muli %add3A_11, %mul3A_12 : i32
    %dma_start3A_14 = arith.constant 0 : i32
    %dma_start3A_15 = tpu.memref_slice %arg8[%dma_start3A_14] : memref<1008xi32, #tpu.memory_space<vmem>> -> memref<1000xi32, #tpu.memory_space<vmem>>
    %dma_start3A_16 = tpu.memref_slice %arg2[%mul3A_13] : memref<128000xi32, #tpu.memory_space<hbm>> -> memref<1000xi32, #tpu.memory_space<hbm>>
    %dma_start3A_17 = arith.constant 0 : i32
    %dma_start3A_18 = tpu.memref_slice %arg8[%dma_start3A_17] : memref<1008xi32, #tpu.memory_space<vmem>> -> memref<1000xi32, #tpu.memory_space<vmem>>
    %dma_start3A_19 = tpu.memref_slice %arg2[%mul3A_13] : memref<128000xi32, #tpu.memory_space<hbm>> -> memref<1000xi32, #tpu.memory_space<hbm>>
    tpu.enqueue_dma source(%dma_start3A_19 : memref<1000xi32, #tpu.memory_space<hbm>>) target(%dma_start3A_18 : memref<1000xi32, #tpu.memory_space<vmem>>) target_semaphore(%arg31 : memref<!tpu.dma_semaphore, #tpu.memory_space<semaphore_mem>>)
    %add3A_20 = arith.constant 64 : i32
    %add3A_21 = arith.addi %add3A_20, %add3A : i32
    %mul3A_22 = arith.constant 1000 : i32
    %mul3A_23 = arith.muli %add3A_21, %mul3A_22 : i32
    %dma_start3A_24 = arith.constant 0 : i32
    %dma_start3A_25 = tpu.memref_slice %arg9[%dma_start3A_24] : memref<1008xi32, #tpu.memory_space<vmem>> -> memref<1000xi32, #tpu.memory_space<vmem>>
    %dma_start3A_26 = tpu.memref_slice %arg2[%mul3A_23] : memref<128000xi32, #tpu.memory_space<hbm>> -> memref<1000xi32, #tpu.memory_space<hbm>>
    %dma_start3A_27 = arith.constant 0 : i32
    %dma_start3A_28 = tpu.memref_slice %arg9[%dma_start3A_27] : memref<1008xi32, #tpu.memory_space<vmem>> -> memref<1000xi32, #tpu.memory_space<vmem>>
    %dma_start3A_29 = tpu.memref_slice %arg2[%mul3A_23] : memref<128000xi32, #tpu.memory_space<hbm>> -> memref<1000xi32, #tpu.memory_space<hbm>>
    tpu.enqueue_dma source(%dma_start3A_29 : memref<1000xi32, #tpu.memory_space<hbm>>) target(%dma_start3A_28 : memref<1000xi32, #tpu.memory_space<vmem>>) target_semaphore(%arg31 : memref<!tpu.dma_semaphore, #tpu.memory_space<semaphore_mem>>)
    %add3A_30 = arith.constant 96 : i32
    %add3A_31 = arith.addi %add3A_30, %add3A : i32
    %mul3A_32 = arith.constant 1000 : i32
    %mul3A_33 = arith.muli %add3A_31, %mul3A_32 : i32
    %dma_start3A_34 = arith.constant 0 : i32
    %dma_start3A_35 = tpu.memref_slice %arg10[%dma_start3A_34] : memref<1008xi32, #tpu.memory_space<vmem>> -> memref<1000xi32, #tpu.memory_space<vmem>>
    %dma_start3A_36 = tpu.memref_slice %arg2[%mul3A_33] : memref<128000xi32, #tpu.memory_space<hbm>> -> memref<1000xi32, #tpu.memory_space<hbm>>
    %dma_start3A_37 = arith.constant 0 : i32
    %dma_start3A_38 = tpu.memref_slice %arg10[%dma_start3A_37] : memref<1008xi32, #tpu.memory_space<vmem>> -> memref<1000xi32, #tpu.memory_space<vmem>>
    %dma_start3A_39 = tpu.memref_slice %arg2[%mul3A_33] : memref<128000xi32, #tpu.memory_space<hbm>> -> memref<1000xi32, #tpu.memory_space<hbm>>
    tpu.enqueue_dma source(%dma_start3A_39 : memref<1000xi32, #tpu.memory_space<hbm>>) target(%dma_start3A_38 : memref<1000xi32, #tpu.memory_space<vmem>>) target_semaphore(%arg31 : memref<!tpu.dma_semaphore, #tpu.memory_space<semaphore_mem>>)
    %mul3A_40 = arith.constant 1000 : i32
    %mul3A_41 = arith.muli %add3A, %mul3A_40 : i32
    %dma_start3A_42 = arith.constant 0 : i32
    %dma_start3A_43 = tpu.memref_slice %arg28[%dma_start3A_42] : memref<1008xf32, #tpu.memory_space<vmem>> -> memref<1000xf32, #tpu.memory_space<vmem>>
    %dma_start3A_44 = tpu.memref_slice %arg5[%mul3A_41] : memref<64000xf32, #tpu.memory_space<hbm>> -> memref<1000xf32, #tpu.memory_space<hbm>>
    %dma_start3A_45 = arith.constant 0 : i32
    %dma_start3A_46 = tpu.memref_slice %arg28[%dma_start3A_45] : memref<1008xf32, #tpu.memory_space<vmem>> -> memref<1000xf32, #tpu.memory_space<vmem>>
    %dma_start3A_47 = tpu.memref_slice %arg5[%mul3A_41] : memref<64000xf32, #tpu.memory_space<hbm>> -> memref<1000xf32, #tpu.memory_space<hbm>>
    tpu.enqueue_dma source(%dma_start3A_47 : memref<1000xf32, #tpu.memory_space<hbm>>) target(%dma_start3A_46 : memref<1000xf32, #tpu.memory_space<vmem>>) target_semaphore(%arg31 : memref<!tpu.dma_semaphore, #tpu.memory_space<semaphore_mem>>)
    %add3A_48 = arith.constant 32 : i32
    %add3A_49 = arith.addi %add3A_48, %add3A : i32
    %mul3A_50 = arith.constant 1000 : i32
    %mul3A_51 = arith.muli %add3A_49, %mul3A_50 : i32
    %dma_start3A_52 = arith.constant 0 : i32
    %dma_start3A_53 = tpu.memref_slice %arg29[%dma_start3A_52] : memref<1008xf32, #tpu.memory_space<vmem>> -> memref<1000xf32, #tpu.memory_space<vmem>>
    %dma_start3A_54 = tpu.memref_slice %arg5[%mul3A_51] : memref<64000xf32, #tpu.memory_space<hbm>> -> memref<1000xf32, #tpu.memory_space<hbm>>
    %dma_start3A_55 = arith.constant 0 : i32
    %dma_start3A_56 = tpu.memref_slice %arg29[%dma_start3A_55] : memref<1008xf32, #tpu.memory_space<vmem>> -> memref<1000xf32, #tpu.memory_space<vmem>>
    %dma_start3A_57 = tpu.memref_slice %arg5[%mul3A_51] : memref<64000xf32, #tpu.memory_space<hbm>> -> memref<1000xf32, #tpu.memory_space<hbm>>
    tpu.enqueue_dma source(%dma_start3A_57 : memref<1000xf32, #tpu.memory_space<hbm>>) target(%dma_start3A_56 : memref<1000xf32, #tpu.memory_space<vmem>>) target_semaphore(%arg31 : memref<!tpu.dma_semaphore, #tpu.memory_space<semaphore_mem>>)
    %mul3A_58 = arith.constant 1000 : i32
    %mul3A_59 = arith.muli %add3A, %mul3A_58 : i32
    %dma_start3A_60 = arith.constant 0 : i32
    %dma_start3A_61 = tpu.memref_slice %arg27[%dma_start3A_60] : memref<1008xf32, #tpu.memory_space<vmem>> -> memref<1000xf32, #tpu.memory_space<vmem>>
    %dma_start3A_62 = tpu.memref_slice %arg4[%mul3A_59] : memref<32000xf32, #tpu.memory_space<hbm>> -> memref<1000xf32, #tpu.memory_space<hbm>>
    %dma_start3A_63 = arith.constant 0 : i32
    %dma_start3A_64 = tpu.memref_slice %arg27[%dma_start3A_63] : memref<1008xf32, #tpu.memory_space<vmem>> -> memref<1000xf32, #tpu.memory_space<vmem>>
    %dma_start3A_65 = tpu.memref_slice %arg4[%mul3A_59] : memref<32000xf32, #tpu.memory_space<hbm>> -> memref<1000xf32, #tpu.memory_space<hbm>>
    tpu.enqueue_dma source(%dma_start3A_65 : memref<1000xf32, #tpu.memory_space<hbm>>) target(%dma_start3A_64 : memref<1000xf32, #tpu.memory_space<vmem>>) target_semaphore(%arg31 : memref<!tpu.dma_semaphore, #tpu.memory_space<semaphore_mem>>)
    %dma_wait3A = arith.constant 0 : i32
    %dma_wait3A_66 = tpu.memref_slice %arg7[%dma_wait3A] : memref<1008xi32, #tpu.memory_space<vmem>> -> memref<1000xi32, #tpu.memory_space<vmem>>
    %dma_wait3A_67 = tpu.memref_slice %arg2[%mul3A_4] : memref<128000xi32, #tpu.memory_space<hbm>> -> memref<1000xi32, #tpu.memory_space<hbm>>
    %dma_wait3A_68 = arith.constant 0 : i32
    %dma_wait3A_69 = tpu.memref_slice %arg7[%dma_wait3A_68] : memref<1008xi32, #tpu.memory_space<vmem>> -> memref<1000xi32, #tpu.memory_space<vmem>>
    %dma_wait3A_70 = tpu.memref_slice %arg2[%mul3A_4] : memref<128000xi32, #tpu.memory_space<hbm>> -> memref<1000xi32, #tpu.memory_space<hbm>>
    tpu.wait_dma2 semaphore(%arg31 : memref<!tpu.dma_semaphore, #tpu.memory_space<semaphore_mem>>) src(%dma_wait3A_70 : memref<1000xi32, #tpu.memory_space<hbm>>) dst(%dma_wait3A_69 : memref<1000xi32, #tpu.memory_space<vmem>>)
    %dma_wait3A_71 = arith.constant 0 : i32
    %dma_wait3A_72 = tpu.memref_slice %arg8[%dma_wait3A_71] : memref<1008xi32, #tpu.memory_space<vmem>> -> memref<1000xi32, #tpu.memory_space<vmem>>
    %dma_wait3A_73 = tpu.memref_slice %arg2[%mul3A_13] : memref<128000xi32, #tpu.memory_space<hbm>> -> memref<1000xi32, #tpu.memory_space<hbm>>
    %dma_wait3A_74 = arith.constant 0 : i32
    %dma_wait3A_75 = tpu.memref_slice %arg8[%dma_wait3A_74] : memref<1008xi32, #tpu.memory_space<vmem>> -> memref<1000xi32, #tpu.memory_space<vmem>>
    %dma_wait3A_76 = tpu.memref_slice %arg2[%mul3A_13] : memref<128000xi32, #tpu.memory_space<hbm>> -> memref<1000xi32, #tpu.memory_space<hbm>>
    tpu.wait_dma2 semaphore(%arg31 : memref<!tpu.dma_semaphore, #tpu.memory_space<semaphore_mem>>) src(%dma_wait3A_76 : memref<1000xi32, #tpu.memory_space<hbm>>) dst(%dma_wait3A_75 : memref<1000xi32, #tpu.memory_space<vmem>>)
    %dma_wait3A_77 = arith.constant 0 : i32
    %dma_wait3A_78 = tpu.memref_slice %arg9[%dma_wait3A_77] : memref<1008xi32, #tpu.memory_space<vmem>> -> memref<1000xi32, #tpu.memory_space<vmem>>
    %dma_wait3A_79 = tpu.memref_slice %arg2[%mul3A_23] : memref<128000xi32, #tpu.memory_space<hbm>> -> memref<1000xi32, #tpu.memory_space<hbm>>
    %dma_wait3A_80 = arith.constant 0 : i32
    %dma_wait3A_81 = tpu.memref_slice %arg9[%dma_wait3A_80] : memref<1008xi32, #tpu.memory_space<vmem>> -> memref<1000xi32, #tpu.memory_space<vmem>>
    %dma_wait3A_82 = tpu.memref_slice %arg2[%mul3A_23] : memref<128000xi32, #tpu.memory_space<hbm>> -> memref<1000xi32, #tpu.memory_space<hbm>>
    tpu.wait_dma2 semaphore(%arg31 : memref<!tpu.dma_semaphore, #tpu.memory_space<semaphore_mem>>) src(%dma_wait3A_82 : memref<1000xi32, #tpu.memory_space<hbm>>) dst(%dma_wait3A_81 : memref<1000xi32, #tpu.memory_space<vmem>>)
    %dma_wait3A_83 = arith.constant 0 : i32
    %dma_wait3A_84 = tpu.memref_slice %arg10[%dma_wait3A_83] : memref<1008xi32, #tpu.memory_space<vmem>> -> memref<1000xi32, #tpu.memory_space<vmem>>
    %dma_wait3A_85 = tpu.memref_slice %arg2[%mul3A_33] : memref<128000xi32, #tpu.memory_space<hbm>> -> memref<1000xi32, #tpu.memory_space<hbm>>
    %dma_wait3A_86 = arith.constant 0 : i32
    %dma_wait3A_87 = tpu.memref_slice %arg10[%dma_wait3A_86] : memref<1008xi32, #tpu.memory_space<vmem>> -> memref<1000xi32, #tpu.memory_space<vmem>>
    %dma_wait3A_88 = tpu.memref_slice %arg2[%mul3A_33] : memref<128000xi32, #tpu.memory_space<hbm>> -> memref<1000xi32, #tpu.memory_space<hbm>>
    tpu.wait_dma2 semaphore(%arg31 : memref<!tpu.dma_semaphore, #tpu.memory_space<semaphore_mem>>) src(%dma_wait3A_88 : memref<1000xi32, #tpu.memory_space<hbm>>) dst(%dma_wait3A_87 : memref<1000xi32, #tpu.memory_space<vmem>>)
    %dma_wait3A_89 = arith.constant 0 : i32
    %dma_wait3A_90 = tpu.memref_slice %arg28[%dma_wait3A_89] : memref<1008xf32, #tpu.memory_space<vmem>> -> memref<1000xf32, #tpu.memory_space<vmem>>
    %dma_wait3A_91 = tpu.memref_slice %arg5[%mul3A_41] : memref<64000xf32, #tpu.memory_space<hbm>> -> memref<1000xf32, #tpu.memory_space<hbm>>
    %dma_wait3A_92 = arith.constant 0 : i32
    %dma_wait3A_93 = tpu.memref_slice %arg28[%dma_wait3A_92] : memref<1008xf32, #tpu.memory_space<vmem>> -> memref<1000xf32, #tpu.memory_space<vmem>>
    %dma_wait3A_94 = tpu.memref_slice %arg5[%mul3A_41] : memref<64000xf32, #tpu.memory_space<hbm>> -> memref<1000xf32, #tpu.memory_space<hbm>>
    tpu.wait_dma2 semaphore(%arg31 : memref<!tpu.dma_semaphore, #tpu.memory_space<semaphore_mem>>) src(%dma_wait3A_94 : memref<1000xf32, #tpu.memory_space<hbm>>) dst(%dma_wait3A_93 : memref<1000xf32, #tpu.memory_space<vmem>>)
    %dma_wait3A_95 = arith.constant 0 : i32
    %dma_wait3A_96 = tpu.memref_slice %arg29[%dma_wait3A_95] : memref<1008xf32, #tpu.memory_space<vmem>> -> memref<1000xf32, #tpu.memory_space<vmem>>
    %dma_wait3A_97 = tpu.memref_slice %arg5[%mul3A_51] : memref<64000xf32, #tpu.memory_space<hbm>> -> memref<1000xf32, #tpu.memory_space<hbm>>
    %dma_wait3A_98 = arith.constant 0 : i32
    %dma_wait3A_99 = tpu.memref_slice %arg29[%dma_wait3A_98] : memref<1008xf32, #tpu.memory_space<vmem>> -> memref<1000xf32, #tpu.memory_space<vmem>>
    %dma_wait3A_100 = tpu.memref_slice %arg5[%mul3A_51] : memref<64000xf32, #tpu.memory_space<hbm>> -> memref<1000xf32, #tpu.memory_space<hbm>>
    tpu.wait_dma2 semaphore(%arg31 : memref<!tpu.dma_semaphore, #tpu.memory_space<semaphore_mem>>) src(%dma_wait3A_100 : memref<1000xf32, #tpu.memory_space<hbm>>) dst(%dma_wait3A_99 : memref<1000xf32, #tpu.memory_space<vmem>>)
    %dma_wait3A_101 = arith.constant 0 : i32
    %dma_wait3A_102 = tpu.memref_slice %arg27[%dma_wait3A_101] : memref<1008xf32, #tpu.memory_space<vmem>> -> memref<1000xf32, #tpu.memory_space<vmem>>
    %dma_wait3A_103 = tpu.memref_slice %arg4[%mul3A_59] : memref<32000xf32, #tpu.memory_space<hbm>> -> memref<1000xf32, #tpu.memory_space<hbm>>
    %dma_wait3A_104 = arith.constant 0 : i32
    %dma_wait3A_105 = tpu.memref_slice %arg27[%dma_wait3A_104] : memref<1008xf32, #tpu.memory_space<vmem>> -> memref<1000xf32, #tpu.memory_space<vmem>>
    %dma_wait3A_106 = tpu.memref_slice %arg4[%mul3A_59] : memref<32000xf32, #tpu.memory_space<hbm>> -> memref<1000xf32, #tpu.memory_space<hbm>>
    tpu.wait_dma2 semaphore(%arg31 : memref<!tpu.dma_semaphore, #tpu.memory_space<semaphore_mem>>) src(%dma_wait3A_106 : memref<1000xf32, #tpu.memory_space<hbm>>) dst(%dma_wait3A_105 : memref<1000xf32, #tpu.memory_space<vmem>>)
    %mul3A_107 = arith.constant 524288 : i32
    %mul3A_108 = arith.muli %add3A, %mul3A_107 : i32
    %scan3A = arith.constant 0 : i32
    %scan3A_109 = arith.constant 0 : i32
    %scan3A_110 = arith.constant 63 : i32
    %scan3A_111 = arith.addi %scan3A_109, %scan3A_110 : i32
    %scan3A_112 = arith.constant 1 : i32
    %scan3A_113 = scf.for %scan3A_958 = %scan3A_109 to %scan3A_111 step %scan3A_112 iter_args(%scan3A_959 = %scan3A) -> (i32)  : i32 {
      %mul3A_960 = arith.constant 16 : i32
      %mul3A_961 = arith.muli %scan3A_958, %mul3A_960 : i32
      %get3A_962 = arith.index_cast %mul3A_961 : i32 to index
      %get3A_963 = tpu.vector_load %arg7[%get3A_962] {strides = array<i32>} : memref<1008xi32, #tpu.memory_space<vmem>>, vector<16xi32>,
      %get3A_964 = vector.shape_cast %get3A_963 : vector<16xi32> to vector<16xi32>
      %jit3A_965 = arith.constant 0 : i32
      %jit3A_966 = arith.constant 262143 : i32
      %max3A = vector.broadcast %jit3A_965 : i32 to vector<16xi32>
      %max3A_967 = arith.maxsi %max3A, %get3A_964 : vector<16xi32>
      %min3A = vector.broadcast %jit3A_966 : i32 to vector<16xi32>
      %min3A_968 = arith.minsi %min3A, %max3A_967 : vector<16xi32>
      %add3A_969 = vector.broadcast %mul3A_108 : i32 to vector<16xi32>
      %add3A_970 = arith.addi %min3A_968, %add3A_969 : vector<16xi32>
      %swap3A_971 = arith.index_cast %mul3A_961 : i32 to index
      %swap3A_972 = tpu.vector_load %arg11[%swap3A_971] {strides = array<i32>} : memref<1008xi32, #tpu.memory_space<vmem>>, vector<16xi32>,
      %swap3A_973 = vector.shape_cast %swap3A_972 : vector<16xi32> to vector<16xi32>
      %swap3A_974 = vector.shape_cast %add3A_970 : vector<16xi32> to vector<16xi32>
      tpu.vector_store %arg11[%swap3A_971], %swap3A_974 {strides = array<i32>} : memref<1008xi32, #tpu.memory_space<vmem>>, vector<16xi32>,
      %add3A_975 = arith.constant 262144 : i32
      %add3A_976 = vector.broadcast %add3A_975 : i32 to vector<16xi32>
      %add3A_977 = arith.addi %add3A_970, %add3A_976 : vector<16xi32>
      %swap3A_978 = arith.index_cast %mul3A_961 : i32 to index
      %swap3A_979 = tpu.vector_load %arg15[%swap3A_978] {strides = array<i32>} : memref<1008xi32, #tpu.memory_space<vmem>>, vector<16xi32>,
      %swap3A_980 = vector.shape_cast %swap3A_979 : vector<16xi32> to vector<16xi32>
      %swap3A_981 = vector.shape_cast %add3A_977 : vector<16xi32> to vector<16xi32>
      tpu.vector_store %arg15[%swap3A_978], %swap3A_981 {strides = array<i32>} : memref<1008xi32, #tpu.memory_space<vmem>>, vector<16xi32>,
      %get3A_982 = arith.index_cast %mul3A_961 : i32 to index
      %get3A_983 = tpu.vector_load %arg8[%get3A_982] {strides = array<i32>} : memref<1008xi32, #tpu.memory_space<vmem>>, vector<16xi32>,
      %get3A_984 = vector.shape_cast %get3A_983 : vector<16xi32> to vector<16xi32>
      %jit3A_985 = arith.constant 0 : i32
      %jit3A_986 = arith.constant 262143 : i32
      %max3A_987 = vector.broadcast %jit3A_985 : i32 to vector<16xi32>
      %max3A_988 = arith.maxsi %max3A_987, %get3A_984 : vector<16xi32>
      %min3A_989 = vector.broadcast %jit3A_986 : i32 to vector<16xi32>
      %min3A_990 = arith.minsi %min3A_989, %max3A_988 : vector<16xi32>
      %add3A_991 = vector.broadcast %mul3A_108 : i32 to vector<16xi32>
      %add3A_992 = arith.addi %min3A_990, %add3A_991 : vector<16xi32>
      %swap3A_993 = arith.index_cast %mul3A_961 : i32 to index
      %swap3A_994 = tpu.vector_load %arg12[%swap3A_993] {strides = array<i32>} : memref<1008xi32, #tpu.memory_space<vmem>>, vector<16xi32>,
      %swap3A_995 = vector.shape_cast %swap3A_994 : vector<16xi32> to vector<16xi32>
      %swap3A_996 = vector.shape_cast %add3A_992 : vector<16xi32> to vector<16xi32>
      tpu.vector_store %arg12[%swap3A_993], %swap3A_996 {strides = array<i32>} : memref<1008xi32, #tpu.memory_space<vmem>>, vector<16xi32>,
      %add3A_997 = arith.constant 262144 : i32
      %add3A_998 = vector.broadcast %add3A_997 : i32 to vector<16xi32>
      %add3A_999 = arith.addi %add3A_992, %add3A_998 : vector<16xi32>
      %swap3A_1000 = arith.index_cast %mul3A_961 : i32 to index
      %swap3A_1001 = tpu.vector_load %arg16[%swap3A_1000] {strides = array<i32>} : memref<1008xi32, #tpu.memory_space<vmem>>, vector<16xi32>,
      %swap3A_1002 = vector.shape_cast %swap3A_1001 : vector<16xi32> to vector<16xi32>
      %swap3A_1003 = vector.shape_cast %add3A_999 : vector<16xi32> to vector<16xi32>
      tpu.vector_store %arg16[%swap3A_1000], %swap3A_1003 {strides = array<i32>} : memref<1008xi32, #tpu.memory_space<vmem>>, vector<16xi32>,
      %get3A_1004 = arith.index_cast %mul3A_961 : i32 to index
      %get3A_1005 = tpu.vector_load %arg9[%get3A_1004] {strides = array<i32>} : memref<1008xi32, #tpu.memory_space<vmem>>, vector<16xi32>,
      %get3A_1006 = vector.shape_cast %get3A_1005 : vector<16xi32> to vector<16xi32>
      %jit3A_1007 = arith.constant 0 : i32
      %jit3A_1008 = arith.constant 262143 : i32
      %max3A_1009 = vector.broadcast %jit3A_1007 : i32 to vector<16xi32>
      %max3A_1010 = arith.maxsi %max3A_1009, %get3A_1006 : vector<16xi32>
      %min3A_1011 = vector.broadcast %jit3A_1008 : i32 to vector<16xi32>
      %min3A_1012 = arith.minsi %min3A_1011, %max3A_1010 : vector<16xi32>
      %add3A_1013 = vector.broadcast %mul3A_108 : i32 to vector<16xi32>
      %add3A_1014 = arith.addi %min3A_1012, %add3A_1013 : vector<16xi32>
      %swap3A_1015 = arith.index_cast %mul3A_961 : i32 to index
      %swap3A_1016 = tpu.vector_load %arg13[%swap3A_1015] {strides = array<i32>} : memref<1008xi32, #tpu.memory_space<vmem>>, vector<16xi32>,
      %swap3A_1017 = vector.shape_cast %swap3A_1016 : vector<16xi32> to vector<16xi32>
      %swap3A_1018 = vector.shape_cast %add3A_1014 : vector<16xi32> to vector<16xi32>
      tpu.vector_store %arg13[%swap3A_1015], %swap3A_1018 {strides = array<i32>} : memref<1008xi32, #tpu.memory_space<vmem>>, vector<16xi32>,
      %add3A_1019 = arith.constant 262144 : i32
      %add3A_1020 = vector.broadcast %add3A_1019 : i32 to vector<16xi32>
      %add3A_1021 = arith.addi %add3A_1014, %add3A_1020 : vector<16xi32>
      %swap3A_1022 = arith.index_cast %mul3A_961 : i32 to index
      %swap3A_1023 = tpu.vector_load %arg17[%swap3A_1022] {strides = array<i32>} : memref<1008xi32, #tpu.memory_space<vmem>>, vector<16xi32>,
      %swap3A_1024 = vector.shape_cast %swap3A_1023 : vector<16xi32> to vector<16xi32>
      %swap3A_1025 = vector.shape_cast %add3A_1021 : vector<16xi32> to vector<16xi32>
      tpu.vector_store %arg17[%swap3A_1022], %swap3A_1025 {strides = array<i32>} : memref<1008xi32, #tpu.memory_space<vmem>>, vector<16xi32>,
      %get3A_1026 = arith.index_cast %mul3A_961 : i32 to index
      %get3A_1027 = tpu.vector_load %arg10[%get3A_1026] {strides = array<i32>} : memref<1008xi32, #tpu.memory_space<vmem>>, vector<16xi32>,
      %get3A_1028 = vector.shape_cast %get3A_1027 : vector<16xi32> to vector<16xi32>
      %jit3A_1029 = arith.constant 0 : i32
      %jit3A_1030 = arith.constant 262143 : i32
      %max3A_1031 = vector.broadcast %jit3A_1029 : i32 to vector<16xi32>
      %max3A_1032 = arith.maxsi %max3A_1031, %get3A_1028 : vector<16xi32>
      %min3A_1033 = vector.broadcast %jit3A_1030 : i32 to vector<16xi32>
      %min3A_1034 = arith.minsi %min3A_1033, %max3A_1032 : vector<16xi32>
      %add3A_1035 = vector.broadcast %mul3A_108 : i32 to vector<16xi32>
      %add3A_1036 = arith.addi %min3A_1034, %add3A_1035 : vector<16xi32>
      %swap3A_1037 = arith.index_cast %mul3A_961 : i32 to index
      %swap3A_1038 = tpu.vector_load %arg14[%swap3A_1037] {strides = array<i32>} : memref<1008xi32, #tpu.memory_space<vmem>>, vector<16xi32>,
      %swap3A_1039 = vector.shape_cast %swap3A_1038 : vector<16xi32> to vector<16xi32>
      %swap3A_1040 = vector.shape_cast %add3A_1036 : vector<16xi32> to vector<16xi32>
      tpu.vector_store %arg14[%swap3A_1037], %swap3A_1040 {strides = array<i32>} : memref<1008xi32, #tpu.memory_space<vmem>>, vector<16xi32>,
      %add3A_1041 = arith.constant 262144 : i32
      %add3A_1042 = vector.broadcast %add3A_1041 : i32 to vector<16xi32>
      %add3A_1043 = arith.addi %add3A_1036, %add3A_1042 : vector<16xi32>
      %swap3A_1044 = arith.index_cast %mul3A_961 : i32 to index
      %swap3A_1045 = tpu.vector_load %arg18[%swap3A_1044] {strides = array<i32>} : memref<1008xi32, #tpu.memory_space<vmem>>, vector<16xi32>,
      %swap3A_1046 = vector.shape_cast %swap3A_1045 : vector<16xi32> to vector<16xi32>
      %swap3A_1047 = vector.shape_cast %add3A_1043 : vector<16xi32> to vector<16xi32>
      tpu.vector_store %arg18[%swap3A_1044], %swap3A_1047 {strides = array<i32>} : memref<1008xi32, #tpu.memory_space<vmem>>, vector<16xi32>,
      %scan3A_1048 = arith.constant 0 : i32
      scf.yield %scan3A_1048 : i32
    }
    %scan3A_114 = arith.constant 63 : i32
    %dma_start3A_115 = arith.constant 0 : i32
    %dma_start3A_116 = tpu.memref_slice %arg19[%dma_start3A_115] : memref<1008xf32, #tpu.memory_space<vmem>> -> memref<128xf32, #tpu.memory_space<vmem>>
    %dma_start3A_117 = arith.constant 0 : i32
    %dma_start3A_118 = tpu.memref_slice %arg11[%dma_start3A_117] : memref<1008xi32, #tpu.memory_space<vmem>> -> memref<128xi32, #tpu.memory_space<vmem>>
    %dma_start3A_119 = arith.constant 0 : i32
    %dma_start3A_120 = tpu.memref_slice %arg3[%dma_start3A_119] : memref<16777216xf32, #tpu.memory_space<hbm>> -> memref<16777216xf32, #tpu.memory_space<hbm>>
    tpu.enqueue_indirect_dma source(%dma_start3A_120 : memref<16777216xf32, #tpu.memory_space<hbm>>) target(%dma_start3A_116 : memref<128xf32, #tpu.memory_space<vmem>>) offsets(%dma_start3A_118 : memref<128xi32, #tpu.memory_space<vmem>>) semaphore(%arg31 : memref<!tpu.dma_semaphore, #tpu.memory_space<semaphore_mem>>)
    %dma_start3A_121 = arith.constant 0 : i32
    %dma_start3A_122 = tpu.memref_slice %arg20[%dma_start3A_121] : memref<1008xf32, #tpu.memory_space<vmem>> -> memref<128xf32, #tpu.memory_space<vmem>>
    %dma_start3A_123 = arith.constant 0 : i32
    %dma_start3A_124 = tpu.memref_slice %arg12[%dma_start3A_123] : memref<1008xi32, #tpu.memory_space<vmem>> -> memref<128xi32, #tpu.memory_space<vmem>>
    %dma_start3A_125 = arith.constant 0 : i32
    %dma_start3A_126 = tpu.memref_slice %arg3[%dma_start3A_125] : memref<16777216xf32, #tpu.memory_space<hbm>> -> memref<16777216xf32, #tpu.memory_space<hbm>>
    tpu.enqueue_indirect_dma source(%dma_start3A_126 : memref<16777216xf32, #tpu.memory_space<hbm>>) target(%dma_start3A_122 : memref<128xf32, #tpu.memory_space<vmem>>) offsets(%dma_start3A_124 : memref<128xi32, #tpu.memory_space<vmem>>) semaphore(%arg31 : memref<!tpu.dma_semaphore, #tpu.memory_space<semaphore_mem>>)
    %dma_start3A_127 = arith.constant 0 : i32
    %dma_start3A_128 = tpu.memref_slice %arg21[%dma_start3A_127] : memref<1008xf32, #tpu.memory_space<vmem>> -> memref<128xf32, #tpu.memory_space<vmem>>
    %dma_start3A_129 = arith.constant 0 : i32
    %dma_start3A_130 = tpu.memref_slice %arg13[%dma_start3A_129] : memref<1008xi32, #tpu.memory_space<vmem>> -> memref<128xi32, #tpu.memory_space<vmem>>
    %dma_start3A_131 = arith.constant 0 : i32
    %dma_start3A_132 = tpu.memref_slice %arg3[%dma_start3A_131] : memref<16777216xf32, #tpu.memory_space<hbm>> -> memref<16777216xf32, #tpu.memory_space<hbm>>
    tpu.enqueue_indirect_dma source(%dma_start3A_132 : memref<16777216xf32, #tpu.memory_space<hbm>>) target(%dma_start3A_128 : memref<128xf32, #tpu.memory_space<vmem>>) offsets(%dma_start3A_130 : memref<128xi32, #tpu.memory_space<vmem>>) semaphore(%arg31 : memref<!tpu.dma_semaphore, #tpu.memory_space<semaphore_mem>>)
    %dma_start3A_133 = arith.constant 0 : i32
    %dma_start3A_134 = tpu.memref_slice %arg22[%dma_start3A_133] : memref<1008xf32, #tpu.memory_space<vmem>> -> memref<128xf32, #tpu.memory_space<vmem>>
    %dma_start3A_135 = arith.constant 0 : i32
    %dma_start3A_136 = tpu.memref_slice %arg14[%dma_start3A_135] : memref<1008xi32, #tpu.memory_space<vmem>> -> memref<128xi32, #tpu.memory_space<vmem>>
    %dma_start3A_137 = arith.constant 0 : i32
    %dma_start3A_138 = tpu.memref_slice %arg3[%dma_start3A_137] : memref<16777216xf32, #tpu.memory_space<hbm>> -> memref<16777216xf32, #tpu.memory_space<hbm>>
    tpu.enqueue_indirect_dma source(%dma_start3A_138 : memref<16777216xf32, #tpu.memory_space<hbm>>) target(%dma_start3A_134 : memref<128xf32, #tpu.memory_space<vmem>>) offsets(%dma_start3A_136 : memref<128xi32, #tpu.memory_space<vmem>>) semaphore(%arg31 : memref<!tpu.dma_semaphore, #tpu.memory_space<semaphore_mem>>)
    %dma_start3A_139 = arith.constant 0 : i32
    %dma_start3A_140 = tpu.memref_slice %arg23[%dma_start3A_139] : memref<1008xf32, #tpu.memory_space<vmem>> -> memref<128xf32, #tpu.memory_space<vmem>>
    %dma_start3A_141 = arith.constant 0 : i32
    %dma_start3A_142 = tpu.memref_slice %arg15[%dma_start3A_141] : memref<1008xi32, #tpu.memory_space<vmem>> -> memref<128xi32, #tpu.memory_space<vmem>>
    %dma_start3A_143 = arith.constant 0 : i32
    %dma_start3A_144 = tpu.memref_slice %arg3[%dma_start3A_143] : memref<16777216xf32, #tpu.memory_space<hbm>> -> memref<16777216xf32, #tpu.memory_space<hbm>>
    tpu.enqueue_indirect_dma source(%dma_start3A_144 : memref<16777216xf32, #tpu.memory_space<hbm>>) target(%dma_start3A_140 : memref<128xf32, #tpu.memory_space<vmem>>) offsets(%dma_start3A_142 : memref<128xi32, #tpu.memory_space<vmem>>) semaphore(%arg31 : memref<!tpu.dma_semaphore, #tpu.memory_space<semaphore_mem>>)
    %dma_start3A_145 = arith.constant 0 : i32
    %dma_start3A_146 = tpu.memref_slice %arg24[%dma_start3A_145] : memref<1008xf32, #tpu.memory_space<vmem>> -> memref<128xf32, #tpu.memory_space<vmem>>
    %dma_start3A_147 = arith.constant 0 : i32
    %dma_start3A_148 = tpu.memref_slice %arg16[%dma_start3A_147] : memref<1008xi32, #tpu.memory_space<vmem>> -> memref<128xi32, #tpu.memory_space<vmem>>
    %dma_start3A_149 = arith.constant 0 : i32
    %dma_start3A_150 = tpu.memref_slice %arg3[%dma_start3A_149] : memref<16777216xf32, #tpu.memory_space<hbm>> -> memref<16777216xf32, #tpu.memory_space<hbm>>
    tpu.enqueue_indirect_dma source(%dma_start3A_150 : memref<16777216xf32, #tpu.memory_space<hbm>>) target(%dma_start3A_146 : memref<128xf32, #tpu.memory_space<vmem>>) offsets(%dma_start3A_148 : memref<128xi32, #tpu.memory_space<vmem>>) semaphore(%arg31 : memref<!tpu.dma_semaphore, #tpu.memory_space<semaphore_mem>>)
    %dma_start3A_151 = arith.constant 0 : i32
    %dma_start3A_152 = tpu.memref_slice %arg25[%dma_start3A_151] : memref<1008xf32, #tpu.memory_space<vmem>> -> memref<128xf32, #tpu.memory_space<vmem>>
    %dma_start3A_153 = arith.constant 0 : i32
    %dma_start3A_154 = tpu.memref_slice %arg17[%dma_start3A_153] : memref<1008xi32, #tpu.memory_space<vmem>> -> memref<128xi32, #tpu.memory_space<vmem>>
    %dma_start3A_155 = arith.constant 0 : i32
    %dma_start3A_156 = tpu.memref_slice %arg3[%dma_start3A_155] : memref<16777216xf32, #tpu.memory_space<hbm>> -> memref<16777216xf32, #tpu.memory_space<hbm>>
    tpu.enqueue_indirect_dma source(%dma_start3A_156 : memref<16777216xf32, #tpu.memory_space<hbm>>) target(%dma_start3A_152 : memref<128xf32, #tpu.memory_space<vmem>>) offsets(%dma_start3A_154 : memref<128xi32, #tpu.memory_space<vmem>>) semaphore(%arg31 : memref<!tpu.dma_semaphore, #tpu.memory_space<semaphore_mem>>)
    %dma_start3A_157 = arith.constant 0 : i32
    %dma_start3A_158 = tpu.memref_slice %arg26[%dma_start3A_157] : memref<1008xf32, #tpu.memory_space<vmem>> -> memref<128xf32, #tpu.memory_space<vmem>>
    %dma_start3A_159 = arith.constant 0 : i32
    %dma_start3A_160 = tpu.memref_slice %arg18[%dma_start3A_159] : memref<1008xi32, #tpu.memory_space<vmem>> -> memref<128xi32, #tpu.memory_space<vmem>>
    %dma_start3A_161 = arith.constant 0 : i32
    %dma_start3A_162 = tpu.memref_slice %arg3[%dma_start3A_161] : memref<16777216xf32, #tpu.memory_space<hbm>> -> memref<16777216xf32, #tpu.memory_space<hbm>>
    tpu.enqueue_indirect_dma source(%dma_start3A_162 : memref<16777216xf32, #tpu.memory_space<hbm>>) target(%dma_start3A_158 : memref<128xf32, #tpu.memory_space<vmem>>) offsets(%dma_start3A_160 : memref<128xi32, #tpu.memory_space<vmem>>) semaphore(%arg31 : memref<!tpu.dma_semaphore, #tpu.memory_space<semaphore_mem>>)
    %dma_start3A_163 = arith.constant 128 : i32
    %dma_start3A_164 = tpu.memref_slice %arg19[%dma_start3A_163] : memref<1008xf32, #tpu.memory_space<vmem>> -> memref<128xf32, #tpu.memory_space<vmem>>
    %dma_start3A_165 = arith.constant 128 : i32
    %dma_start3A_166 = tpu.memref_slice %arg11[%dma_start3A_165] : memref<1008xi32, #tpu.memory_space<vmem>> -> memref<128xi32, #tpu.memory_space<vmem>>
    %dma_start3A_167 = arith.constant 0 : i32
    %dma_start3A_168 = tpu.memref_slice %arg3[%dma_start3A_167] : memref<16777216xf32, #tpu.memory_space<hbm>> -> memref<16777216xf32, #tpu.memory_space<hbm>>
    tpu.enqueue_indirect_dma source(%dma_start3A_168 : memref<16777216xf32, #tpu.memory_space<hbm>>) target(%dma_start3A_164 : memref<128xf32, #tpu.memory_space<vmem>>) offsets(%dma_start3A_166 : memref<128xi32, #tpu.memory_space<vmem>>) semaphore(%arg31 : memref<!tpu.dma_semaphore, #tpu.memory_space<semaphore_mem>>)
    %dma_start3A_169 = arith.constant 128 : i32
    %dma_start3A_170 = tpu.memref_slice %arg20[%dma_start3A_169] : memref<1008xf32, #tpu.memory_space<vmem>> -> memref<128xf32, #tpu.memory_space<vmem>>
    %dma_start3A_171 = arith.constant 128 : i32
    %dma_start3A_172 = tpu.memref_slice %arg12[%dma_start3A_171] : memref<1008xi32, #tpu.memory_space<vmem>> -> memref<128xi32, #tpu.memory_space<vmem>>
    %dma_start3A_173 = arith.constant 0 : i32
    %dma_start3A_174 = tpu.memref_slice %arg3[%dma_start3A_173] : memref<16777216xf32, #tpu.memory_space<hbm>> -> memref<16777216xf32, #tpu.memory_space<hbm>>
    tpu.enqueue_indirect_dma source(%dma_start3A_174 : memref<16777216xf32, #tpu.memory_space<hbm>>) target(%dma_start3A_170 : memref<128xf32, #tpu.memory_space<vmem>>) offsets(%dma_start3A_172 : memref<128xi32, #tpu.memory_space<vmem>>) semaphore(%arg31 : memref<!tpu.dma_semaphore, #tpu.memory_space<semaphore_mem>>)
    %dma_start3A_175 = arith.constant 128 : i32
    %dma_start3A_176 = tpu.memref_slice %arg21[%dma_start3A_175] : memref<1008xf32, #tpu.memory_space<vmem>> -> memref<128xf32, #tpu.memory_space<vmem>>
    %dma_start3A_177 = arith.constant 128 : i32
    %dma_start3A_178 = tpu.memref_slice %arg13[%dma_start3A_177] : memref<1008xi32, #tpu.memory_space<vmem>> -> memref<128xi32, #tpu.memory_space<vmem>>
    %dma_start3A_179 = arith.constant 0 : i32
    %dma_start3A_180 = tpu.memref_slice %arg3[%dma_start3A_179] : memref<16777216xf32, #tpu.memory_space<hbm>> -> memref<16777216xf32, #tpu.memory_space<hbm>>
    tpu.enqueue_indirect_dma source(%dma_start3A_180 : memref<16777216xf32, #tpu.memory_space<hbm>>) target(%dma_start3A_176 : memref<128xf32, #tpu.memory_space<vmem>>) offsets(%dma_start3A_178 : memref<128xi32, #tpu.memory_space<vmem>>) semaphore(%arg31 : memref<!tpu.dma_semaphore, #tpu.memory_space<semaphore_mem>>)
    %dma_start3A_181 = arith.constant 128 : i32
    %dma_start3A_182 = tpu.memref_slice %arg22[%dma_start3A_181] : memref<1008xf32, #tpu.memory_space<vmem>> -> memref<128xf32, #tpu.memory_space<vmem>>
    %dma_start3A_183 = arith.constant 128 : i32
    %dma_start3A_184 = tpu.memref_slice %arg14[%dma_start3A_183] : memref<1008xi32, #tpu.memory_space<vmem>> -> memref<128xi32, #tpu.memory_space<vmem>>
    %dma_start3A_185 = arith.constant 0 : i32
    %dma_start3A_186 = tpu.memref_slice %arg3[%dma_start3A_185] : memref<16777216xf32, #tpu.memory_space<hbm>> -> memref<16777216xf32, #tpu.memory_space<hbm>>
    tpu.enqueue_indirect_dma source(%dma_start3A_186 : memref<16777216xf32, #tpu.memory_space<hbm>>) target(%dma_start3A_182 : memref<128xf32, #tpu.memory_space<vmem>>) offsets(%dma_start3A_184 : memref<128xi32, #tpu.memory_space<vmem>>) semaphore(%arg31 : memref<!tpu.dma_semaphore, #tpu.memory_space<semaphore_mem>>)
    %dma_start3A_187 = arith.constant 128 : i32
    %dma_start3A_188 = tpu.memref_slice %arg23[%dma_start3A_187] : memref<1008xf32, #tpu.memory_space<vmem>> -> memref<128xf32, #tpu.memory_space<vmem>>
    %dma_start3A_189 = arith.constant 128 : i32
    %dma_start3A_190 = tpu.memref_slice %arg15[%dma_start3A_189] : memref<1008xi32, #tpu.memory_space<vmem>> -> memref<128xi32, #tpu.memory_space<vmem>>
    %dma_start3A_191 = arith.constant 0 : i32
    %dma_start3A_192 = tpu.memref_slice %arg3[%dma_start3A_191] : memref<16777216xf32, #tpu.memory_space<hbm>> -> memref<16777216xf32, #tpu.memory_space<hbm>>
    tpu.enqueue_indirect_dma source(%dma_start3A_192 : memref<16777216xf32, #tpu.memory_space<hbm>>) target(%dma_start3A_188 : memref<128xf32, #tpu.memory_space<vmem>>) offsets(%dma_start3A_190 : memref<128xi32, #tpu.memory_space<vmem>>) semaphore(%arg31 : memref<!tpu.dma_semaphore, #tpu.memory_space<semaphore_mem>>)
    %dma_start3A_193 = arith.constant 128 : i32
    %dma_start3A_194 = tpu.memref_slice %arg24[%dma_start3A_193] : memref<1008xf32, #tpu.memory_space<vmem>> -> memref<128xf32, #tpu.memory_space<vmem>>
    %dma_start3A_195 = arith.constant 128 : i32
    %dma_start3A_196 = tpu.memref_slice %arg16[%dma_start3A_195] : memref<1008xi32, #tpu.memory_space<vmem>> -> memref<128xi32, #tpu.memory_space<vmem>>
    %dma_start3A_197 = arith.constant 0 : i32
    %dma_start3A_198 = tpu.memref_slice %arg3[%dma_start3A_197] : memref<16777216xf32, #tpu.memory_space<hbm>> -> memref<16777216xf32, #tpu.memory_space<hbm>>
    tpu.enqueue_indirect_dma source(%dma_start3A_198 : memref<16777216xf32, #tpu.memory_space<hbm>>) target(%dma_start3A_194 : memref<128xf32, #tpu.memory_space<vmem>>) offsets(%dma_start3A_196 : memref<128xi32, #tpu.memory_space<vmem>>) semaphore(%arg31 : memref<!tpu.dma_semaphore, #tpu.memory_space<semaphore_mem>>)
    %dma_start3A_199 = arith.constant 128 : i32
    %dma_start3A_200 = tpu.memref_slice %arg25[%dma_start3A_199] : memref<1008xf32, #tpu.memory_space<vmem>> -> memref<128xf32, #tpu.memory_space<vmem>>
    %dma_start3A_201 = arith.constant 128 : i32
    %dma_start3A_202 = tpu.memref_slice %arg17[%dma_start3A_201] : memref<1008xi32, #tpu.memory_space<vmem>> -> memref<128xi32, #tpu.memory_space<vmem>>
    %dma_start3A_203 = arith.constant 0 : i32
    %dma_start3A_204 = tpu.memref_slice %arg3[%dma_start3A_203] : memref<16777216xf32, #tpu.memory_space<hbm>> -> memref<16777216xf32, #tpu.memory_space<hbm>>
    tpu.enqueue_indirect_dma source(%dma_start3A_204 : memref<16777216xf32, #tpu.memory_space<hbm>>) target(%dma_start3A_200 : memref<128xf32, #tpu.memory_space<vmem>>) offsets(%dma_start3A_202 : memref<128xi32, #tpu.memory_space<vmem>>) semaphore(%arg31 : memref<!tpu.dma_semaphore, #tpu.memory_space<semaphore_mem>>)
    %dma_start3A_205 = arith.constant 128 : i32
    %dma_start3A_206 = tpu.memref_slice %arg26[%dma_start3A_205] : memref<1008xf32, #tpu.memory_space<vmem>> -> memref<128xf32, #tpu.memory_space<vmem>>
    %dma_start3A_207 = arith.constant 128 : i32
    %dma_start3A_208 = tpu.memref_slice %arg18[%dma_start3A_207] : memref<1008xi32, #tpu.memory_space<vmem>> -> memref<128xi32, #tpu.memory_space<vmem>>
    %dma_start3A_209 = arith.constant 0 : i32
    %dma_start3A_210 = tpu.memref_slice %arg3[%dma_start3A_209] : memref<16777216xf32, #tpu.memory_space<hbm>> -> memref<16777216xf32, #tpu.memory_space<hbm>>
    tpu.enqueue_indirect_dma source(%dma_start3A_210 : memref<16777216xf32, #tpu.memory_space<hbm>>) target(%dma_start3A_206 : memref<128xf32, #tpu.memory_space<vmem>>) offsets(%dma_start3A_208 : memref<128xi32, #tpu.memory_space<vmem>>) semaphore(%arg31 : memref<!tpu.dma_semaphore, #tpu.memory_space<semaphore_mem>>)
    %dma_start3A_211 = arith.constant 256 : i32
    %dma_start3A_212 = tpu.memref_slice %arg19[%dma_start3A_211] : memref<1008xf32, #tpu.memory_space<vmem>> -> memref<128xf32, #tpu.memory_space<vmem>>
    %dma_start3A_213 = arith.constant 256 : i32
    %dma_start3A_214 = tpu.memref_slice %arg11[%dma_start3A_213] : memref<1008xi32, #tpu.memory_space<vmem>> -> memref<128xi32, #tpu.memory_space<vmem>>
    %dma_start3A_215 = arith.constant 0 : i32
    %dma_start3A_216 = tpu.memref_slice %arg3[%dma_start3A_215] : memref<16777216xf32, #tpu.memory_space<hbm>> -> memref<16777216xf32, #tpu.memory_space<hbm>>
    tpu.enqueue_indirect_dma source(%dma_start3A_216 : memref<16777216xf32, #tpu.memory_space<hbm>>) target(%dma_start3A_212 : memref<128xf32, #tpu.memory_space<vmem>>) offsets(%dma_start3A_214 : memref<128xi32, #tpu.memory_space<vmem>>) semaphore(%arg31 : memref<!tpu.dma_semaphore, #tpu.memory_space<semaphore_mem>>)
    %dma_start3A_217 = arith.constant 256 : i32
    %dma_start3A_218 = tpu.memref_slice %arg20[%dma_start3A_217] : memref<1008xf32, #tpu.memory_space<vmem>> -> memref<128xf32, #tpu.memory_space<vmem>>
    %dma_start3A_219 = arith.constant 256 : i32
    %dma_start3A_220 = tpu.memref_slice %arg12[%dma_start3A_219] : memref<1008xi32, #tpu.memory_space<vmem>> -> memref<128xi32, #tpu.memory_space<vmem>>
    %dma_start3A_221 = arith.constant 0 : i32
    %dma_start3A_222 = tpu.memref_slice %arg3[%dma_start3A_221] : memref<16777216xf32, #tpu.memory_space<hbm>> -> memref<16777216xf32, #tpu.memory_space<hbm>>
    tpu.enqueue_indirect_dma source(%dma_start3A_222 : memref<16777216xf32, #tpu.memory_space<hbm>>) target(%dma_start3A_218 : memref<128xf32, #tpu.memory_space<vmem>>) offsets(%dma_start3A_220 : memref<128xi32, #tpu.memory_space<vmem>>) semaphore(%arg31 : memref<!tpu.dma_semaphore, #tpu.memory_space<semaphore_mem>>)
    %dma_start3A_223 = arith.constant 256 : i32
    %dma_start3A_224 = tpu.memref_slice %arg21[%dma_start3A_223] : memref<1008xf32, #tpu.memory_space<vmem>> -> memref<128xf32, #tpu.memory_space<vmem>>
    %dma_start3A_225 = arith.constant 256 : i32
    %dma_start3A_226 = tpu.memref_slice %arg13[%dma_start3A_225] : memref<1008xi32, #tpu.memory_space<vmem>> -> memref<128xi32, #tpu.memory_space<vmem>>
    %dma_start3A_227 = arith.constant 0 : i32
    %dma_start3A_228 = tpu.memref_slice %arg3[%dma_start3A_227] : memref<16777216xf32, #tpu.memory_space<hbm>> -> memref<16777216xf32, #tpu.memory_space<hbm>>
    tpu.enqueue_indirect_dma source(%dma_start3A_228 : memref<16777216xf32, #tpu.memory_space<hbm>>) target(%dma_start3A_224 : memref<128xf32, #tpu.memory_space<vmem>>) offsets(%dma_start3A_226 : memref<128xi32, #tpu.memory_space<vmem>>) semaphore(%arg31 : memref<!tpu.dma_semaphore, #tpu.memory_space<semaphore_mem>>)
    %dma_start3A_229 = arith.constant 256 : i32
    %dma_start3A_230 = tpu.memref_slice %arg22[%dma_start3A_229] : memref<1008xf32, #tpu.memory_space<vmem>> -> memref<128xf32, #tpu.memory_space<vmem>>
    %dma_start3A_231 = arith.constant 256 : i32
    %dma_start3A_232 = tpu.memref_slice %arg14[%dma_start3A_231] : memref<1008xi32, #tpu.memory_space<vmem>> -> memref<128xi32, #tpu.memory_space<vmem>>
    %dma_start3A_233 = arith.constant 0 : i32
    %dma_start3A_234 = tpu.memref_slice %arg3[%dma_start3A_233] : memref<16777216xf32, #tpu.memory_space<hbm>> -> memref<16777216xf32, #tpu.memory_space<hbm>>
    tpu.enqueue_indirect_dma source(%dma_start3A_234 : memref<16777216xf32, #tpu.memory_space<hbm>>) target(%dma_start3A_230 : memref<128xf32, #tpu.memory_space<vmem>>) offsets(%dma_start3A_232 : memref<128xi32, #tpu.memory_space<vmem>>) semaphore(%arg31 : memref<!tpu.dma_semaphore, #tpu.memory_space<semaphore_mem>>)
    %dma_start3A_235 = arith.constant 256 : i32
    %dma_start3A_236 = tpu.memref_slice %arg23[%dma_start3A_235] : memref<1008xf32, #tpu.memory_space<vmem>> -> memref<128xf32, #tpu.memory_space<vmem>>
    %dma_start3A_237 = arith.constant 256 : i32
    %dma_start3A_238 = tpu.memref_slice %arg15[%dma_start3A_237] : memref<1008xi32, #tpu.memory_space<vmem>> -> memref<128xi32, #tpu.memory_space<vmem>>
    %dma_start3A_239 = arith.constant 0 : i32
    %dma_start3A_240 = tpu.memref_slice %arg3[%dma_start3A_239] : memref<16777216xf32, #tpu.memory_space<hbm>> -> memref<16777216xf32, #tpu.memory_space<hbm>>
    tpu.enqueue_indirect_dma source(%dma_start3A_240 : memref<16777216xf32, #tpu.memory_space<hbm>>) target(%dma_start3A_236 : memref<128xf32, #tpu.memory_space<vmem>>) offsets(%dma_start3A_238 : memref<128xi32, #tpu.memory_space<vmem>>) semaphore(%arg31 : memref<!tpu.dma_semaphore, #tpu.memory_space<semaphore_mem>>)
    %dma_start3A_241 = arith.constant 256 : i32
    %dma_start3A_242 = tpu.memref_slice %arg24[%dma_start3A_241] : memref<1008xf32, #tpu.memory_space<vmem>> -> memref<128xf32, #tpu.memory_space<vmem>>
    %dma_start3A_243 = arith.constant 256 : i32
    %dma_start3A_244 = tpu.memref_slice %arg16[%dma_start3A_243] : memref<1008xi32, #tpu.memory_space<vmem>> -> memref<128xi32, #tpu.memory_space<vmem>>
    %dma_start3A_245 = arith.constant 0 : i32
    %dma_start3A_246 = tpu.memref_slice %arg3[%dma_start3A_245] : memref<16777216xf32, #tpu.memory_space<hbm>> -> memref<16777216xf32, #tpu.memory_space<hbm>>
    tpu.enqueue_indirect_dma source(%dma_start3A_246 : memref<16777216xf32, #tpu.memory_space<hbm>>) target(%dma_start3A_242 : memref<128xf32, #tpu.memory_space<vmem>>) offsets(%dma_start3A_244 : memref<128xi32, #tpu.memory_space<vmem>>) semaphore(%arg31 : memref<!tpu.dma_semaphore, #tpu.memory_space<semaphore_mem>>)
    %dma_start3A_247 = arith.constant 256 : i32
    %dma_start3A_248 = tpu.memref_slice %arg25[%dma_start3A_247] : memref<1008xf32, #tpu.memory_space<vmem>> -> memref<128xf32, #tpu.memory_space<vmem>>
    %dma_start3A_249 = arith.constant 256 : i32
    %dma_start3A_250 = tpu.memref_slice %arg17[%dma_start3A_249] : memref<1008xi32, #tpu.memory_space<vmem>> -> memref<128xi32, #tpu.memory_space<vmem>>
    %dma_start3A_251 = arith.constant 0 : i32
    %dma_start3A_252 = tpu.memref_slice %arg3[%dma_start3A_251] : memref<16777216xf32, #tpu.memory_space<hbm>> -> memref<16777216xf32, #tpu.memory_space<hbm>>
    tpu.enqueue_indirect_dma source(%dma_start3A_252 : memref<16777216xf32, #tpu.memory_space<hbm>>) target(%dma_start3A_248 : memref<128xf32, #tpu.memory_space<vmem>>) offsets(%dma_start3A_250 : memref<128xi32, #tpu.memory_space<vmem>>) semaphore(%arg31 : memref<!tpu.dma_semaphore, #tpu.memory_space<semaphore_mem>>)
    %dma_start3A_253 = arith.constant 256 : i32
    %dma_start3A_254 = tpu.memref_slice %arg26[%dma_start3A_253] : memref<1008xf32, #tpu.memory_space<vmem>> -> memref<128xf32, #tpu.memory_space<vmem>>
    %dma_start3A_255 = arith.constant 256 : i32
    %dma_start3A_256 = tpu.memref_slice %arg18[%dma_start3A_255] : memref<1008xi32, #tpu.memory_space<vmem>> -> memref<128xi32, #tpu.memory_space<vmem>>
    %dma_start3A_257 = arith.constant 0 : i32
    %dma_start3A_258 = tpu.memref_slice %arg3[%dma_start3A_257] : memref<16777216xf32, #tpu.memory_space<hbm>> -> memref<16777216xf32, #tpu.memory_space<hbm>>
    tpu.enqueue_indirect_dma source(%dma_start3A_258 : memref<16777216xf32, #tpu.memory_space<hbm>>) target(%dma_start3A_254 : memref<128xf32, #tpu.memory_space<vmem>>) offsets(%dma_start3A_256 : memref<128xi32, #tpu.memory_space<vmem>>) semaphore(%arg31 : memref<!tpu.dma_semaphore, #tpu.memory_space<semaphore_mem>>)
    %dma_start3A_259 = arith.constant 384 : i32
    %dma_start3A_260 = tpu.memref_slice %arg19[%dma_start3A_259] : memref<1008xf32, #tpu.memory_space<vmem>> -> memref<128xf32, #tpu.memory_space<vmem>>
    %dma_start3A_261 = arith.constant 384 : i32
    %dma_start3A_262 = tpu.memref_slice %arg11[%dma_start3A_261] : memref<1008xi32, #tpu.memory_space<vmem>> -> memref<128xi32, #tpu.memory_space<vmem>>
    %dma_start3A_263 = arith.constant 0 : i32
    %dma_start3A_264 = tpu.memref_slice %arg3[%dma_start3A_263] : memref<16777216xf32, #tpu.memory_space<hbm>> -> memref<16777216xf32, #tpu.memory_space<hbm>>
    tpu.enqueue_indirect_dma source(%dma_start3A_264 : memref<16777216xf32, #tpu.memory_space<hbm>>) target(%dma_start3A_260 : memref<128xf32, #tpu.memory_space<vmem>>) offsets(%dma_start3A_262 : memref<128xi32, #tpu.memory_space<vmem>>) semaphore(%arg31 : memref<!tpu.dma_semaphore, #tpu.memory_space<semaphore_mem>>)
    %dma_start3A_265 = arith.constant 384 : i32
    %dma_start3A_266 = tpu.memref_slice %arg20[%dma_start3A_265] : memref<1008xf32, #tpu.memory_space<vmem>> -> memref<128xf32, #tpu.memory_space<vmem>>
    %dma_start3A_267 = arith.constant 384 : i32
    %dma_start3A_268 = tpu.memref_slice %arg12[%dma_start3A_267] : memref<1008xi32, #tpu.memory_space<vmem>> -> memref<128xi32, #tpu.memory_space<vmem>>
    %dma_start3A_269 = arith.constant 0 : i32
    %dma_start3A_270 = tpu.memref_slice %arg3[%dma_start3A_269] : memref<16777216xf32, #tpu.memory_space<hbm>> -> memref<16777216xf32, #tpu.memory_space<hbm>>
    tpu.enqueue_indirect_dma source(%dma_start3A_270 : memref<16777216xf32, #tpu.memory_space<hbm>>) target(%dma_start3A_266 : memref<128xf32, #tpu.memory_space<vmem>>) offsets(%dma_start3A_268 : memref<128xi32, #tpu.memory_space<vmem>>) semaphore(%arg31 : memref<!tpu.dma_semaphore, #tpu.memory_space<semaphore_mem>>)
    %dma_start3A_271 = arith.constant 384 : i32
    %dma_start3A_272 = tpu.memref_slice %arg21[%dma_start3A_271] : memref<1008xf32, #tpu.memory_space<vmem>> -> memref<128xf32, #tpu.memory_space<vmem>>
    %dma_start3A_273 = arith.constant 384 : i32
    %dma_start3A_274 = tpu.memref_slice %arg13[%dma_start3A_273] : memref<1008xi32, #tpu.memory_space<vmem>> -> memref<128xi32, #tpu.memory_space<vmem>>
    %dma_start3A_275 = arith.constant 0 : i32
    %dma_start3A_276 = tpu.memref_slice %arg3[%dma_start3A_275] : memref<16777216xf32, #tpu.memory_space<hbm>> -> memref<16777216xf32, #tpu.memory_space<hbm>>
    tpu.enqueue_indirect_dma source(%dma_start3A_276 : memref<16777216xf32, #tpu.memory_space<hbm>>) target(%dma_start3A_272 : memref<128xf32, #tpu.memory_space<vmem>>) offsets(%dma_start3A_274 : memref<128xi32, #tpu.memory_space<vmem>>) semaphore(%arg31 : memref<!tpu.dma_semaphore, #tpu.memory_space<semaphore_mem>>)
    %dma_start3A_277 = arith.constant 384 : i32
    %dma_start3A_278 = tpu.memref_slice %arg22[%dma_start3A_277] : memref<1008xf32, #tpu.memory_space<vmem>> -> memref<128xf32, #tpu.memory_space<vmem>>
    %dma_start3A_279 = arith.constant 384 : i32
    %dma_start3A_280 = tpu.memref_slice %arg14[%dma_start3A_279] : memref<1008xi32, #tpu.memory_space<vmem>> -> memref<128xi32, #tpu.memory_space<vmem>>
    %dma_start3A_281 = arith.constant 0 : i32
    %dma_start3A_282 = tpu.memref_slice %arg3[%dma_start3A_281] : memref<16777216xf32, #tpu.memory_space<hbm>> -> memref<16777216xf32, #tpu.memory_space<hbm>>
    tpu.enqueue_indirect_dma source(%dma_start3A_282 : memref<16777216xf32, #tpu.memory_space<hbm>>) target(%dma_start3A_278 : memref<128xf32, #tpu.memory_space<vmem>>) offsets(%dma_start3A_280 : memref<128xi32, #tpu.memory_space<vmem>>) semaphore(%arg31 : memref<!tpu.dma_semaphore, #tpu.memory_space<semaphore_mem>>)
    %dma_start3A_283 = arith.constant 384 : i32
    %dma_start3A_284 = tpu.memref_slice %arg23[%dma_start3A_283] : memref<1008xf32, #tpu.memory_space<vmem>> -> memref<128xf32, #tpu.memory_space<vmem>>
    %dma_start3A_285 = arith.constant 384 : i32
    %dma_start3A_286 = tpu.memref_slice %arg15[%dma_start3A_285] : memref<1008xi32, #tpu.memory_space<vmem>> -> memref<128xi32, #tpu.memory_space<vmem>>
    %dma_start3A_287 = arith.constant 0 : i32
    %dma_start3A_288 = tpu.memref_slice %arg3[%dma_start3A_287] : memref<16777216xf32, #tpu.memory_space<hbm>> -> memref<16777216xf32, #tpu.memory_space<hbm>>
    tpu.enqueue_indirect_dma source(%dma_start3A_288 : memref<16777216xf32, #tpu.memory_space<hbm>>) target(%dma_start3A_284 : memref<128xf32, #tpu.memory_space<vmem>>) offsets(%dma_start3A_286 : memref<128xi32, #tpu.memory_space<vmem>>) semaphore(%arg31 : memref<!tpu.dma_semaphore, #tpu.memory_space<semaphore_mem>>)
    %dma_start3A_289 = arith.constant 384 : i32
    %dma_start3A_290 = tpu.memref_slice %arg24[%dma_start3A_289] : memref<1008xf32, #tpu.memory_space<vmem>> -> memref<128xf32, #tpu.memory_space<vmem>>
    %dma_start3A_291 = arith.constant 384 : i32
    %dma_start3A_292 = tpu.memref_slice %arg16[%dma_start3A_291] : memref<1008xi32, #tpu.memory_space<vmem>> -> memref<128xi32, #tpu.memory_space<vmem>>
    %dma_start3A_293 = arith.constant 0 : i32
    %dma_start3A_294 = tpu.memref_slice %arg3[%dma_start3A_293] : memref<16777216xf32, #tpu.memory_space<hbm>> -> memref<16777216xf32, #tpu.memory_space<hbm>>
    tpu.enqueue_indirect_dma source(%dma_start3A_294 : memref<16777216xf32, #tpu.memory_space<hbm>>) target(%dma_start3A_290 : memref<128xf32, #tpu.memory_space<vmem>>) offsets(%dma_start3A_292 : memref<128xi32, #tpu.memory_space<vmem>>) semaphore(%arg31 : memref<!tpu.dma_semaphore, #tpu.memory_space<semaphore_mem>>)
    %dma_start3A_295 = arith.constant 384 : i32
    %dma_start3A_296 = tpu.memref_slice %arg25[%dma_start3A_295] : memref<1008xf32, #tpu.memory_space<vmem>> -> memref<128xf32, #tpu.memory_space<vmem>>
    %dma_start3A_297 = arith.constant 384 : i32
    %dma_start3A_298 = tpu.memref_slice %arg17[%dma_start3A_297] : memref<1008xi32, #tpu.memory_space<vmem>> -> memref<128xi32, #tpu.memory_space<vmem>>
    %dma_start3A_299 = arith.constant 0 : i32
    %dma_start3A_300 = tpu.memref_slice %arg3[%dma_start3A_299] : memref<16777216xf32, #tpu.memory_space<hbm>> -> memref<16777216xf32, #tpu.memory_space<hbm>>
    tpu.enqueue_indirect_dma source(%dma_start3A_300 : memref<16777216xf32, #tpu.memory_space<hbm>>) target(%dma_start3A_296 : memref<128xf32, #tpu.memory_space<vmem>>) offsets(%dma_start3A_298 : memref<128xi32, #tpu.memory_space<vmem>>) semaphore(%arg31 : memref<!tpu.dma_semaphore, #tpu.memory_space<semaphore_mem>>)
    %dma_start3A_301 = arith.constant 384 : i32
    %dma_start3A_302 = tpu.memref_slice %arg26[%dma_start3A_301] : memref<1008xf32, #tpu.memory_space<vmem>> -> memref<128xf32, #tpu.memory_space<vmem>>
    %dma_start3A_303 = arith.constant 384 : i32
    %dma_start3A_304 = tpu.memref_slice %arg18[%dma_start3A_303] : memref<1008xi32, #tpu.memory_space<vmem>> -> memref<128xi32, #tpu.memory_space<vmem>>
    %dma_start3A_305 = arith.constant 0 : i32
    %dma_start3A_306 = tpu.memref_slice %arg3[%dma_start3A_305] : memref<16777216xf32, #tpu.memory_space<hbm>> -> memref<16777216xf32, #tpu.memory_space<hbm>>
    tpu.enqueue_indirect_dma source(%dma_start3A_306 : memref<16777216xf32, #tpu.memory_space<hbm>>) target(%dma_start3A_302 : memref<128xf32, #tpu.memory_space<vmem>>) offsets(%dma_start3A_304 : memref<128xi32, #tpu.memory_space<vmem>>) semaphore(%arg31 : memref<!tpu.dma_semaphore, #tpu.memory_space<semaphore_mem>>)
    %dma_start3A_307 = arith.constant 512 : i32
    %dma_start3A_308 = tpu.memref_slice %arg19[%dma_start3A_307] : memref<1008xf32, #tpu.memory_space<vmem>> -> memref<128xf32, #tpu.memory_space<vmem>>
    %dma_start3A_309 = arith.constant 512 : i32
    %dma_start3A_310 = tpu.memref_slice %arg11[%dma_start3A_309] : memref<1008xi32, #tpu.memory_space<vmem>> -> memref<128xi32, #tpu.memory_space<vmem>>
    %dma_start3A_311 = arith.constant 0 : i32
    %dma_start3A_312 = tpu.memref_slice %arg3[%dma_start3A_311] : memref<16777216xf32, #tpu.memory_space<hbm>> -> memref<16777216xf32, #tpu.memory_space<hbm>>
    tpu.enqueue_indirect_dma source(%dma_start3A_312 : memref<16777216xf32, #tpu.memory_space<hbm>>) target(%dma_start3A_308 : memref<128xf32, #tpu.memory_space<vmem>>) offsets(%dma_start3A_310 : memref<128xi32, #tpu.memory_space<vmem>>) semaphore(%arg31 : memref<!tpu.dma_semaphore, #tpu.memory_space<semaphore_mem>>)
    %dma_start3A_313 = arith.constant 512 : i32
    %dma_start3A_314 = tpu.memref_slice %arg20[%dma_start3A_313] : memref<1008xf32, #tpu.memory_space<vmem>> -> memref<128xf32, #tpu.memory_space<vmem>>
    %dma_start3A_315 = arith.constant 512 : i32
    %dma_start3A_316 = tpu.memref_slice %arg12[%dma_start3A_315] : memref<1008xi32, #tpu.memory_space<vmem>> -> memref<128xi32, #tpu.memory_space<vmem>>
    %dma_start3A_317 = arith.constant 0 : i32
    %dma_start3A_318 = tpu.memref_slice %arg3[%dma_start3A_317] : memref<16777216xf32, #tpu.memory_space<hbm>> -> memref<16777216xf32, #tpu.memory_space<hbm>>
    tpu.enqueue_indirect_dma source(%dma_start3A_318 : memref<16777216xf32, #tpu.memory_space<hbm>>) target(%dma_start3A_314 : memref<128xf32, #tpu.memory_space<vmem>>) offsets(%dma_start3A_316 : memref<128xi32, #tpu.memory_space<vmem>>) semaphore(%arg31 : memref<!tpu.dma_semaphore, #tpu.memory_space<semaphore_mem>>)
    %dma_start3A_319 = arith.constant 512 : i32
    %dma_start3A_320 = tpu.memref_slice %arg21[%dma_start3A_319] : memref<1008xf32, #tpu.memory_space<vmem>> -> memref<128xf32, #tpu.memory_space<vmem>>
    %dma_start3A_321 = arith.constant 512 : i32
    %dma_start3A_322 = tpu.memref_slice %arg13[%dma_start3A_321] : memref<1008xi32, #tpu.memory_space<vmem>> -> memref<128xi32, #tpu.memory_space<vmem>>
    %dma_start3A_323 = arith.constant 0 : i32
    %dma_start3A_324 = tpu.memref_slice %arg3[%dma_start3A_323] : memref<16777216xf32, #tpu.memory_space<hbm>> -> memref<16777216xf32, #tpu.memory_space<hbm>>
    tpu.enqueue_indirect_dma source(%dma_start3A_324 : memref<16777216xf32, #tpu.memory_space<hbm>>) target(%dma_start3A_320 : memref<128xf32, #tpu.memory_space<vmem>>) offsets(%dma_start3A_322 : memref<128xi32, #tpu.memory_space<vmem>>) semaphore(%arg31 : memref<!tpu.dma_semaphore, #tpu.memory_space<semaphore_mem>>)
    %dma_start3A_325 = arith.constant 512 : i32
    %dma_start3A_326 = tpu.memref_slice %arg22[%dma_start3A_325] : memref<1008xf32, #tpu.memory_space<vmem>> -> memref<128xf32, #tpu.memory_space<vmem>>
    %dma_start3A_327 = arith.constant 512 : i32
    %dma_start3A_328 = tpu.memref_slice %arg14[%dma_start3A_327] : memref<1008xi32, #tpu.memory_space<vmem>> -> memref<128xi32, #tpu.memory_space<vmem>>
    %dma_start3A_329 = arith.constant 0 : i32
    %dma_start3A_330 = tpu.memref_slice %arg3[%dma_start3A_329] : memref<16777216xf32, #tpu.memory_space<hbm>> -> memref<16777216xf32, #tpu.memory_space<hbm>>
    tpu.enqueue_indirect_dma source(%dma_start3A_330 : memref<16777216xf32, #tpu.memory_space<hbm>>) target(%dma_start3A_326 : memref<128xf32, #tpu.memory_space<vmem>>) offsets(%dma_start3A_328 : memref<128xi32, #tpu.memory_space<vmem>>) semaphore(%arg31 : memref<!tpu.dma_semaphore, #tpu.memory_space<semaphore_mem>>)
    %dma_start3A_331 = arith.constant 512 : i32
    %dma_start3A_332 = tpu.memref_slice %arg23[%dma_start3A_331] : memref<1008xf32, #tpu.memory_space<vmem>> -> memref<128xf32, #tpu.memory_space<vmem>>
    %dma_start3A_333 = arith.constant 512 : i32
    %dma_start3A_334 = tpu.memref_slice %arg15[%dma_start3A_333] : memref<1008xi32, #tpu.memory_space<vmem>> -> memref<128xi32, #tpu.memory_space<vmem>>
    %dma_start3A_335 = arith.constant 0 : i32
    %dma_start3A_336 = tpu.memref_slice %arg3[%dma_start3A_335] : memref<16777216xf32, #tpu.memory_space<hbm>> -> memref<16777216xf32, #tpu.memory_space<hbm>>
    tpu.enqueue_indirect_dma source(%dma_start3A_336 : memref<16777216xf32, #tpu.memory_space<hbm>>) target(%dma_start3A_332 : memref<128xf32, #tpu.memory_space<vmem>>) offsets(%dma_start3A_334 : memref<128xi32, #tpu.memory_space<vmem>>) semaphore(%arg31 : memref<!tpu.dma_semaphore, #tpu.memory_space<semaphore_mem>>)
    %dma_start3A_337 = arith.constant 512 : i32
    %dma_start3A_338 = tpu.memref_slice %arg24[%dma_start3A_337] : memref<1008xf32, #tpu.memory_space<vmem>> -> memref<128xf32, #tpu.memory_space<vmem>>
    %dma_start3A_339 = arith.constant 512 : i32
    %dma_start3A_340 = tpu.memref_slice %arg16[%dma_start3A_339] : memref<1008xi32, #tpu.memory_space<vmem>> -> memref<128xi32, #tpu.memory_space<vmem>>
    %dma_start3A_341 = arith.constant 0 : i32
    %dma_start3A_342 = tpu.memref_slice %arg3[%dma_start3A_341] : memref<16777216xf32, #tpu.memory_space<hbm>> -> memref<16777216xf32, #tpu.memory_space<hbm>>
    tpu.enqueue_indirect_dma source(%dma_start3A_342 : memref<16777216xf32, #tpu.memory_space<hbm>>) target(%dma_start3A_338 : memref<128xf32, #tpu.memory_space<vmem>>) offsets(%dma_start3A_340 : memref<128xi32, #tpu.memory_space<vmem>>) semaphore(%arg31 : memref<!tpu.dma_semaphore, #tpu.memory_space<semaphore_mem>>)
    %dma_start3A_343 = arith.constant 512 : i32
    %dma_start3A_344 = tpu.memref_slice %arg25[%dma_start3A_343] : memref<1008xf32, #tpu.memory_space<vmem>> -> memref<128xf32, #tpu.memory_space<vmem>>
    %dma_start3A_345 = arith.constant 512 : i32
    %dma_start3A_346 = tpu.memref_slice %arg17[%dma_start3A_345] : memref<1008xi32, #tpu.memory_space<vmem>> -> memref<128xi32, #tpu.memory_space<vmem>>
    %dma_start3A_347 = arith.constant 0 : i32
    %dma_start3A_348 = tpu.memref_slice %arg3[%dma_start3A_347] : memref<16777216xf32, #tpu.memory_space<hbm>> -> memref<16777216xf32, #tpu.memory_space<hbm>>
    tpu.enqueue_indirect_dma source(%dma_start3A_348 : memref<16777216xf32, #tpu.memory_space<hbm>>) target(%dma_start3A_344 : memref<128xf32, #tpu.memory_space<vmem>>) offsets(%dma_start3A_346 : memref<128xi32, #tpu.memory_space<vmem>>) semaphore(%arg31 : memref<!tpu.dma_semaphore, #tpu.memory_space<semaphore_mem>>)
    %dma_start3A_349 = arith.constant 512 : i32
    %dma_start3A_350 = tpu.memref_slice %arg26[%dma_start3A_349] : memref<1008xf32, #tpu.memory_space<vmem>> -> memref<128xf32, #tpu.memory_space<vmem>>
    %dma_start3A_351 = arith.constant 512 : i32
    %dma_start3A_352 = tpu.memref_slice %arg18[%dma_start3A_351] : memref<1008xi32, #tpu.memory_space<vmem>> -> memref<128xi32, #tpu.memory_space<vmem>>
    %dma_start3A_353 = arith.constant 0 : i32
    %dma_start3A_354 = tpu.memref_slice %arg3[%dma_start3A_353] : memref<16777216xf32, #tpu.memory_space<hbm>> -> memref<16777216xf32, #tpu.memory_space<hbm>>
    tpu.enqueue_indirect_dma source(%dma_start3A_354 : memref<16777216xf32, #tpu.memory_space<hbm>>) target(%dma_start3A_350 : memref<128xf32, #tpu.memory_space<vmem>>) offsets(%dma_start3A_352 : memref<128xi32, #tpu.memory_space<vmem>>) semaphore(%arg31 : memref<!tpu.dma_semaphore, #tpu.memory_space<semaphore_mem>>)
    %dma_start3A_355 = arith.constant 640 : i32
    %dma_start3A_356 = tpu.memref_slice %arg19[%dma_start3A_355] : memref<1008xf32, #tpu.memory_space<vmem>> -> memref<128xf32, #tpu.memory_space<vmem>>
    %dma_start3A_357 = arith.constant 640 : i32
    %dma_start3A_358 = tpu.memref_slice %arg11[%dma_start3A_357] : memref<1008xi32, #tpu.memory_space<vmem>> -> memref<128xi32, #tpu.memory_space<vmem>>
    %dma_start3A_359 = arith.constant 0 : i32
    %dma_start3A_360 = tpu.memref_slice %arg3[%dma_start3A_359] : memref<16777216xf32, #tpu.memory_space<hbm>> -> memref<16777216xf32, #tpu.memory_space<hbm>>
    tpu.enqueue_indirect_dma source(%dma_start3A_360 : memref<16777216xf32, #tpu.memory_space<hbm>>) target(%dma_start3A_356 : memref<128xf32, #tpu.memory_space<vmem>>) offsets(%dma_start3A_358 : memref<128xi32, #tpu.memory_space<vmem>>) semaphore(%arg31 : memref<!tpu.dma_semaphore, #tpu.memory_space<semaphore_mem>>)
    %dma_start3A_361 = arith.constant 640 : i32
    %dma_start3A_362 = tpu.memref_slice %arg20[%dma_start3A_361] : memref<1008xf32, #tpu.memory_space<vmem>> -> memref<128xf32, #tpu.memory_space<vmem>>
    %dma_start3A_363 = arith.constant 640 : i32
    %dma_start3A_364 = tpu.memref_slice %arg12[%dma_start3A_363] : memref<1008xi32, #tpu.memory_space<vmem>> -> memref<128xi32, #tpu.memory_space<vmem>>
    %dma_start3A_365 = arith.constant 0 : i32
    %dma_start3A_366 = tpu.memref_slice %arg3[%dma_start3A_365] : memref<16777216xf32, #tpu.memory_space<hbm>> -> memref<16777216xf32, #tpu.memory_space<hbm>>
    tpu.enqueue_indirect_dma source(%dma_start3A_366 : memref<16777216xf32, #tpu.memory_space<hbm>>) target(%dma_start3A_362 : memref<128xf32, #tpu.memory_space<vmem>>) offsets(%dma_start3A_364 : memref<128xi32, #tpu.memory_space<vmem>>) semaphore(%arg31 : memref<!tpu.dma_semaphore, #tpu.memory_space<semaphore_mem>>)
    %dma_start3A_367 = arith.constant 640 : i32
    %dma_start3A_368 = tpu.memref_slice %arg21[%dma_start3A_367] : memref<1008xf32, #tpu.memory_space<vmem>> -> memref<128xf32, #tpu.memory_space<vmem>>
    %dma_start3A_369 = arith.constant 640 : i32
    %dma_start3A_370 = tpu.memref_slice %arg13[%dma_start3A_369] : memref<1008xi32, #tpu.memory_space<vmem>> -> memref<128xi32, #tpu.memory_space<vmem>>
    %dma_start3A_371 = arith.constant 0 : i32
    %dma_start3A_372 = tpu.memref_slice %arg3[%dma_start3A_371] : memref<16777216xf32, #tpu.memory_space<hbm>> -> memref<16777216xf32, #tpu.memory_space<hbm>>
    tpu.enqueue_indirect_dma source(%dma_start3A_372 : memref<16777216xf32, #tpu.memory_space<hbm>>) target(%dma_start3A_368 : memref<128xf32, #tpu.memory_space<vmem>>) offsets(%dma_start3A_370 : memref<128xi32, #tpu.memory_space<vmem>>) semaphore(%arg31 : memref<!tpu.dma_semaphore, #tpu.memory_space<semaphore_mem>>)
    %dma_start3A_373 = arith.constant 640 : i32
    %dma_start3A_374 = tpu.memref_slice %arg22[%dma_start3A_373] : memref<1008xf32, #tpu.memory_space<vmem>> -> memref<128xf32, #tpu.memory_space<vmem>>
    %dma_start3A_375 = arith.constant 640 : i32
    %dma_start3A_376 = tpu.memref_slice %arg14[%dma_start3A_375] : memref<1008xi32, #tpu.memory_space<vmem>> -> memref<128xi32, #tpu.memory_space<vmem>>
    %dma_start3A_377 = arith.constant 0 : i32
    %dma_start3A_378 = tpu.memref_slice %arg3[%dma_start3A_377] : memref<16777216xf32, #tpu.memory_space<hbm>> -> memref<16777216xf32, #tpu.memory_space<hbm>>
    tpu.enqueue_indirect_dma source(%dma_start3A_378 : memref<16777216xf32, #tpu.memory_space<hbm>>) target(%dma_start3A_374 : memref<128xf32, #tpu.memory_space<vmem>>) offsets(%dma_start3A_376 : memref<128xi32, #tpu.memory_space<vmem>>) semaphore(%arg31 : memref<!tpu.dma_semaphore, #tpu.memory_space<semaphore_mem>>)
    %dma_start3A_379 = arith.constant 640 : i32
    %dma_start3A_380 = tpu.memref_slice %arg23[%dma_start3A_379] : memref<1008xf32, #tpu.memory_space<vmem>> -> memref<128xf32, #tpu.memory_space<vmem>>
    %dma_start3A_381 = arith.constant 640 : i32
    %dma_start3A_382 = tpu.memref_slice %arg15[%dma_start3A_381] : memref<1008xi32, #tpu.memory_space<vmem>> -> memref<128xi32, #tpu.memory_space<vmem>>
    %dma_start3A_383 = arith.constant 0 : i32
    %dma_start3A_384 = tpu.memref_slice %arg3[%dma_start3A_383] : memref<16777216xf32, #tpu.memory_space<hbm>> -> memref<16777216xf32, #tpu.memory_space<hbm>>
    tpu.enqueue_indirect_dma source(%dma_start3A_384 : memref<16777216xf32, #tpu.memory_space<hbm>>) target(%dma_start3A_380 : memref<128xf32, #tpu.memory_space<vmem>>) offsets(%dma_start3A_382 : memref<128xi32, #tpu.memory_space<vmem>>) semaphore(%arg31 : memref<!tpu.dma_semaphore, #tpu.memory_space<semaphore_mem>>)
    %dma_start3A_385 = arith.constant 640 : i32
    %dma_start3A_386 = tpu.memref_slice %arg24[%dma_start3A_385] : memref<1008xf32, #tpu.memory_space<vmem>> -> memref<128xf32, #tpu.memory_space<vmem>>
    %dma_start3A_387 = arith.constant 640 : i32
    %dma_start3A_388 = tpu.memref_slice %arg16[%dma_start3A_387] : memref<1008xi32, #tpu.memory_space<vmem>> -> memref<128xi32, #tpu.memory_space<vmem>>
    %dma_start3A_389 = arith.constant 0 : i32
    %dma_start3A_390 = tpu.memref_slice %arg3[%dma_start3A_389] : memref<16777216xf32, #tpu.memory_space<hbm>> -> memref<16777216xf32, #tpu.memory_space<hbm>>
    tpu.enqueue_indirect_dma source(%dma_start3A_390 : memref<16777216xf32, #tpu.memory_space<hbm>>) target(%dma_start3A_386 : memref<128xf32, #tpu.memory_space<vmem>>) offsets(%dma_start3A_388 : memref<128xi32, #tpu.memory_space<vmem>>) semaphore(%arg31 : memref<!tpu.dma_semaphore, #tpu.memory_space<semaphore_mem>>)
    %dma_start3A_391 = arith.constant 640 : i32
    %dma_start3A_392 = tpu.memref_slice %arg25[%dma_start3A_391] : memref<1008xf32, #tpu.memory_space<vmem>> -> memref<128xf32, #tpu.memory_space<vmem>>
    %dma_start3A_393 = arith.constant 640 : i32
    %dma_start3A_394 = tpu.memref_slice %arg17[%dma_start3A_393] : memref<1008xi32, #tpu.memory_space<vmem>> -> memref<128xi32, #tpu.memory_space<vmem>>
    %dma_start3A_395 = arith.constant 0 : i32
    %dma_start3A_396 = tpu.memref_slice %arg3[%dma_start3A_395] : memref<16777216xf32, #tpu.memory_space<hbm>> -> memref<16777216xf32, #tpu.memory_space<hbm>>
    tpu.enqueue_indirect_dma source(%dma_start3A_396 : memref<16777216xf32, #tpu.memory_space<hbm>>) target(%dma_start3A_392 : memref<128xf32, #tpu.memory_space<vmem>>) offsets(%dma_start3A_394 : memref<128xi32, #tpu.memory_space<vmem>>) semaphore(%arg31 : memref<!tpu.dma_semaphore, #tpu.memory_space<semaphore_mem>>)
    %dma_start3A_397 = arith.constant 640 : i32
    %dma_start3A_398 = tpu.memref_slice %arg26[%dma_start3A_397] : memref<1008xf32, #tpu.memory_space<vmem>> -> memref<128xf32, #tpu.memory_space<vmem>>
    %dma_start3A_399 = arith.constant 640 : i32
    %dma_start3A_400 = tpu.memref_slice %arg18[%dma_start3A_399] : memref<1008xi32, #tpu.memory_space<vmem>> -> memref<128xi32, #tpu.memory_space<vmem>>
    %dma_start3A_401 = arith.constant 0 : i32
    %dma_start3A_402 = tpu.memref_slice %arg3[%dma_start3A_401] : memref<16777216xf32, #tpu.memory_space<hbm>> -> memref<16777216xf32, #tpu.memory_space<hbm>>
    tpu.enqueue_indirect_dma source(%dma_start3A_402 : memref<16777216xf32, #tpu.memory_space<hbm>>) target(%dma_start3A_398 : memref<128xf32, #tpu.memory_space<vmem>>) offsets(%dma_start3A_400 : memref<128xi32, #tpu.memory_space<vmem>>) semaphore(%arg31 : memref<!tpu.dma_semaphore, #tpu.memory_space<semaphore_mem>>)
    %dma_start3A_403 = arith.constant 768 : i32
    %dma_start3A_404 = tpu.memref_slice %arg19[%dma_start3A_403] : memref<1008xf32, #tpu.memory_space<vmem>> -> memref<128xf32, #tpu.memory_space<vmem>>
    %dma_start3A_405 = arith.constant 768 : i32
    %dma_start3A_406 = tpu.memref_slice %arg11[%dma_start3A_405] : memref<1008xi32, #tpu.memory_space<vmem>> -> memref<128xi32, #tpu.memory_space<vmem>>
    %dma_start3A_407 = arith.constant 0 : i32
    %dma_start3A_408 = tpu.memref_slice %arg3[%dma_start3A_407] : memref<16777216xf32, #tpu.memory_space<hbm>> -> memref<16777216xf32, #tpu.memory_space<hbm>>
    tpu.enqueue_indirect_dma source(%dma_start3A_408 : memref<16777216xf32, #tpu.memory_space<hbm>>) target(%dma_start3A_404 : memref<128xf32, #tpu.memory_space<vmem>>) offsets(%dma_start3A_406 : memref<128xi32, #tpu.memory_space<vmem>>) semaphore(%arg31 : memref<!tpu.dma_semaphore, #tpu.memory_space<semaphore_mem>>)
    %dma_start3A_409 = arith.constant 768 : i32
    %dma_start3A_410 = tpu.memref_slice %arg20[%dma_start3A_409] : memref<1008xf32, #tpu.memory_space<vmem>> -> memref<128xf32, #tpu.memory_space<vmem>>
    %dma_start3A_411 = arith.constant 768 : i32
    %dma_start3A_412 = tpu.memref_slice %arg12[%dma_start3A_411] : memref<1008xi32, #tpu.memory_space<vmem>> -> memref<128xi32, #tpu.memory_space<vmem>>
    %dma_start3A_413 = arith.constant 0 : i32
    %dma_start3A_414 = tpu.memref_slice %arg3[%dma_start3A_413] : memref<16777216xf32, #tpu.memory_space<hbm>> -> memref<16777216xf32, #tpu.memory_space<hbm>>
    tpu.enqueue_indirect_dma source(%dma_start3A_414 : memref<16777216xf32, #tpu.memory_space<hbm>>) target(%dma_start3A_410 : memref<128xf32, #tpu.memory_space<vmem>>) offsets(%dma_start3A_412 : memref<128xi32, #tpu.memory_space<vmem>>) semaphore(%arg31 : memref<!tpu.dma_semaphore, #tpu.memory_space<semaphore_mem>>)
    %dma_start3A_415 = arith.constant 768 : i32
    %dma_start3A_416 = tpu.memref_slice %arg21[%dma_start3A_415] : memref<1008xf32, #tpu.memory_space<vmem>> -> memref<128xf32, #tpu.memory_space<vmem>>
    %dma_start3A_417 = arith.constant 768 : i32
    %dma_start3A_418 = tpu.memref_slice %arg13[%dma_start3A_417] : memref<1008xi32, #tpu.memory_space<vmem>> -> memref<128xi32, #tpu.memory_space<vmem>>
    %dma_start3A_419 = arith.constant 0 : i32
    %dma_start3A_420 = tpu.memref_slice %arg3[%dma_start3A_419] : memref<16777216xf32, #tpu.memory_space<hbm>> -> memref<16777216xf32, #tpu.memory_space<hbm>>
    tpu.enqueue_indirect_dma source(%dma_start3A_420 : memref<16777216xf32, #tpu.memory_space<hbm>>) target(%dma_start3A_416 : memref<128xf32, #tpu.memory_space<vmem>>) offsets(%dma_start3A_418 : memref<128xi32, #tpu.memory_space<vmem>>) semaphore(%arg31 : memref<!tpu.dma_semaphore, #tpu.memory_space<semaphore_mem>>)
    %dma_start3A_421 = arith.constant 768 : i32
    %dma_start3A_422 = tpu.memref_slice %arg22[%dma_start3A_421] : memref<1008xf32, #tpu.memory_space<vmem>> -> memref<128xf32, #tpu.memory_space<vmem>>
    %dma_start3A_423 = arith.constant 768 : i32
    %dma_start3A_424 = tpu.memref_slice %arg14[%dma_start3A_423] : memref<1008xi32, #tpu.memory_space<vmem>> -> memref<128xi32, #tpu.memory_space<vmem>>
    %dma_start3A_425 = arith.constant 0 : i32
    %dma_start3A_426 = tpu.memref_slice %arg3[%dma_start3A_425] : memref<16777216xf32, #tpu.memory_space<hbm>> -> memref<16777216xf32, #tpu.memory_space<hbm>>
    tpu.enqueue_indirect_dma source(%dma_start3A_426 : memref<16777216xf32, #tpu.memory_space<hbm>>) target(%dma_start3A_422 : memref<128xf32, #tpu.memory_space<vmem>>) offsets(%dma_start3A_424 : memref<128xi32, #tpu.memory_space<vmem>>) semaphore(%arg31 : memref<!tpu.dma_semaphore, #tpu.memory_space<semaphore_mem>>)
    %dma_start3A_427 = arith.constant 768 : i32
    %dma_start3A_428 = tpu.memref_slice %arg23[%dma_start3A_427] : memref<1008xf32, #tpu.memory_space<vmem>> -> memref<128xf32, #tpu.memory_space<vmem>>
    %dma_start3A_429 = arith.constant 768 : i32
    %dma_start3A_430 = tpu.memref_slice %arg15[%dma_start3A_429] : memref<1008xi32, #tpu.memory_space<vmem>> -> memref<128xi32, #tpu.memory_space<vmem>>
    %dma_start3A_431 = arith.constant 0 : i32
    %dma_start3A_432 = tpu.memref_slice %arg3[%dma_start3A_431] : memref<16777216xf32, #tpu.memory_space<hbm>> -> memref<16777216xf32, #tpu.memory_space<hbm>>
    tpu.enqueue_indirect_dma source(%dma_start3A_432 : memref<16777216xf32, #tpu.memory_space<hbm>>) target(%dma_start3A_428 : memref<128xf32, #tpu.memory_space<vmem>>) offsets(%dma_start3A_430 : memref<128xi32, #tpu.memory_space<vmem>>) semaphore(%arg31 : memref<!tpu.dma_semaphore, #tpu.memory_space<semaphore_mem>>)
    %dma_start3A_433 = arith.constant 768 : i32
    %dma_start3A_434 = tpu.memref_slice %arg24[%dma_start3A_433] : memref<1008xf32, #tpu.memory_space<vmem>> -> memref<128xf32, #tpu.memory_space<vmem>>
    %dma_start3A_435 = arith.constant 768 : i32
    %dma_start3A_436 = tpu.memref_slice %arg16[%dma_start3A_435] : memref<1008xi32, #tpu.memory_space<vmem>> -> memref<128xi32, #tpu.memory_space<vmem>>
    %dma_start3A_437 = arith.constant 0 : i32
    %dma_start3A_438 = tpu.memref_slice %arg3[%dma_start3A_437] : memref<16777216xf32, #tpu.memory_space<hbm>> -> memref<16777216xf32, #tpu.memory_space<hbm>>
    tpu.enqueue_indirect_dma source(%dma_start3A_438 : memref<16777216xf32, #tpu.memory_space<hbm>>) target(%dma_start3A_434 : memref<128xf32, #tpu.memory_space<vmem>>) offsets(%dma_start3A_436 : memref<128xi32, #tpu.memory_space<vmem>>) semaphore(%arg31 : memref<!tpu.dma_semaphore, #tpu.memory_space<semaphore_mem>>)
    %dma_start3A_439 = arith.constant 768 : i32
    %dma_start3A_440 = tpu.memref_slice %arg25[%dma_start3A_439] : memref<1008xf32, #tpu.memory_space<vmem>> -> memref<128xf32, #tpu.memory_space<vmem>>
    %dma_start3A_441 = arith.constant 768 : i32
    %dma_start3A_442 = tpu.memref_slice %arg17[%dma_start3A_441] : memref<1008xi32, #tpu.memory_space<vmem>> -> memref<128xi32, #tpu.memory_space<vmem>>
    %dma_start3A_443 = arith.constant 0 : i32
    %dma_start3A_444 = tpu.memref_slice %arg3[%dma_start3A_443] : memref<16777216xf32, #tpu.memory_space<hbm>> -> memref<16777216xf32, #tpu.memory_space<hbm>>
    tpu.enqueue_indirect_dma source(%dma_start3A_444 : memref<16777216xf32, #tpu.memory_space<hbm>>) target(%dma_start3A_440 : memref<128xf32, #tpu.memory_space<vmem>>) offsets(%dma_start3A_442 : memref<128xi32, #tpu.memory_space<vmem>>) semaphore(%arg31 : memref<!tpu.dma_semaphore, #tpu.memory_space<semaphore_mem>>)
    %dma_start3A_445 = arith.constant 768 : i32
    %dma_start3A_446 = tpu.memref_slice %arg26[%dma_start3A_445] : memref<1008xf32, #tpu.memory_space<vmem>> -> memref<128xf32, #tpu.memory_space<vmem>>
    %dma_start3A_447 = arith.constant 768 : i32
    %dma_start3A_448 = tpu.memref_slice %arg18[%dma_start3A_447] : memref<1008xi32, #tpu.memory_space<vmem>> -> memref<128xi32, #tpu.memory_space<vmem>>
    %dma_start3A_449 = arith.constant 0 : i32
    %dma_start3A_450 = tpu.memref_slice %arg3[%dma_start3A_449] : memref<16777216xf32, #tpu.memory_space<hbm>> -> memref<16777216xf32, #tpu.memory_space<hbm>>
    tpu.enqueue_indirect_dma source(%dma_start3A_450 : memref<16777216xf32, #tpu.memory_space<hbm>>) target(%dma_start3A_446 : memref<128xf32, #tpu.memory_space<vmem>>) offsets(%dma_start3A_448 : memref<128xi32, #tpu.memory_space<vmem>>) semaphore(%arg31 : memref<!tpu.dma_semaphore, #tpu.memory_space<semaphore_mem>>)
    %dma_start3A_451 = arith.constant 896 : i32
    %dma_start3A_452 = tpu.memref_slice %arg19[%dma_start3A_451] : memref<1008xf32, #tpu.memory_space<vmem>> -> memref<112xf32, #tpu.memory_space<vmem>>
    %dma_start3A_453 = arith.constant 896 : i32
    %dma_start3A_454 = tpu.memref_slice %arg11[%dma_start3A_453] : memref<1008xi32, #tpu.memory_space<vmem>> -> memref<112xi32, #tpu.memory_space<vmem>>
    %dma_start3A_455 = arith.constant 0 : i32
    %dma_start3A_456 = tpu.memref_slice %arg3[%dma_start3A_455] : memref<16777216xf32, #tpu.memory_space<hbm>> -> memref<16777216xf32, #tpu.memory_space<hbm>>
    tpu.enqueue_indirect_dma source(%dma_start3A_456 : memref<16777216xf32, #tpu.memory_space<hbm>>) target(%dma_start3A_452 : memref<112xf32, #tpu.memory_space<vmem>>) offsets(%dma_start3A_454 : memref<112xi32, #tpu.memory_space<vmem>>) semaphore(%arg31 : memref<!tpu.dma_semaphore, #tpu.memory_space<semaphore_mem>>)
    %dma_start3A_457 = arith.constant 896 : i32
    %dma_start3A_458 = tpu.memref_slice %arg20[%dma_start3A_457] : memref<1008xf32, #tpu.memory_space<vmem>> -> memref<112xf32, #tpu.memory_space<vmem>>
    %dma_start3A_459 = arith.constant 896 : i32
    %dma_start3A_460 = tpu.memref_slice %arg12[%dma_start3A_459] : memref<1008xi32, #tpu.memory_space<vmem>> -> memref<112xi32, #tpu.memory_space<vmem>>
    %dma_start3A_461 = arith.constant 0 : i32
    %dma_start3A_462 = tpu.memref_slice %arg3[%dma_start3A_461] : memref<16777216xf32, #tpu.memory_space<hbm>> -> memref<16777216xf32, #tpu.memory_space<hbm>>
    tpu.enqueue_indirect_dma source(%dma_start3A_462 : memref<16777216xf32, #tpu.memory_space<hbm>>) target(%dma_start3A_458 : memref<112xf32, #tpu.memory_space<vmem>>) offsets(%dma_start3A_460 : memref<112xi32, #tpu.memory_space<vmem>>) semaphore(%arg31 : memref<!tpu.dma_semaphore, #tpu.memory_space<semaphore_mem>>)
    %dma_start3A_463 = arith.constant 896 : i32
    %dma_start3A_464 = tpu.memref_slice %arg21[%dma_start3A_463] : memref<1008xf32, #tpu.memory_space<vmem>> -> memref<112xf32, #tpu.memory_space<vmem>>
    %dma_start3A_465 = arith.constant 896 : i32
    %dma_start3A_466 = tpu.memref_slice %arg13[%dma_start3A_465] : memref<1008xi32, #tpu.memory_space<vmem>> -> memref<112xi32, #tpu.memory_space<vmem>>
    %dma_start3A_467 = arith.constant 0 : i32
    %dma_start3A_468 = tpu.memref_slice %arg3[%dma_start3A_467] : memref<16777216xf32, #tpu.memory_space<hbm>> -> memref<16777216xf32, #tpu.memory_space<hbm>>
    tpu.enqueue_indirect_dma source(%dma_start3A_468 : memref<16777216xf32, #tpu.memory_space<hbm>>) target(%dma_start3A_464 : memref<112xf32, #tpu.memory_space<vmem>>) offsets(%dma_start3A_466 : memref<112xi32, #tpu.memory_space<vmem>>) semaphore(%arg31 : memref<!tpu.dma_semaphore, #tpu.memory_space<semaphore_mem>>)
    %dma_start3A_469 = arith.constant 896 : i32
    %dma_start3A_470 = tpu.memref_slice %arg22[%dma_start3A_469] : memref<1008xf32, #tpu.memory_space<vmem>> -> memref<112xf32, #tpu.memory_space<vmem>>
    %dma_start3A_471 = arith.constant 896 : i32
    %dma_start3A_472 = tpu.memref_slice %arg14[%dma_start3A_471] : memref<1008xi32, #tpu.memory_space<vmem>> -> memref<112xi32, #tpu.memory_space<vmem>>
    %dma_start3A_473 = arith.constant 0 : i32
    %dma_start3A_474 = tpu.memref_slice %arg3[%dma_start3A_473] : memref<16777216xf32, #tpu.memory_space<hbm>> -> memref<16777216xf32, #tpu.memory_space<hbm>>
    tpu.enqueue_indirect_dma source(%dma_start3A_474 : memref<16777216xf32, #tpu.memory_space<hbm>>) target(%dma_start3A_470 : memref<112xf32, #tpu.memory_space<vmem>>) offsets(%dma_start3A_472 : memref<112xi32, #tpu.memory_space<vmem>>) semaphore(%arg31 : memref<!tpu.dma_semaphore, #tpu.memory_space<semaphore_mem>>)
    %dma_start3A_475 = arith.constant 896 : i32
    %dma_start3A_476 = tpu.memref_slice %arg23[%dma_start3A_475] : memref<1008xf32, #tpu.memory_space<vmem>> -> memref<112xf32, #tpu.memory_space<vmem>>
    %dma_start3A_477 = arith.constant 896 : i32
    %dma_start3A_478 = tpu.memref_slice %arg15[%dma_start3A_477] : memref<1008xi32, #tpu.memory_space<vmem>> -> memref<112xi32, #tpu.memory_space<vmem>>
    %dma_start3A_479 = arith.constant 0 : i32
    %dma_start3A_480 = tpu.memref_slice %arg3[%dma_start3A_479] : memref<16777216xf32, #tpu.memory_space<hbm>> -> memref<16777216xf32, #tpu.memory_space<hbm>>
    tpu.enqueue_indirect_dma source(%dma_start3A_480 : memref<16777216xf32, #tpu.memory_space<hbm>>) target(%dma_start3A_476 : memref<112xf32, #tpu.memory_space<vmem>>) offsets(%dma_start3A_478 : memref<112xi32, #tpu.memory_space<vmem>>) semaphore(%arg31 : memref<!tpu.dma_semaphore, #tpu.memory_space<semaphore_mem>>)
    %dma_start3A_481 = arith.constant 896 : i32
    %dma_start3A_482 = tpu.memref_slice %arg24[%dma_start3A_481] : memref<1008xf32, #tpu.memory_space<vmem>> -> memref<112xf32, #tpu.memory_space<vmem>>
    %dma_start3A_483 = arith.constant 896 : i32
    %dma_start3A_484 = tpu.memref_slice %arg16[%dma_start3A_483] : memref<1008xi32, #tpu.memory_space<vmem>> -> memref<112xi32, #tpu.memory_space<vmem>>
    %dma_start3A_485 = arith.constant 0 : i32
    %dma_start3A_486 = tpu.memref_slice %arg3[%dma_start3A_485] : memref<16777216xf32, #tpu.memory_space<hbm>> -> memref<16777216xf32, #tpu.memory_space<hbm>>
    tpu.enqueue_indirect_dma source(%dma_start3A_486 : memref<16777216xf32, #tpu.memory_space<hbm>>) target(%dma_start3A_482 : memref<112xf32, #tpu.memory_space<vmem>>) offsets(%dma_start3A_484 : memref<112xi32, #tpu.memory_space<vmem>>) semaphore(%arg31 : memref<!tpu.dma_semaphore, #tpu.memory_space<semaphore_mem>>)
    %dma_start3A_487 = arith.constant 896 : i32
    %dma_start3A_488 = tpu.memref_slice %arg25[%dma_start3A_487] : memref<1008xf32, #tpu.memory_space<vmem>> -> memref<112xf32, #tpu.memory_space<vmem>>
    %dma_start3A_489 = arith.constant 896 : i32
    %dma_start3A_490 = tpu.memref_slice %arg17[%dma_start3A_489] : memref<1008xi32, #tpu.memory_space<vmem>> -> memref<112xi32, #tpu.memory_space<vmem>>
    %dma_start3A_491 = arith.constant 0 : i32
    %dma_start3A_492 = tpu.memref_slice %arg3[%dma_start3A_491] : memref<16777216xf32, #tpu.memory_space<hbm>> -> memref<16777216xf32, #tpu.memory_space<hbm>>
    tpu.enqueue_indirect_dma source(%dma_start3A_492 : memref<16777216xf32, #tpu.memory_space<hbm>>) target(%dma_start3A_488 : memref<112xf32, #tpu.memory_space<vmem>>) offsets(%dma_start3A_490 : memref<112xi32, #tpu.memory_space<vmem>>) semaphore(%arg31 : memref<!tpu.dma_semaphore, #tpu.memory_space<semaphore_mem>>)
    %dma_start3A_493 = arith.constant 896 : i32
    %dma_start3A_494 = tpu.memref_slice %arg26[%dma_start3A_493] : memref<1008xf32, #tpu.memory_space<vmem>> -> memref<112xf32, #tpu.memory_space<vmem>>
    %dma_start3A_495 = arith.constant 896 : i32
    %dma_start3A_496 = tpu.memref_slice %arg18[%dma_start3A_495] : memref<1008xi32, #tpu.memory_space<vmem>> -> memref<112xi32, #tpu.memory_space<vmem>>
    %dma_start3A_497 = arith.constant 0 : i32
    %dma_start3A_498 = tpu.memref_slice %arg3[%dma_start3A_497] : memref<16777216xf32, #tpu.memory_space<hbm>> -> memref<16777216xf32, #tpu.memory_space<hbm>>
    tpu.enqueue_indirect_dma source(%dma_start3A_498 : memref<16777216xf32, #tpu.memory_space<hbm>>) target(%dma_start3A_494 : memref<112xf32, #tpu.memory_space<vmem>>) offsets(%dma_start3A_496 : memref<112xi32, #tpu.memory_space<vmem>>) semaphore(%arg31 : memref<!tpu.dma_semaphore, #tpu.memory_space<semaphore_mem>>)
    %dma_wait3A_499 = arith.constant 0 : i32
    %dma_wait3A_500 = tpu.memref_slice %arg19[%dma_wait3A_499] : memref<1008xf32, #tpu.memory_space<vmem>> -> memref<128xf32, #tpu.memory_space<vmem>>
    %dma_wait3A_501 = arith.constant 0 : i32
    %dma_wait3A_502 = tpu.memref_slice %arg11[%dma_wait3A_501] : memref<1008xi32, #tpu.memory_space<vmem>> -> memref<128xi32, #tpu.memory_space<vmem>>
    %dma_wait3A_503 = arith.constant 0 : i32
    %dma_wait3A_504 = tpu.memref_slice %arg3[%dma_wait3A_503] : memref<16777216xf32, #tpu.memory_space<hbm>> -> memref<16777216xf32, #tpu.memory_space<hbm>>
    tpu.wait_indirect_dma semaphore(%arg31 : memref<!tpu.dma_semaphore, #tpu.memory_space<semaphore_mem>>) src(%dma_wait3A_504 : memref<16777216xf32, #tpu.memory_space<hbm>>) dst(%dma_wait3A_500 : memref<128xf32, #tpu.memory_space<vmem>>)
    %dma_wait3A_505 = arith.constant 0 : i32
    %dma_wait3A_506 = tpu.memref_slice %arg20[%dma_wait3A_505] : memref<1008xf32, #tpu.memory_space<vmem>> -> memref<128xf32, #tpu.memory_space<vmem>>
    %dma_wait3A_507 = arith.constant 0 : i32
    %dma_wait3A_508 = tpu.memref_slice %arg12[%dma_wait3A_507] : memref<1008xi32, #tpu.memory_space<vmem>> -> memref<128xi32, #tpu.memory_space<vmem>>
    %dma_wait3A_509 = arith.constant 0 : i32
    %dma_wait3A_510 = tpu.memref_slice %arg3[%dma_wait3A_509] : memref<16777216xf32, #tpu.memory_space<hbm>> -> memref<16777216xf32, #tpu.memory_space<hbm>>
    tpu.wait_indirect_dma semaphore(%arg31 : memref<!tpu.dma_semaphore, #tpu.memory_space<semaphore_mem>>) src(%dma_wait3A_510 : memref<16777216xf32, #tpu.memory_space<hbm>>) dst(%dma_wait3A_506 : memref<128xf32, #tpu.memory_space<vmem>>)
    %dma_wait3A_511 = arith.constant 0 : i32
    %dma_wait3A_512 = tpu.memref_slice %arg21[%dma_wait3A_511] : memref<1008xf32, #tpu.memory_space<vmem>> -> memref<128xf32, #tpu.memory_space<vmem>>
    %dma_wait3A_513 = arith.constant 0 : i32
    %dma_wait3A_514 = tpu.memref_slice %arg13[%dma_wait3A_513] : memref<1008xi32, #tpu.memory_space<vmem>> -> memref<128xi32, #tpu.memory_space<vmem>>
    %dma_wait3A_515 = arith.constant 0 : i32
    %dma_wait3A_516 = tpu.memref_slice %arg3[%dma_wait3A_515] : memref<16777216xf32, #tpu.memory_space<hbm>> -> memref<16777216xf32, #tpu.memory_space<hbm>>
    tpu.wait_indirect_dma semaphore(%arg31 : memref<!tpu.dma_semaphore, #tpu.memory_space<semaphore_mem>>) src(%dma_wait3A_516 : memref<16777216xf32, #tpu.memory_space<hbm>>) dst(%dma_wait3A_512 : memref<128xf32, #tpu.memory_space<vmem>>)
    %dma_wait3A_517 = arith.constant 0 : i32
    %dma_wait3A_518 = tpu.memref_slice %arg22[%dma_wait3A_517] : memref<1008xf32, #tpu.memory_space<vmem>> -> memref<128xf32, #tpu.memory_space<vmem>>
    %dma_wait3A_519 = arith.constant 0 : i32
    %dma_wait3A_520 = tpu.memref_slice %arg14[%dma_wait3A_519] : memref<1008xi32, #tpu.memory_space<vmem>> -> memref<128xi32, #tpu.memory_space<vmem>>
    %dma_wait3A_521 = arith.constant 0 : i32
    %dma_wait3A_522 = tpu.memref_slice %arg3[%dma_wait3A_521] : memref<16777216xf32, #tpu.memory_space<hbm>> -> memref<16777216xf32, #tpu.memory_space<hbm>>
    tpu.wait_indirect_dma semaphore(%arg31 : memref<!tpu.dma_semaphore, #tpu.memory_space<semaphore_mem>>) src(%dma_wait3A_522 : memref<16777216xf32, #tpu.memory_space<hbm>>) dst(%dma_wait3A_518 : memref<128xf32, #tpu.memory_space<vmem>>)
    %dma_wait3A_523 = arith.constant 0 : i32
    %dma_wait3A_524 = tpu.memref_slice %arg23[%dma_wait3A_523] : memref<1008xf32, #tpu.memory_space<vmem>> -> memref<128xf32, #tpu.memory_space<vmem>>
    %dma_wait3A_525 = arith.constant 0 : i32
    %dma_wait3A_526 = tpu.memref_slice %arg15[%dma_wait3A_525] : memref<1008xi32, #tpu.memory_space<vmem>> -> memref<128xi32, #tpu.memory_space<vmem>>
    %dma_wait3A_527 = arith.constant 0 : i32
    %dma_wait3A_528 = tpu.memref_slice %arg3[%dma_wait3A_527] : memref<16777216xf32, #tpu.memory_space<hbm>> -> memref<16777216xf32, #tpu.memory_space<hbm>>
    tpu.wait_indirect_dma semaphore(%arg31 : memref<!tpu.dma_semaphore, #tpu.memory_space<semaphore_mem>>) src(%dma_wait3A_528 : memref<16777216xf32, #tpu.memory_space<hbm>>) dst(%dma_wait3A_524 : memref<128xf32, #tpu.memory_space<vmem>>)
    %dma_wait3A_529 = arith.constant 0 : i32
    %dma_wait3A_530 = tpu.memref_slice %arg24[%dma_wait3A_529] : memref<1008xf32, #tpu.memory_space<vmem>> -> memref<128xf32, #tpu.memory_space<vmem>>
    %dma_wait3A_531 = arith.constant 0 : i32
    %dma_wait3A_532 = tpu.memref_slice %arg16[%dma_wait3A_531] : memref<1008xi32, #tpu.memory_space<vmem>> -> memref<128xi32, #tpu.memory_space<vmem>>
    %dma_wait3A_533 = arith.constant 0 : i32
    %dma_wait3A_534 = tpu.memref_slice %arg3[%dma_wait3A_533] : memref<16777216xf32, #tpu.memory_space<hbm>> -> memref<16777216xf32, #tpu.memory_space<hbm>>
    tpu.wait_indirect_dma semaphore(%arg31 : memref<!tpu.dma_semaphore, #tpu.memory_space<semaphore_mem>>) src(%dma_wait3A_534 : memref<16777216xf32, #tpu.memory_space<hbm>>) dst(%dma_wait3A_530 : memref<128xf32, #tpu.memory_space<vmem>>)
    %dma_wait3A_535 = arith.constant 0 : i32
    %dma_wait3A_536 = tpu.memref_slice %arg25[%dma_wait3A_535] : memref<1008xf32, #tpu.memory_space<vmem>> -> memref<128xf32, #tpu.memory_space<vmem>>
    %dma_wait3A_537 = arith.constant 0 : i32
    %dma_wait3A_538 = tpu.memref_slice %arg17[%dma_wait3A_537] : memref<1008xi32, #tpu.memory_space<vmem>> -> memref<128xi32, #tpu.memory_space<vmem>>
    %dma_wait3A_539 = arith.constant 0 : i32
    %dma_wait3A_540 = tpu.memref_slice %arg3[%dma_wait3A_539] : memref<16777216xf32, #tpu.memory_space<hbm>> -> memref<16777216xf32, #tpu.memory_space<hbm>>
    tpu.wait_indirect_dma semaphore(%arg31 : memref<!tpu.dma_semaphore, #tpu.memory_space<semaphore_mem>>) src(%dma_wait3A_540 : memref<16777216xf32, #tpu.memory_space<hbm>>) dst(%dma_wait3A_536 : memref<128xf32, #tpu.memory_space<vmem>>)
    %dma_wait3A_541 = arith.constant 0 : i32
    %dma_wait3A_542 = tpu.memref_slice %arg26[%dma_wait3A_541] : memref<1008xf32, #tpu.memory_space<vmem>> -> memref<128xf32, #tpu.memory_space<vmem>>
    %dma_wait3A_543 = arith.constant 0 : i32
    %dma_wait3A_544 = tpu.memref_slice %arg18[%dma_wait3A_543] : memref<1008xi32, #tpu.memory_space<vmem>> -> memref<128xi32, #tpu.memory_space<vmem>>
    %dma_wait3A_545 = arith.constant 0 : i32
    %dma_wait3A_546 = tpu.memref_slice %arg3[%dma_wait3A_545] : memref<16777216xf32, #tpu.memory_space<hbm>> -> memref<16777216xf32, #tpu.memory_space<hbm>>
    tpu.wait_indirect_dma semaphore(%arg31 : memref<!tpu.dma_semaphore, #tpu.memory_space<semaphore_mem>>) src(%dma_wait3A_546 : memref<16777216xf32, #tpu.memory_space<hbm>>) dst(%dma_wait3A_542 : memref<128xf32, #tpu.memory_space<vmem>>)
    %dma_wait3A_547 = arith.constant 128 : i32
    %dma_wait3A_548 = tpu.memref_slice %arg19[%dma_wait3A_547] : memref<1008xf32, #tpu.memory_space<vmem>> -> memref<128xf32, #tpu.memory_space<vmem>>
    %dma_wait3A_549 = arith.constant 128 : i32
    %dma_wait3A_550 = tpu.memref_slice %arg11[%dma_wait3A_549] : memref<1008xi32, #tpu.memory_space<vmem>> -> memref<128xi32, #tpu.memory_space<vmem>>
    %dma_wait3A_551 = arith.constant 0 : i32
    %dma_wait3A_552 = tpu.memref_slice %arg3[%dma_wait3A_551] : memref<16777216xf32, #tpu.memory_space<hbm>> -> memref<16777216xf32, #tpu.memory_space<hbm>>
    tpu.wait_indirect_dma semaphore(%arg31 : memref<!tpu.dma_semaphore, #tpu.memory_space<semaphore_mem>>) src(%dma_wait3A_552 : memref<16777216xf32, #tpu.memory_space<hbm>>) dst(%dma_wait3A_548 : memref<128xf32, #tpu.memory_space<vmem>>)
    %dma_wait3A_553 = arith.constant 128 : i32
    %dma_wait3A_554 = tpu.memref_slice %arg20[%dma_wait3A_553] : memref<1008xf32, #tpu.memory_space<vmem>> -> memref<128xf32, #tpu.memory_space<vmem>>
    %dma_wait3A_555 = arith.constant 128 : i32
    %dma_wait3A_556 = tpu.memref_slice %arg12[%dma_wait3A_555] : memref<1008xi32, #tpu.memory_space<vmem>> -> memref<128xi32, #tpu.memory_space<vmem>>
    %dma_wait3A_557 = arith.constant 0 : i32
    %dma_wait3A_558 = tpu.memref_slice %arg3[%dma_wait3A_557] : memref<16777216xf32, #tpu.memory_space<hbm>> -> memref<16777216xf32, #tpu.memory_space<hbm>>
    tpu.wait_indirect_dma semaphore(%arg31 : memref<!tpu.dma_semaphore, #tpu.memory_space<semaphore_mem>>) src(%dma_wait3A_558 : memref<16777216xf32, #tpu.memory_space<hbm>>) dst(%dma_wait3A_554 : memref<128xf32, #tpu.memory_space<vmem>>)
    %dma_wait3A_559 = arith.constant 128 : i32
    %dma_wait3A_560 = tpu.memref_slice %arg21[%dma_wait3A_559] : memref<1008xf32, #tpu.memory_space<vmem>> -> memref<128xf32, #tpu.memory_space<vmem>>
    %dma_wait3A_561 = arith.constant 128 : i32
    %dma_wait3A_562 = tpu.memref_slice %arg13[%dma_wait3A_561] : memref<1008xi32, #tpu.memory_space<vmem>> -> memref<128xi32, #tpu.memory_space<vmem>>
    %dma_wait3A_563 = arith.constant 0 : i32
    %dma_wait3A_564 = tpu.memref_slice %arg3[%dma_wait3A_563] : memref<16777216xf32, #tpu.memory_space<hbm>> -> memref<16777216xf32, #tpu.memory_space<hbm>>
    tpu.wait_indirect_dma semaphore(%arg31 : memref<!tpu.dma_semaphore, #tpu.memory_space<semaphore_mem>>) src(%dma_wait3A_564 : memref<16777216xf32, #tpu.memory_space<hbm>>) dst(%dma_wait3A_560 : memref<128xf32, #tpu.memory_space<vmem>>)
    %dma_wait3A_565 = arith.constant 128 : i32
    %dma_wait3A_566 = tpu.memref_slice %arg22[%dma_wait3A_565] : memref<1008xf32, #tpu.memory_space<vmem>> -> memref<128xf32, #tpu.memory_space<vmem>>
    %dma_wait3A_567 = arith.constant 128 : i32
    %dma_wait3A_568 = tpu.memref_slice %arg14[%dma_wait3A_567] : memref<1008xi32, #tpu.memory_space<vmem>> -> memref<128xi32, #tpu.memory_space<vmem>>
    %dma_wait3A_569 = arith.constant 0 : i32
    %dma_wait3A_570 = tpu.memref_slice %arg3[%dma_wait3A_569] : memref<16777216xf32, #tpu.memory_space<hbm>> -> memref<16777216xf32, #tpu.memory_space<hbm>>
    tpu.wait_indirect_dma semaphore(%arg31 : memref<!tpu.dma_semaphore, #tpu.memory_space<semaphore_mem>>) src(%dma_wait3A_570 : memref<16777216xf32, #tpu.memory_space<hbm>>) dst(%dma_wait3A_566 : memref<128xf32, #tpu.memory_space<vmem>>)
    %dma_wait3A_571 = arith.constant 128 : i32
    %dma_wait3A_572 = tpu.memref_slice %arg23[%dma_wait3A_571] : memref<1008xf32, #tpu.memory_space<vmem>> -> memref<128xf32, #tpu.memory_space<vmem>>
    %dma_wait3A_573 = arith.constant 128 : i32
    %dma_wait3A_574 = tpu.memref_slice %arg15[%dma_wait3A_573] : memref<1008xi32, #tpu.memory_space<vmem>> -> memref<128xi32, #tpu.memory_space<vmem>>
    %dma_wait3A_575 = arith.constant 0 : i32
    %dma_wait3A_576 = tpu.memref_slice %arg3[%dma_wait3A_575] : memref<16777216xf32, #tpu.memory_space<hbm>> -> memref<16777216xf32, #tpu.memory_space<hbm>>
    tpu.wait_indirect_dma semaphore(%arg31 : memref<!tpu.dma_semaphore, #tpu.memory_space<semaphore_mem>>) src(%dma_wait3A_576 : memref<16777216xf32, #tpu.memory_space<hbm>>) dst(%dma_wait3A_572 : memref<128xf32, #tpu.memory_space<vmem>>)
    %dma_wait3A_577 = arith.constant 128 : i32
    %dma_wait3A_578 = tpu.memref_slice %arg24[%dma_wait3A_577] : memref<1008xf32, #tpu.memory_space<vmem>> -> memref<128xf32, #tpu.memory_space<vmem>>
    %dma_wait3A_579 = arith.constant 128 : i32
    %dma_wait3A_580 = tpu.memref_slice %arg16[%dma_wait3A_579] : memref<1008xi32, #tpu.memory_space<vmem>> -> memref<128xi32, #tpu.memory_space<vmem>>
    %dma_wait3A_581 = arith.constant 0 : i32
    %dma_wait3A_582 = tpu.memref_slice %arg3[%dma_wait3A_581] : memref<16777216xf32, #tpu.memory_space<hbm>> -> memref<16777216xf32, #tpu.memory_space<hbm>>
    tpu.wait_indirect_dma semaphore(%arg31 : memref<!tpu.dma_semaphore, #tpu.memory_space<semaphore_mem>>) src(%dma_wait3A_582 : memref<16777216xf32, #tpu.memory_space<hbm>>) dst(%dma_wait3A_578 : memref<128xf32, #tpu.memory_space<vmem>>)
    %dma_wait3A_583 = arith.constant 128 : i32
    %dma_wait3A_584 = tpu.memref_slice %arg25[%dma_wait3A_583] : memref<1008xf32, #tpu.memory_space<vmem>> -> memref<128xf32, #tpu.memory_space<vmem>>
    %dma_wait3A_585 = arith.constant 128 : i32
    %dma_wait3A_586 = tpu.memref_slice %arg17[%dma_wait3A_585] : memref<1008xi32, #tpu.memory_space<vmem>> -> memref<128xi32, #tpu.memory_space<vmem>>
    %dma_wait3A_587 = arith.constant 0 : i32
    %dma_wait3A_588 = tpu.memref_slice %arg3[%dma_wait3A_587] : memref<16777216xf32, #tpu.memory_space<hbm>> -> memref<16777216xf32, #tpu.memory_space<hbm>>
    tpu.wait_indirect_dma semaphore(%arg31 : memref<!tpu.dma_semaphore, #tpu.memory_space<semaphore_mem>>) src(%dma_wait3A_588 : memref<16777216xf32, #tpu.memory_space<hbm>>) dst(%dma_wait3A_584 : memref<128xf32, #tpu.memory_space<vmem>>)
    %dma_wait3A_589 = arith.constant 128 : i32
    %dma_wait3A_590 = tpu.memref_slice %arg26[%dma_wait3A_589] : memref<1008xf32, #tpu.memory_space<vmem>> -> memref<128xf32, #tpu.memory_space<vmem>>
    %dma_wait3A_591 = arith.constant 128 : i32
    %dma_wait3A_592 = tpu.memref_slice %arg18[%dma_wait3A_591] : memref<1008xi32, #tpu.memory_space<vmem>> -> memref<128xi32, #tpu.memory_space<vmem>>
    %dma_wait3A_593 = arith.constant 0 : i32
    %dma_wait3A_594 = tpu.memref_slice %arg3[%dma_wait3A_593] : memref<16777216xf32, #tpu.memory_space<hbm>> -> memref<16777216xf32, #tpu.memory_space<hbm>>
    tpu.wait_indirect_dma semaphore(%arg31 : memref<!tpu.dma_semaphore, #tpu.memory_space<semaphore_mem>>) src(%dma_wait3A_594 : memref<16777216xf32, #tpu.memory_space<hbm>>) dst(%dma_wait3A_590 : memref<128xf32, #tpu.memory_space<vmem>>)
    %dma_wait3A_595 = arith.constant 256 : i32
    %dma_wait3A_596 = tpu.memref_slice %arg19[%dma_wait3A_595] : memref<1008xf32, #tpu.memory_space<vmem>> -> memref<128xf32, #tpu.memory_space<vmem>>
    %dma_wait3A_597 = arith.constant 256 : i32
    %dma_wait3A_598 = tpu.memref_slice %arg11[%dma_wait3A_597] : memref<1008xi32, #tpu.memory_space<vmem>> -> memref<128xi32, #tpu.memory_space<vmem>>
    %dma_wait3A_599 = arith.constant 0 : i32
    %dma_wait3A_600 = tpu.memref_slice %arg3[%dma_wait3A_599] : memref<16777216xf32, #tpu.memory_space<hbm>> -> memref<16777216xf32, #tpu.memory_space<hbm>>
    tpu.wait_indirect_dma semaphore(%arg31 : memref<!tpu.dma_semaphore, #tpu.memory_space<semaphore_mem>>) src(%dma_wait3A_600 : memref<16777216xf32, #tpu.memory_space<hbm>>) dst(%dma_wait3A_596 : memref<128xf32, #tpu.memory_space<vmem>>)
    %dma_wait3A_601 = arith.constant 256 : i32
    %dma_wait3A_602 = tpu.memref_slice %arg20[%dma_wait3A_601] : memref<1008xf32, #tpu.memory_space<vmem>> -> memref<128xf32, #tpu.memory_space<vmem>>
    %dma_wait3A_603 = arith.constant 256 : i32
    %dma_wait3A_604 = tpu.memref_slice %arg12[%dma_wait3A_603] : memref<1008xi32, #tpu.memory_space<vmem>> -> memref<128xi32, #tpu.memory_space<vmem>>
    %dma_wait3A_605 = arith.constant 0 : i32
    %dma_wait3A_606 = tpu.memref_slice %arg3[%dma_wait3A_605] : memref<16777216xf32, #tpu.memory_space<hbm>> -> memref<16777216xf32, #tpu.memory_space<hbm>>
    tpu.wait_indirect_dma semaphore(%arg31 : memref<!tpu.dma_semaphore, #tpu.memory_space<semaphore_mem>>) src(%dma_wait3A_606 : memref<16777216xf32, #tpu.memory_space<hbm>>) dst(%dma_wait3A_602 : memref<128xf32, #tpu.memory_space<vmem>>)
    %dma_wait3A_607 = arith.constant 256 : i32
    %dma_wait3A_608 = tpu.memref_slice %arg21[%dma_wait3A_607] : memref<1008xf32, #tpu.memory_space<vmem>> -> memref<128xf32, #tpu.memory_space<vmem>>
    %dma_wait3A_609 = arith.constant 256 : i32
    %dma_wait3A_610 = tpu.memref_slice %arg13[%dma_wait3A_609] : memref<1008xi32, #tpu.memory_space<vmem>> -> memref<128xi32, #tpu.memory_space<vmem>>
    %dma_wait3A_611 = arith.constant 0 : i32
    %dma_wait3A_612 = tpu.memref_slice %arg3[%dma_wait3A_611] : memref<16777216xf32, #tpu.memory_space<hbm>> -> memref<16777216xf32, #tpu.memory_space<hbm>>
    tpu.wait_indirect_dma semaphore(%arg31 : memref<!tpu.dma_semaphore, #tpu.memory_space<semaphore_mem>>) src(%dma_wait3A_612 : memref<16777216xf32, #tpu.memory_space<hbm>>) dst(%dma_wait3A_608 : memref<128xf32, #tpu.memory_space<vmem>>)
    %dma_wait3A_613 = arith.constant 256 : i32
    %dma_wait3A_614 = tpu.memref_slice %arg22[%dma_wait3A_613] : memref<1008xf32, #tpu.memory_space<vmem>> -> memref<128xf32, #tpu.memory_space<vmem>>
    %dma_wait3A_615 = arith.constant 256 : i32
    %dma_wait3A_616 = tpu.memref_slice %arg14[%dma_wait3A_615] : memref<1008xi32, #tpu.memory_space<vmem>> -> memref<128xi32, #tpu.memory_space<vmem>>
    %dma_wait3A_617 = arith.constant 0 : i32
    %dma_wait3A_618 = tpu.memref_slice %arg3[%dma_wait3A_617] : memref<16777216xf32, #tpu.memory_space<hbm>> -> memref<16777216xf32, #tpu.memory_space<hbm>>
    tpu.wait_indirect_dma semaphore(%arg31 : memref<!tpu.dma_semaphore, #tpu.memory_space<semaphore_mem>>) src(%dma_wait3A_618 : memref<16777216xf32, #tpu.memory_space<hbm>>) dst(%dma_wait3A_614 : memref<128xf32, #tpu.memory_space<vmem>>)
    %dma_wait3A_619 = arith.constant 256 : i32
    %dma_wait3A_620 = tpu.memref_slice %arg23[%dma_wait3A_619] : memref<1008xf32, #tpu.memory_space<vmem>> -> memref<128xf32, #tpu.memory_space<vmem>>
    %dma_wait3A_621 = arith.constant 256 : i32
    %dma_wait3A_622 = tpu.memref_slice %arg15[%dma_wait3A_621] : memref<1008xi32, #tpu.memory_space<vmem>> -> memref<128xi32, #tpu.memory_space<vmem>>
    %dma_wait3A_623 = arith.constant 0 : i32
    %dma_wait3A_624 = tpu.memref_slice %arg3[%dma_wait3A_623] : memref<16777216xf32, #tpu.memory_space<hbm>> -> memref<16777216xf32, #tpu.memory_space<hbm>>
    tpu.wait_indirect_dma semaphore(%arg31 : memref<!tpu.dma_semaphore, #tpu.memory_space<semaphore_mem>>) src(%dma_wait3A_624 : memref<16777216xf32, #tpu.memory_space<hbm>>) dst(%dma_wait3A_620 : memref<128xf32, #tpu.memory_space<vmem>>)
    %dma_wait3A_625 = arith.constant 256 : i32
    %dma_wait3A_626 = tpu.memref_slice %arg24[%dma_wait3A_625] : memref<1008xf32, #tpu.memory_space<vmem>> -> memref<128xf32, #tpu.memory_space<vmem>>
    %dma_wait3A_627 = arith.constant 256 : i32
    %dma_wait3A_628 = tpu.memref_slice %arg16[%dma_wait3A_627] : memref<1008xi32, #tpu.memory_space<vmem>> -> memref<128xi32, #tpu.memory_space<vmem>>
    %dma_wait3A_629 = arith.constant 0 : i32
    %dma_wait3A_630 = tpu.memref_slice %arg3[%dma_wait3A_629] : memref<16777216xf32, #tpu.memory_space<hbm>> -> memref<16777216xf32, #tpu.memory_space<hbm>>
    tpu.wait_indirect_dma semaphore(%arg31 : memref<!tpu.dma_semaphore, #tpu.memory_space<semaphore_mem>>) src(%dma_wait3A_630 : memref<16777216xf32, #tpu.memory_space<hbm>>) dst(%dma_wait3A_626 : memref<128xf32, #tpu.memory_space<vmem>>)
    %dma_wait3A_631 = arith.constant 256 : i32
    %dma_wait3A_632 = tpu.memref_slice %arg25[%dma_wait3A_631] : memref<1008xf32, #tpu.memory_space<vmem>> -> memref<128xf32, #tpu.memory_space<vmem>>
    %dma_wait3A_633 = arith.constant 256 : i32
    %dma_wait3A_634 = tpu.memref_slice %arg17[%dma_wait3A_633] : memref<1008xi32, #tpu.memory_space<vmem>> -> memref<128xi32, #tpu.memory_space<vmem>>
    %dma_wait3A_635 = arith.constant 0 : i32
    %dma_wait3A_636 = tpu.memref_slice %arg3[%dma_wait3A_635] : memref<16777216xf32, #tpu.memory_space<hbm>> -> memref<16777216xf32, #tpu.memory_space<hbm>>
    tpu.wait_indirect_dma semaphore(%arg31 : memref<!tpu.dma_semaphore, #tpu.memory_space<semaphore_mem>>) src(%dma_wait3A_636 : memref<16777216xf32, #tpu.memory_space<hbm>>) dst(%dma_wait3A_632 : memref<128xf32, #tpu.memory_space<vmem>>)
    %dma_wait3A_637 = arith.constant 256 : i32
    %dma_wait3A_638 = tpu.memref_slice %arg26[%dma_wait3A_637] : memref<1008xf32, #tpu.memory_space<vmem>> -> memref<128xf32, #tpu.memory_space<vmem>>
    %dma_wait3A_639 = arith.constant 256 : i32
    %dma_wait3A_640 = tpu.memref_slice %arg18[%dma_wait3A_639] : memref<1008xi32, #tpu.memory_space<vmem>> -> memref<128xi32, #tpu.memory_space<vmem>>
    %dma_wait3A_641 = arith.constant 0 : i32
    %dma_wait3A_642 = tpu.memref_slice %arg3[%dma_wait3A_641] : memref<16777216xf32, #tpu.memory_space<hbm>> -> memref<16777216xf32, #tpu.memory_space<hbm>>
    tpu.wait_indirect_dma semaphore(%arg31 : memref<!tpu.dma_semaphore, #tpu.memory_space<semaphore_mem>>) src(%dma_wait3A_642 : memref<16777216xf32, #tpu.memory_space<hbm>>) dst(%dma_wait3A_638 : memref<128xf32, #tpu.memory_space<vmem>>)
    %dma_wait3A_643 = arith.constant 384 : i32
    %dma_wait3A_644 = tpu.memref_slice %arg19[%dma_wait3A_643] : memref<1008xf32, #tpu.memory_space<vmem>> -> memref<128xf32, #tpu.memory_space<vmem>>
    %dma_wait3A_645 = arith.constant 384 : i32
    %dma_wait3A_646 = tpu.memref_slice %arg11[%dma_wait3A_645] : memref<1008xi32, #tpu.memory_space<vmem>> -> memref<128xi32, #tpu.memory_space<vmem>>
    %dma_wait3A_647 = arith.constant 0 : i32
    %dma_wait3A_648 = tpu.memref_slice %arg3[%dma_wait3A_647] : memref<16777216xf32, #tpu.memory_space<hbm>> -> memref<16777216xf32, #tpu.memory_space<hbm>>
    tpu.wait_indirect_dma semaphore(%arg31 : memref<!tpu.dma_semaphore, #tpu.memory_space<semaphore_mem>>) src(%dma_wait3A_648 : memref<16777216xf32, #tpu.memory_space<hbm>>) dst(%dma_wait3A_644 : memref<128xf32, #tpu.memory_space<vmem>>)
    %dma_wait3A_649 = arith.constant 384 : i32
    %dma_wait3A_650 = tpu.memref_slice %arg20[%dma_wait3A_649] : memref<1008xf32, #tpu.memory_space<vmem>> -> memref<128xf32, #tpu.memory_space<vmem>>
    %dma_wait3A_651 = arith.constant 384 : i32
    %dma_wait3A_652 = tpu.memref_slice %arg12[%dma_wait3A_651] : memref<1008xi32, #tpu.memory_space<vmem>> -> memref<128xi32, #tpu.memory_space<vmem>>
    %dma_wait3A_653 = arith.constant 0 : i32
    %dma_wait3A_654 = tpu.memref_slice %arg3[%dma_wait3A_653] : memref<16777216xf32, #tpu.memory_space<hbm>> -> memref<16777216xf32, #tpu.memory_space<hbm>>
    tpu.wait_indirect_dma semaphore(%arg31 : memref<!tpu.dma_semaphore, #tpu.memory_space<semaphore_mem>>) src(%dma_wait3A_654 : memref<16777216xf32, #tpu.memory_space<hbm>>) dst(%dma_wait3A_650 : memref<128xf32, #tpu.memory_space<vmem>>)
    %dma_wait3A_655 = arith.constant 384 : i32
    %dma_wait3A_656 = tpu.memref_slice %arg21[%dma_wait3A_655] : memref<1008xf32, #tpu.memory_space<vmem>> -> memref<128xf32, #tpu.memory_space<vmem>>
    %dma_wait3A_657 = arith.constant 384 : i32
    %dma_wait3A_658 = tpu.memref_slice %arg13[%dma_wait3A_657] : memref<1008xi32, #tpu.memory_space<vmem>> -> memref<128xi32, #tpu.memory_space<vmem>>
    %dma_wait3A_659 = arith.constant 0 : i32
    %dma_wait3A_660 = tpu.memref_slice %arg3[%dma_wait3A_659] : memref<16777216xf32, #tpu.memory_space<hbm>> -> memref<16777216xf32, #tpu.memory_space<hbm>>
    tpu.wait_indirect_dma semaphore(%arg31 : memref<!tpu.dma_semaphore, #tpu.memory_space<semaphore_mem>>) src(%dma_wait3A_660 : memref<16777216xf32, #tpu.memory_space<hbm>>) dst(%dma_wait3A_656 : memref<128xf32, #tpu.memory_space<vmem>>)
    %dma_wait3A_661 = arith.constant 384 : i32
    %dma_wait3A_662 = tpu.memref_slice %arg22[%dma_wait3A_661] : memref<1008xf32, #tpu.memory_space<vmem>> -> memref<128xf32, #tpu.memory_space<vmem>>
    %dma_wait3A_663 = arith.constant 384 : i32
    %dma_wait3A_664 = tpu.memref_slice %arg14[%dma_wait3A_663] : memref<1008xi32, #tpu.memory_space<vmem>> -> memref<128xi32, #tpu.memory_space<vmem>>
    %dma_wait3A_665 = arith.constant 0 : i32
    %dma_wait3A_666 = tpu.memref_slice %arg3[%dma_wait3A_665] : memref<16777216xf32, #tpu.memory_space<hbm>> -> memref<16777216xf32, #tpu.memory_space<hbm>>
    tpu.wait_indirect_dma semaphore(%arg31 : memref<!tpu.dma_semaphore, #tpu.memory_space<semaphore_mem>>) src(%dma_wait3A_666 : memref<16777216xf32, #tpu.memory_space<hbm>>) dst(%dma_wait3A_662 : memref<128xf32, #tpu.memory_space<vmem>>)
    %dma_wait3A_667 = arith.constant 384 : i32
    %dma_wait3A_668 = tpu.memref_slice %arg23[%dma_wait3A_667] : memref<1008xf32, #tpu.memory_space<vmem>> -> memref<128xf32, #tpu.memory_space<vmem>>
    %dma_wait3A_669 = arith.constant 384 : i32
    %dma_wait3A_670 = tpu.memref_slice %arg15[%dma_wait3A_669] : memref<1008xi32, #tpu.memory_space<vmem>> -> memref<128xi32, #tpu.memory_space<vmem>>
    %dma_wait3A_671 = arith.constant 0 : i32
    %dma_wait3A_672 = tpu.memref_slice %arg3[%dma_wait3A_671] : memref<16777216xf32, #tpu.memory_space<hbm>> -> memref<16777216xf32, #tpu.memory_space<hbm>>
    tpu.wait_indirect_dma semaphore(%arg31 : memref<!tpu.dma_semaphore, #tpu.memory_space<semaphore_mem>>) src(%dma_wait3A_672 : memref<16777216xf32, #tpu.memory_space<hbm>>) dst(%dma_wait3A_668 : memref<128xf32, #tpu.memory_space<vmem>>)
    %dma_wait3A_673 = arith.constant 384 : i32
    %dma_wait3A_674 = tpu.memref_slice %arg24[%dma_wait3A_673] : memref<1008xf32, #tpu.memory_space<vmem>> -> memref<128xf32, #tpu.memory_space<vmem>>
    %dma_wait3A_675 = arith.constant 384 : i32
    %dma_wait3A_676 = tpu.memref_slice %arg16[%dma_wait3A_675] : memref<1008xi32, #tpu.memory_space<vmem>> -> memref<128xi32, #tpu.memory_space<vmem>>
    %dma_wait3A_677 = arith.constant 0 : i32
    %dma_wait3A_678 = tpu.memref_slice %arg3[%dma_wait3A_677] : memref<16777216xf32, #tpu.memory_space<hbm>> -> memref<16777216xf32, #tpu.memory_space<hbm>>
    tpu.wait_indirect_dma semaphore(%arg31 : memref<!tpu.dma_semaphore, #tpu.memory_space<semaphore_mem>>) src(%dma_wait3A_678 : memref<16777216xf32, #tpu.memory_space<hbm>>) dst(%dma_wait3A_674 : memref<128xf32, #tpu.memory_space<vmem>>)
    %dma_wait3A_679 = arith.constant 384 : i32
    %dma_wait3A_680 = tpu.memref_slice %arg25[%dma_wait3A_679] : memref<1008xf32, #tpu.memory_space<vmem>> -> memref<128xf32, #tpu.memory_space<vmem>>
    %dma_wait3A_681 = arith.constant 384 : i32
    %dma_wait3A_682 = tpu.memref_slice %arg17[%dma_wait3A_681] : memref<1008xi32, #tpu.memory_space<vmem>> -> memref<128xi32, #tpu.memory_space<vmem>>
    %dma_wait3A_683 = arith.constant 0 : i32
    %dma_wait3A_684 = tpu.memref_slice %arg3[%dma_wait3A_683] : memref<16777216xf32, #tpu.memory_space<hbm>> -> memref<16777216xf32, #tpu.memory_space<hbm>>
    tpu.wait_indirect_dma semaphore(%arg31 : memref<!tpu.dma_semaphore, #tpu.memory_space<semaphore_mem>>) src(%dma_wait3A_684 : memref<16777216xf32, #tpu.memory_space<hbm>>) dst(%dma_wait3A_680 : memref<128xf32, #tpu.memory_space<vmem>>)
    %dma_wait3A_685 = arith.constant 384 : i32
    %dma_wait3A_686 = tpu.memref_slice %arg26[%dma_wait3A_685] : memref<1008xf32, #tpu.memory_space<vmem>> -> memref<128xf32, #tpu.memory_space<vmem>>
    %dma_wait3A_687 = arith.constant 384 : i32
    %dma_wait3A_688 = tpu.memref_slice %arg18[%dma_wait3A_687] : memref<1008xi32, #tpu.memory_space<vmem>> -> memref<128xi32, #tpu.memory_space<vmem>>
    %dma_wait3A_689 = arith.constant 0 : i32
    %dma_wait3A_690 = tpu.memref_slice %arg3[%dma_wait3A_689] : memref<16777216xf32, #tpu.memory_space<hbm>> -> memref<16777216xf32, #tpu.memory_space<hbm>>
    tpu.wait_indirect_dma semaphore(%arg31 : memref<!tpu.dma_semaphore, #tpu.memory_space<semaphore_mem>>) src(%dma_wait3A_690 : memref<16777216xf32, #tpu.memory_space<hbm>>) dst(%dma_wait3A_686 : memref<128xf32, #tpu.memory_space<vmem>>)
    %dma_wait3A_691 = arith.constant 512 : i32
    %dma_wait3A_692 = tpu.memref_slice %arg19[%dma_wait3A_691] : memref<1008xf32, #tpu.memory_space<vmem>> -> memref<128xf32, #tpu.memory_space<vmem>>
    %dma_wait3A_693 = arith.constant 512 : i32
    %dma_wait3A_694 = tpu.memref_slice %arg11[%dma_wait3A_693] : memref<1008xi32, #tpu.memory_space<vmem>> -> memref<128xi32, #tpu.memory_space<vmem>>
    %dma_wait3A_695 = arith.constant 0 : i32
    %dma_wait3A_696 = tpu.memref_slice %arg3[%dma_wait3A_695] : memref<16777216xf32, #tpu.memory_space<hbm>> -> memref<16777216xf32, #tpu.memory_space<hbm>>
    tpu.wait_indirect_dma semaphore(%arg31 : memref<!tpu.dma_semaphore, #tpu.memory_space<semaphore_mem>>) src(%dma_wait3A_696 : memref<16777216xf32, #tpu.memory_space<hbm>>) dst(%dma_wait3A_692 : memref<128xf32, #tpu.memory_space<vmem>>)
    %dma_wait3A_697 = arith.constant 512 : i32
    %dma_wait3A_698 = tpu.memref_slice %arg20[%dma_wait3A_697] : memref<1008xf32, #tpu.memory_space<vmem>> -> memref<128xf32, #tpu.memory_space<vmem>>
    %dma_wait3A_699 = arith.constant 512 : i32
    %dma_wait3A_700 = tpu.memref_slice %arg12[%dma_wait3A_699] : memref<1008xi32, #tpu.memory_space<vmem>> -> memref<128xi32, #tpu.memory_space<vmem>>
    %dma_wait3A_701 = arith.constant 0 : i32
    %dma_wait3A_702 = tpu.memref_slice %arg3[%dma_wait3A_701] : memref<16777216xf32, #tpu.memory_space<hbm>> -> memref<16777216xf32, #tpu.memory_space<hbm>>
    tpu.wait_indirect_dma semaphore(%arg31 : memref<!tpu.dma_semaphore, #tpu.memory_space<semaphore_mem>>) src(%dma_wait3A_702 : memref<16777216xf32, #tpu.memory_space<hbm>>) dst(%dma_wait3A_698 : memref<128xf32, #tpu.memory_space<vmem>>)
    %dma_wait3A_703 = arith.constant 512 : i32
    %dma_wait3A_704 = tpu.memref_slice %arg21[%dma_wait3A_703] : memref<1008xf32, #tpu.memory_space<vmem>> -> memref<128xf32, #tpu.memory_space<vmem>>
    %dma_wait3A_705 = arith.constant 512 : i32
    %dma_wait3A_706 = tpu.memref_slice %arg13[%dma_wait3A_705] : memref<1008xi32, #tpu.memory_space<vmem>> -> memref<128xi32, #tpu.memory_space<vmem>>
    %dma_wait3A_707 = arith.constant 0 : i32
    %dma_wait3A_708 = tpu.memref_slice %arg3[%dma_wait3A_707] : memref<16777216xf32, #tpu.memory_space<hbm>> -> memref<16777216xf32, #tpu.memory_space<hbm>>
    tpu.wait_indirect_dma semaphore(%arg31 : memref<!tpu.dma_semaphore, #tpu.memory_space<semaphore_mem>>) src(%dma_wait3A_708 : memref<16777216xf32, #tpu.memory_space<hbm>>) dst(%dma_wait3A_704 : memref<128xf32, #tpu.memory_space<vmem>>)
    %dma_wait3A_709 = arith.constant 512 : i32
    %dma_wait3A_710 = tpu.memref_slice %arg22[%dma_wait3A_709] : memref<1008xf32, #tpu.memory_space<vmem>> -> memref<128xf32, #tpu.memory_space<vmem>>
    %dma_wait3A_711 = arith.constant 512 : i32
    %dma_wait3A_712 = tpu.memref_slice %arg14[%dma_wait3A_711] : memref<1008xi32, #tpu.memory_space<vmem>> -> memref<128xi32, #tpu.memory_space<vmem>>
    %dma_wait3A_713 = arith.constant 0 : i32
    %dma_wait3A_714 = tpu.memref_slice %arg3[%dma_wait3A_713] : memref<16777216xf32, #tpu.memory_space<hbm>> -> memref<16777216xf32, #tpu.memory_space<hbm>>
    tpu.wait_indirect_dma semaphore(%arg31 : memref<!tpu.dma_semaphore, #tpu.memory_space<semaphore_mem>>) src(%dma_wait3A_714 : memref<16777216xf32, #tpu.memory_space<hbm>>) dst(%dma_wait3A_710 : memref<128xf32, #tpu.memory_space<vmem>>)
    %dma_wait3A_715 = arith.constant 512 : i32
    %dma_wait3A_716 = tpu.memref_slice %arg23[%dma_wait3A_715] : memref<1008xf32, #tpu.memory_space<vmem>> -> memref<128xf32, #tpu.memory_space<vmem>>
    %dma_wait3A_717 = arith.constant 512 : i32
    %dma_wait3A_718 = tpu.memref_slice %arg15[%dma_wait3A_717] : memref<1008xi32, #tpu.memory_space<vmem>> -> memref<128xi32, #tpu.memory_space<vmem>>
    %dma_wait3A_719 = arith.constant 0 : i32
    %dma_wait3A_720 = tpu.memref_slice %arg3[%dma_wait3A_719] : memref<16777216xf32, #tpu.memory_space<hbm>> -> memref<16777216xf32, #tpu.memory_space<hbm>>
    tpu.wait_indirect_dma semaphore(%arg31 : memref<!tpu.dma_semaphore, #tpu.memory_space<semaphore_mem>>) src(%dma_wait3A_720 : memref<16777216xf32, #tpu.memory_space<hbm>>) dst(%dma_wait3A_716 : memref<128xf32, #tpu.memory_space<vmem>>)
    %dma_wait3A_721 = arith.constant 512 : i32
    %dma_wait3A_722 = tpu.memref_slice %arg24[%dma_wait3A_721] : memref<1008xf32, #tpu.memory_space<vmem>> -> memref<128xf32, #tpu.memory_space<vmem>>
    %dma_wait3A_723 = arith.constant 512 : i32
    %dma_wait3A_724 = tpu.memref_slice %arg16[%dma_wait3A_723] : memref<1008xi32, #tpu.memory_space<vmem>> -> memref<128xi32, #tpu.memory_space<vmem>>
    %dma_wait3A_725 = arith.constant 0 : i32
    %dma_wait3A_726 = tpu.memref_slice %arg3[%dma_wait3A_725] : memref<16777216xf32, #tpu.memory_space<hbm>> -> memref<16777216xf32, #tpu.memory_space<hbm>>
    tpu.wait_indirect_dma semaphore(%arg31 : memref<!tpu.dma_semaphore, #tpu.memory_space<semaphore_mem>>) src(%dma_wait3A_726 : memref<16777216xf32, #tpu.memory_space<hbm>>) dst(%dma_wait3A_722 : memref<128xf32, #tpu.memory_space<vmem>>)
    %dma_wait3A_727 = arith.constant 512 : i32
    %dma_wait3A_728 = tpu.memref_slice %arg25[%dma_wait3A_727] : memref<1008xf32, #tpu.memory_space<vmem>> -> memref<128xf32, #tpu.memory_space<vmem>>
    %dma_wait3A_729 = arith.constant 512 : i32
    %dma_wait3A_730 = tpu.memref_slice %arg17[%dma_wait3A_729] : memref<1008xi32, #tpu.memory_space<vmem>> -> memref<128xi32, #tpu.memory_space<vmem>>
    %dma_wait3A_731 = arith.constant 0 : i32
    %dma_wait3A_732 = tpu.memref_slice %arg3[%dma_wait3A_731] : memref<16777216xf32, #tpu.memory_space<hbm>> -> memref<16777216xf32, #tpu.memory_space<hbm>>
    tpu.wait_indirect_dma semaphore(%arg31 : memref<!tpu.dma_semaphore, #tpu.memory_space<semaphore_mem>>) src(%dma_wait3A_732 : memref<16777216xf32, #tpu.memory_space<hbm>>) dst(%dma_wait3A_728 : memref<128xf32, #tpu.memory_space<vmem>>)
    %dma_wait3A_733 = arith.constant 512 : i32
    %dma_wait3A_734 = tpu.memref_slice %arg26[%dma_wait3A_733] : memref<1008xf32, #tpu.memory_space<vmem>> -> memref<128xf32, #tpu.memory_space<vmem>>
    %dma_wait3A_735 = arith.constant 512 : i32
    %dma_wait3A_736 = tpu.memref_slice %arg18[%dma_wait3A_735] : memref<1008xi32, #tpu.memory_space<vmem>> -> memref<128xi32, #tpu.memory_space<vmem>>
    %dma_wait3A_737 = arith.constant 0 : i32
    %dma_wait3A_738 = tpu.memref_slice %arg3[%dma_wait3A_737] : memref<16777216xf32, #tpu.memory_space<hbm>> -> memref<16777216xf32, #tpu.memory_space<hbm>>
    tpu.wait_indirect_dma semaphore(%arg31 : memref<!tpu.dma_semaphore, #tpu.memory_space<semaphore_mem>>) src(%dma_wait3A_738 : memref<16777216xf32, #tpu.memory_space<hbm>>) dst(%dma_wait3A_734 : memref<128xf32, #tpu.memory_space<vmem>>)
    %dma_wait3A_739 = arith.constant 640 : i32
    %dma_wait3A_740 = tpu.memref_slice %arg19[%dma_wait3A_739] : memref<1008xf32, #tpu.memory_space<vmem>> -> memref<128xf32, #tpu.memory_space<vmem>>
    %dma_wait3A_741 = arith.constant 640 : i32
    %dma_wait3A_742 = tpu.memref_slice %arg11[%dma_wait3A_741] : memref<1008xi32, #tpu.memory_space<vmem>> -> memref<128xi32, #tpu.memory_space<vmem>>
    %dma_wait3A_743 = arith.constant 0 : i32
    %dma_wait3A_744 = tpu.memref_slice %arg3[%dma_wait3A_743] : memref<16777216xf32, #tpu.memory_space<hbm>> -> memref<16777216xf32, #tpu.memory_space<hbm>>
    tpu.wait_indirect_dma semaphore(%arg31 : memref<!tpu.dma_semaphore, #tpu.memory_space<semaphore_mem>>) src(%dma_wait3A_744 : memref<16777216xf32, #tpu.memory_space<hbm>>) dst(%dma_wait3A_740 : memref<128xf32, #tpu.memory_space<vmem>>)
    %dma_wait3A_745 = arith.constant 640 : i32
    %dma_wait3A_746 = tpu.memref_slice %arg20[%dma_wait3A_745] : memref<1008xf32, #tpu.memory_space<vmem>> -> memref<128xf32, #tpu.memory_space<vmem>>
    %dma_wait3A_747 = arith.constant 640 : i32
    %dma_wait3A_748 = tpu.memref_slice %arg12[%dma_wait3A_747] : memref<1008xi32, #tpu.memory_space<vmem>> -> memref<128xi32, #tpu.memory_space<vmem>>
    %dma_wait3A_749 = arith.constant 0 : i32
    %dma_wait3A_750 = tpu.memref_slice %arg3[%dma_wait3A_749] : memref<16777216xf32, #tpu.memory_space<hbm>> -> memref<16777216xf32, #tpu.memory_space<hbm>>
    tpu.wait_indirect_dma semaphore(%arg31 : memref<!tpu.dma_semaphore, #tpu.memory_space<semaphore_mem>>) src(%dma_wait3A_750 : memref<16777216xf32, #tpu.memory_space<hbm>>) dst(%dma_wait3A_746 : memref<128xf32, #tpu.memory_space<vmem>>)
    %dma_wait3A_751 = arith.constant 640 : i32
    %dma_wait3A_752 = tpu.memref_slice %arg21[%dma_wait3A_751] : memref<1008xf32, #tpu.memory_space<vmem>> -> memref<128xf32, #tpu.memory_space<vmem>>
    %dma_wait3A_753 = arith.constant 640 : i32
    %dma_wait3A_754 = tpu.memref_slice %arg13[%dma_wait3A_753] : memref<1008xi32, #tpu.memory_space<vmem>> -> memref<128xi32, #tpu.memory_space<vmem>>
    %dma_wait3A_755 = arith.constant 0 : i32
    %dma_wait3A_756 = tpu.memref_slice %arg3[%dma_wait3A_755] : memref<16777216xf32, #tpu.memory_space<hbm>> -> memref<16777216xf32, #tpu.memory_space<hbm>>
    tpu.wait_indirect_dma semaphore(%arg31 : memref<!tpu.dma_semaphore, #tpu.memory_space<semaphore_mem>>) src(%dma_wait3A_756 : memref<16777216xf32, #tpu.memory_space<hbm>>) dst(%dma_wait3A_752 : memref<128xf32, #tpu.memory_space<vmem>>)
    %dma_wait3A_757 = arith.constant 640 : i32
    %dma_wait3A_758 = tpu.memref_slice %arg22[%dma_wait3A_757] : memref<1008xf32, #tpu.memory_space<vmem>> -> memref<128xf32, #tpu.memory_space<vmem>>
    %dma_wait3A_759 = arith.constant 640 : i32
    %dma_wait3A_760 = tpu.memref_slice %arg14[%dma_wait3A_759] : memref<1008xi32, #tpu.memory_space<vmem>> -> memref<128xi32, #tpu.memory_space<vmem>>
    %dma_wait3A_761 = arith.constant 0 : i32
    %dma_wait3A_762 = tpu.memref_slice %arg3[%dma_wait3A_761] : memref<16777216xf32, #tpu.memory_space<hbm>> -> memref<16777216xf32, #tpu.memory_space<hbm>>
    tpu.wait_indirect_dma semaphore(%arg31 : memref<!tpu.dma_semaphore, #tpu.memory_space<semaphore_mem>>) src(%dma_wait3A_762 : memref<16777216xf32, #tpu.memory_space<hbm>>) dst(%dma_wait3A_758 : memref<128xf32, #tpu.memory_space<vmem>>)
    %dma_wait3A_763 = arith.constant 640 : i32
    %dma_wait3A_764 = tpu.memref_slice %arg23[%dma_wait3A_763] : memref<1008xf32, #tpu.memory_space<vmem>> -> memref<128xf32, #tpu.memory_space<vmem>>
    %dma_wait3A_765 = arith.constant 640 : i32
    %dma_wait3A_766 = tpu.memref_slice %arg15[%dma_wait3A_765] : memref<1008xi32, #tpu.memory_space<vmem>> -> memref<128xi32, #tpu.memory_space<vmem>>
    %dma_wait3A_767 = arith.constant 0 : i32
    %dma_wait3A_768 = tpu.memref_slice %arg3[%dma_wait3A_767] : memref<16777216xf32, #tpu.memory_space<hbm>> -> memref<16777216xf32, #tpu.memory_space<hbm>>
    tpu.wait_indirect_dma semaphore(%arg31 : memref<!tpu.dma_semaphore, #tpu.memory_space<semaphore_mem>>) src(%dma_wait3A_768 : memref<16777216xf32, #tpu.memory_space<hbm>>) dst(%dma_wait3A_764 : memref<128xf32, #tpu.memory_space<vmem>>)
    %dma_wait3A_769 = arith.constant 640 : i32
    %dma_wait3A_770 = tpu.memref_slice %arg24[%dma_wait3A_769] : memref<1008xf32, #tpu.memory_space<vmem>> -> memref<128xf32, #tpu.memory_space<vmem>>
    %dma_wait3A_771 = arith.constant 640 : i32
    %dma_wait3A_772 = tpu.memref_slice %arg16[%dma_wait3A_771] : memref<1008xi32, #tpu.memory_space<vmem>> -> memref<128xi32, #tpu.memory_space<vmem>>
    %dma_wait3A_773 = arith.constant 0 : i32
    %dma_wait3A_774 = tpu.memref_slice %arg3[%dma_wait3A_773] : memref<16777216xf32, #tpu.memory_space<hbm>> -> memref<16777216xf32, #tpu.memory_space<hbm>>
    tpu.wait_indirect_dma semaphore(%arg31 : memref<!tpu.dma_semaphore, #tpu.memory_space<semaphore_mem>>) src(%dma_wait3A_774 : memref<16777216xf32, #tpu.memory_space<hbm>>) dst(%dma_wait3A_770 : memref<128xf32, #tpu.memory_space<vmem>>)
    %dma_wait3A_775 = arith.constant 640 : i32
    %dma_wait3A_776 = tpu.memref_slice %arg25[%dma_wait3A_775] : memref<1008xf32, #tpu.memory_space<vmem>> -> memref<128xf32, #tpu.memory_space<vmem>>
    %dma_wait3A_777 = arith.constant 640 : i32
    %dma_wait3A_778 = tpu.memref_slice %arg17[%dma_wait3A_777] : memref<1008xi32, #tpu.memory_space<vmem>> -> memref<128xi32, #tpu.memory_space<vmem>>
    %dma_wait3A_779 = arith.constant 0 : i32
    %dma_wait3A_780 = tpu.memref_slice %arg3[%dma_wait3A_779] : memref<16777216xf32, #tpu.memory_space<hbm>> -> memref<16777216xf32, #tpu.memory_space<hbm>>
    tpu.wait_indirect_dma semaphore(%arg31 : memref<!tpu.dma_semaphore, #tpu.memory_space<semaphore_mem>>) src(%dma_wait3A_780 : memref<16777216xf32, #tpu.memory_space<hbm>>) dst(%dma_wait3A_776 : memref<128xf32, #tpu.memory_space<vmem>>)
    %dma_wait3A_781 = arith.constant 640 : i32
    %dma_wait3A_782 = tpu.memref_slice %arg26[%dma_wait3A_781] : memref<1008xf32, #tpu.memory_space<vmem>> -> memref<128xf32, #tpu.memory_space<vmem>>
    %dma_wait3A_783 = arith.constant 640 : i32
    %dma_wait3A_784 = tpu.memref_slice %arg18[%dma_wait3A_783] : memref<1008xi32, #tpu.memory_space<vmem>> -> memref<128xi32, #tpu.memory_space<vmem>>
    %dma_wait3A_785 = arith.constant 0 : i32
    %dma_wait3A_786 = tpu.memref_slice %arg3[%dma_wait3A_785] : memref<16777216xf32, #tpu.memory_space<hbm>> -> memref<16777216xf32, #tpu.memory_space<hbm>>
    tpu.wait_indirect_dma semaphore(%arg31 : memref<!tpu.dma_semaphore, #tpu.memory_space<semaphore_mem>>) src(%dma_wait3A_786 : memref<16777216xf32, #tpu.memory_space<hbm>>) dst(%dma_wait3A_782 : memref<128xf32, #tpu.memory_space<vmem>>)
    %dma_wait3A_787 = arith.constant 768 : i32
    %dma_wait3A_788 = tpu.memref_slice %arg19[%dma_wait3A_787] : memref<1008xf32, #tpu.memory_space<vmem>> -> memref<128xf32, #tpu.memory_space<vmem>>
    %dma_wait3A_789 = arith.constant 768 : i32
    %dma_wait3A_790 = tpu.memref_slice %arg11[%dma_wait3A_789] : memref<1008xi32, #tpu.memory_space<vmem>> -> memref<128xi32, #tpu.memory_space<vmem>>
    %dma_wait3A_791 = arith.constant 0 : i32
    %dma_wait3A_792 = tpu.memref_slice %arg3[%dma_wait3A_791] : memref<16777216xf32, #tpu.memory_space<hbm>> -> memref<16777216xf32, #tpu.memory_space<hbm>>
    tpu.wait_indirect_dma semaphore(%arg31 : memref<!tpu.dma_semaphore, #tpu.memory_space<semaphore_mem>>) src(%dma_wait3A_792 : memref<16777216xf32, #tpu.memory_space<hbm>>) dst(%dma_wait3A_788 : memref<128xf32, #tpu.memory_space<vmem>>)
    %dma_wait3A_793 = arith.constant 768 : i32
    %dma_wait3A_794 = tpu.memref_slice %arg20[%dma_wait3A_793] : memref<1008xf32, #tpu.memory_space<vmem>> -> memref<128xf32, #tpu.memory_space<vmem>>
    %dma_wait3A_795 = arith.constant 768 : i32
    %dma_wait3A_796 = tpu.memref_slice %arg12[%dma_wait3A_795] : memref<1008xi32, #tpu.memory_space<vmem>> -> memref<128xi32, #tpu.memory_space<vmem>>
    %dma_wait3A_797 = arith.constant 0 : i32
    %dma_wait3A_798 = tpu.memref_slice %arg3[%dma_wait3A_797] : memref<16777216xf32, #tpu.memory_space<hbm>> -> memref<16777216xf32, #tpu.memory_space<hbm>>
    tpu.wait_indirect_dma semaphore(%arg31 : memref<!tpu.dma_semaphore, #tpu.memory_space<semaphore_mem>>) src(%dma_wait3A_798 : memref<16777216xf32, #tpu.memory_space<hbm>>) dst(%dma_wait3A_794 : memref<128xf32, #tpu.memory_space<vmem>>)
    %dma_wait3A_799 = arith.constant 768 : i32
    %dma_wait3A_800 = tpu.memref_slice %arg21[%dma_wait3A_799] : memref<1008xf32, #tpu.memory_space<vmem>> -> memref<128xf32, #tpu.memory_space<vmem>>
    %dma_wait3A_801 = arith.constant 768 : i32
    %dma_wait3A_802 = tpu.memref_slice %arg13[%dma_wait3A_801] : memref<1008xi32, #tpu.memory_space<vmem>> -> memref<128xi32, #tpu.memory_space<vmem>>
    %dma_wait3A_803 = arith.constant 0 : i32
    %dma_wait3A_804 = tpu.memref_slice %arg3[%dma_wait3A_803] : memref<16777216xf32, #tpu.memory_space<hbm>> -> memref<16777216xf32, #tpu.memory_space<hbm>>
    tpu.wait_indirect_dma semaphore(%arg31 : memref<!tpu.dma_semaphore, #tpu.memory_space<semaphore_mem>>) src(%dma_wait3A_804 : memref<16777216xf32, #tpu.memory_space<hbm>>) dst(%dma_wait3A_800 : memref<128xf32, #tpu.memory_space<vmem>>)
    %dma_wait3A_805 = arith.constant 768 : i32
    %dma_wait3A_806 = tpu.memref_slice %arg22[%dma_wait3A_805] : memref<1008xf32, #tpu.memory_space<vmem>> -> memref<128xf32, #tpu.memory_space<vmem>>
    %dma_wait3A_807 = arith.constant 768 : i32
    %dma_wait3A_808 = tpu.memref_slice %arg14[%dma_wait3A_807] : memref<1008xi32, #tpu.memory_space<vmem>> -> memref<128xi32, #tpu.memory_space<vmem>>
    %dma_wait3A_809 = arith.constant 0 : i32
    %dma_wait3A_810 = tpu.memref_slice %arg3[%dma_wait3A_809] : memref<16777216xf32, #tpu.memory_space<hbm>> -> memref<16777216xf32, #tpu.memory_space<hbm>>
    tpu.wait_indirect_dma semaphore(%arg31 : memref<!tpu.dma_semaphore, #tpu.memory_space<semaphore_mem>>) src(%dma_wait3A_810 : memref<16777216xf32, #tpu.memory_space<hbm>>) dst(%dma_wait3A_806 : memref<128xf32, #tpu.memory_space<vmem>>)
    %dma_wait3A_811 = arith.constant 768 : i32
    %dma_wait3A_812 = tpu.memref_slice %arg23[%dma_wait3A_811] : memref<1008xf32, #tpu.memory_space<vmem>> -> memref<128xf32, #tpu.memory_space<vmem>>
    %dma_wait3A_813 = arith.constant 768 : i32
    %dma_wait3A_814 = tpu.memref_slice %arg15[%dma_wait3A_813] : memref<1008xi32, #tpu.memory_space<vmem>> -> memref<128xi32, #tpu.memory_space<vmem>>
    %dma_wait3A_815 = arith.constant 0 : i32
    %dma_wait3A_816 = tpu.memref_slice %arg3[%dma_wait3A_815] : memref<16777216xf32, #tpu.memory_space<hbm>> -> memref<16777216xf32, #tpu.memory_space<hbm>>
    tpu.wait_indirect_dma semaphore(%arg31 : memref<!tpu.dma_semaphore, #tpu.memory_space<semaphore_mem>>) src(%dma_wait3A_816 : memref<16777216xf32, #tpu.memory_space<hbm>>) dst(%dma_wait3A_812 : memref<128xf32, #tpu.memory_space<vmem>>)
    %dma_wait3A_817 = arith.constant 768 : i32
    %dma_wait3A_818 = tpu.memref_slice %arg24[%dma_wait3A_817] : memref<1008xf32, #tpu.memory_space<vmem>> -> memref<128xf32, #tpu.memory_space<vmem>>
    %dma_wait3A_819 = arith.constant 768 : i32
    %dma_wait3A_820 = tpu.memref_slice %arg16[%dma_wait3A_819] : memref<1008xi32, #tpu.memory_space<vmem>> -> memref<128xi32, #tpu.memory_space<vmem>>
    %dma_wait3A_821 = arith.constant 0 : i32
    %dma_wait3A_822 = tpu.memref_slice %arg3[%dma_wait3A_821] : memref<16777216xf32, #tpu.memory_space<hbm>> -> memref<16777216xf32, #tpu.memory_space<hbm>>
    tpu.wait_indirect_dma semaphore(%arg31 : memref<!tpu.dma_semaphore, #tpu.memory_space<semaphore_mem>>) src(%dma_wait3A_822 : memref<16777216xf32, #tpu.memory_space<hbm>>) dst(%dma_wait3A_818 : memref<128xf32, #tpu.memory_space<vmem>>)
    %dma_wait3A_823 = arith.constant 768 : i32
    %dma_wait3A_824 = tpu.memref_slice %arg25[%dma_wait3A_823] : memref<1008xf32, #tpu.memory_space<vmem>> -> memref<128xf32, #tpu.memory_space<vmem>>
    %dma_wait3A_825 = arith.constant 768 : i32
    %dma_wait3A_826 = tpu.memref_slice %arg17[%dma_wait3A_825] : memref<1008xi32, #tpu.memory_space<vmem>> -> memref<128xi32, #tpu.memory_space<vmem>>
    %dma_wait3A_827 = arith.constant 0 : i32
    %dma_wait3A_828 = tpu.memref_slice %arg3[%dma_wait3A_827] : memref<16777216xf32, #tpu.memory_space<hbm>> -> memref<16777216xf32, #tpu.memory_space<hbm>>
    tpu.wait_indirect_dma semaphore(%arg31 : memref<!tpu.dma_semaphore, #tpu.memory_space<semaphore_mem>>) src(%dma_wait3A_828 : memref<16777216xf32, #tpu.memory_space<hbm>>) dst(%dma_wait3A_824 : memref<128xf32, #tpu.memory_space<vmem>>)
    %dma_wait3A_829 = arith.constant 768 : i32
    %dma_wait3A_830 = tpu.memref_slice %arg26[%dma_wait3A_829] : memref<1008xf32, #tpu.memory_space<vmem>> -> memref<128xf32, #tpu.memory_space<vmem>>
    %dma_wait3A_831 = arith.constant 768 : i32
    %dma_wait3A_832 = tpu.memref_slice %arg18[%dma_wait3A_831] : memref<1008xi32, #tpu.memory_space<vmem>> -> memref<128xi32, #tpu.memory_space<vmem>>
    %dma_wait3A_833 = arith.constant 0 : i32
    %dma_wait3A_834 = tpu.memref_slice %arg3[%dma_wait3A_833] : memref<16777216xf32, #tpu.memory_space<hbm>> -> memref<16777216xf32, #tpu.memory_space<hbm>>
    tpu.wait_indirect_dma semaphore(%arg31 : memref<!tpu.dma_semaphore, #tpu.memory_space<semaphore_mem>>) src(%dma_wait3A_834 : memref<16777216xf32, #tpu.memory_space<hbm>>) dst(%dma_wait3A_830 : memref<128xf32, #tpu.memory_space<vmem>>)
    %dma_wait3A_835 = arith.constant 896 : i32
    %dma_wait3A_836 = tpu.memref_slice %arg19[%dma_wait3A_835] : memref<1008xf32, #tpu.memory_space<vmem>> -> memref<112xf32, #tpu.memory_space<vmem>>
    %dma_wait3A_837 = arith.constant 896 : i32
    %dma_wait3A_838 = tpu.memref_slice %arg11[%dma_wait3A_837] : memref<1008xi32, #tpu.memory_space<vmem>> -> memref<112xi32, #tpu.memory_space<vmem>>
    %dma_wait3A_839 = arith.constant 0 : i32
    %dma_wait3A_840 = tpu.memref_slice %arg3[%dma_wait3A_839] : memref<16777216xf32, #tpu.memory_space<hbm>> -> memref<16777216xf32, #tpu.memory_space<hbm>>
    tpu.wait_indirect_dma semaphore(%arg31 : memref<!tpu.dma_semaphore, #tpu.memory_space<semaphore_mem>>) src(%dma_wait3A_840 : memref<16777216xf32, #tpu.memory_space<hbm>>) dst(%dma_wait3A_836 : memref<112xf32, #tpu.memory_space<vmem>>)
    %dma_wait3A_841 = arith.constant 896 : i32
    %dma_wait3A_842 = tpu.memref_slice %arg20[%dma_wait3A_841] : memref<1008xf32, #tpu.memory_space<vmem>> -> memref<112xf32, #tpu.memory_space<vmem>>
    %dma_wait3A_843 = arith.constant 896 : i32
    %dma_wait3A_844 = tpu.memref_slice %arg12[%dma_wait3A_843] : memref<1008xi32, #tpu.memory_space<vmem>> -> memref<112xi32, #tpu.memory_space<vmem>>
    %dma_wait3A_845 = arith.constant 0 : i32
    %dma_wait3A_846 = tpu.memref_slice %arg3[%dma_wait3A_845] : memref<16777216xf32, #tpu.memory_space<hbm>> -> memref<16777216xf32, #tpu.memory_space<hbm>>
    tpu.wait_indirect_dma semaphore(%arg31 : memref<!tpu.dma_semaphore, #tpu.memory_space<semaphore_mem>>) src(%dma_wait3A_846 : memref<16777216xf32, #tpu.memory_space<hbm>>) dst(%dma_wait3A_842 : memref<112xf32, #tpu.memory_space<vmem>>)
    %dma_wait3A_847 = arith.constant 896 : i32
    %dma_wait3A_848 = tpu.memref_slice %arg21[%dma_wait3A_847] : memref<1008xf32, #tpu.memory_space<vmem>> -> memref<112xf32, #tpu.memory_space<vmem>>
    %dma_wait3A_849 = arith.constant 896 : i32
    %dma_wait3A_850 = tpu.memref_slice %arg13[%dma_wait3A_849] : memref<1008xi32, #tpu.memory_space<vmem>> -> memref<112xi32, #tpu.memory_space<vmem>>
    %dma_wait3A_851 = arith.constant 0 : i32
    %dma_wait3A_852 = tpu.memref_slice %arg3[%dma_wait3A_851] : memref<16777216xf32, #tpu.memory_space<hbm>> -> memref<16777216xf32, #tpu.memory_space<hbm>>
    tpu.wait_indirect_dma semaphore(%arg31 : memref<!tpu.dma_semaphore, #tpu.memory_space<semaphore_mem>>) src(%dma_wait3A_852 : memref<16777216xf32, #tpu.memory_space<hbm>>) dst(%dma_wait3A_848 : memref<112xf32, #tpu.memory_space<vmem>>)
    %dma_wait3A_853 = arith.constant 896 : i32
    %dma_wait3A_854 = tpu.memref_slice %arg22[%dma_wait3A_853] : memref<1008xf32, #tpu.memory_space<vmem>> -> memref<112xf32, #tpu.memory_space<vmem>>
    %dma_wait3A_855 = arith.constant 896 : i32
    %dma_wait3A_856 = tpu.memref_slice %arg14[%dma_wait3A_855] : memref<1008xi32, #tpu.memory_space<vmem>> -> memref<112xi32, #tpu.memory_space<vmem>>
    %dma_wait3A_857 = arith.constant 0 : i32
    %dma_wait3A_858 = tpu.memref_slice %arg3[%dma_wait3A_857] : memref<16777216xf32, #tpu.memory_space<hbm>> -> memref<16777216xf32, #tpu.memory_space<hbm>>
    tpu.wait_indirect_dma semaphore(%arg31 : memref<!tpu.dma_semaphore, #tpu.memory_space<semaphore_mem>>) src(%dma_wait3A_858 : memref<16777216xf32, #tpu.memory_space<hbm>>) dst(%dma_wait3A_854 : memref<112xf32, #tpu.memory_space<vmem>>)
    %dma_wait3A_859 = arith.constant 896 : i32
    %dma_wait3A_860 = tpu.memref_slice %arg23[%dma_wait3A_859] : memref<1008xf32, #tpu.memory_space<vmem>> -> memref<112xf32, #tpu.memory_space<vmem>>
    %dma_wait3A_861 = arith.constant 896 : i32
    %dma_wait3A_862 = tpu.memref_slice %arg15[%dma_wait3A_861] : memref<1008xi32, #tpu.memory_space<vmem>> -> memref<112xi32, #tpu.memory_space<vmem>>
    %dma_wait3A_863 = arith.constant 0 : i32
    %dma_wait3A_864 = tpu.memref_slice %arg3[%dma_wait3A_863] : memref<16777216xf32, #tpu.memory_space<hbm>> -> memref<16777216xf32, #tpu.memory_space<hbm>>
    tpu.wait_indirect_dma semaphore(%arg31 : memref<!tpu.dma_semaphore, #tpu.memory_space<semaphore_mem>>) src(%dma_wait3A_864 : memref<16777216xf32, #tpu.memory_space<hbm>>) dst(%dma_wait3A_860 : memref<112xf32, #tpu.memory_space<vmem>>)
    %dma_wait3A_865 = arith.constant 896 : i32
    %dma_wait3A_866 = tpu.memref_slice %arg24[%dma_wait3A_865] : memref<1008xf32, #tpu.memory_space<vmem>> -> memref<112xf32, #tpu.memory_space<vmem>>
    %dma_wait3A_867 = arith.constant 896 : i32
    %dma_wait3A_868 = tpu.memref_slice %arg16[%dma_wait3A_867] : memref<1008xi32, #tpu.memory_space<vmem>> -> memref<112xi32, #tpu.memory_space<vmem>>
    %dma_wait3A_869 = arith.constant 0 : i32
    %dma_wait3A_870 = tpu.memref_slice %arg3[%dma_wait3A_869] : memref<16777216xf32, #tpu.memory_space<hbm>> -> memref<16777216xf32, #tpu.memory_space<hbm>>
    tpu.wait_indirect_dma semaphore(%arg31 : memref<!tpu.dma_semaphore, #tpu.memory_space<semaphore_mem>>) src(%dma_wait3A_870 : memref<16777216xf32, #tpu.memory_space<hbm>>) dst(%dma_wait3A_866 : memref<112xf32, #tpu.memory_space<vmem>>)
    %dma_wait3A_871 = arith.constant 896 : i32
    %dma_wait3A_872 = tpu.memref_slice %arg25[%dma_wait3A_871] : memref<1008xf32, #tpu.memory_space<vmem>> -> memref<112xf32, #tpu.memory_space<vmem>>
    %dma_wait3A_873 = arith.constant 896 : i32
    %dma_wait3A_874 = tpu.memref_slice %arg17[%dma_wait3A_873] : memref<1008xi32, #tpu.memory_space<vmem>> -> memref<112xi32, #tpu.memory_space<vmem>>
    %dma_wait3A_875 = arith.constant 0 : i32
    %dma_wait3A_876 = tpu.memref_slice %arg3[%dma_wait3A_875] : memref<16777216xf32, #tpu.memory_space<hbm>> -> memref<16777216xf32, #tpu.memory_space<hbm>>
    tpu.wait_indirect_dma semaphore(%arg31 : memref<!tpu.dma_semaphore, #tpu.memory_space<semaphore_mem>>) src(%dma_wait3A_876 : memref<16777216xf32, #tpu.memory_space<hbm>>) dst(%dma_wait3A_872 : memref<112xf32, #tpu.memory_space<vmem>>)
    %dma_wait3A_877 = arith.constant 896 : i32
    %dma_wait3A_878 = tpu.memref_slice %arg26[%dma_wait3A_877] : memref<1008xf32, #tpu.memory_space<vmem>> -> memref<112xf32, #tpu.memory_space<vmem>>
    %dma_wait3A_879 = arith.constant 896 : i32
    %dma_wait3A_880 = tpu.memref_slice %arg18[%dma_wait3A_879] : memref<1008xi32, #tpu.memory_space<vmem>> -> memref<112xi32, #tpu.memory_space<vmem>>
    %dma_wait3A_881 = arith.constant 0 : i32
    %dma_wait3A_882 = tpu.memref_slice %arg3[%dma_wait3A_881] : memref<16777216xf32, #tpu.memory_space<hbm>> -> memref<16777216xf32, #tpu.memory_space<hbm>>
    tpu.wait_indirect_dma semaphore(%arg31 : memref<!tpu.dma_semaphore, #tpu.memory_space<semaphore_mem>>) src(%dma_wait3A_882 : memref<16777216xf32, #tpu.memory_space<hbm>>) dst(%dma_wait3A_878 : memref<112xf32, #tpu.memory_space<vmem>>)
    %broadcast_in_dim3A = arith.constant 0.000000e+00 : f32
    %broadcast_in_dim3A_883 = vector.broadcast %broadcast_in_dim3A : f32 to vector<16xf32>
    %scan3A_884 = arith.constant 0 : i32
    %scan3A_885 = arith.constant 62 : i32
    %scan3A_886 = arith.addi %scan3A_884, %scan3A_885 : i32
    %scan3A_887 = arith.constant 1 : i32
    %scan3A_888:2 = scf.for %scan3A_958 = %scan3A_884 to %scan3A_886 step %scan3A_887 iter_args(%scan3A_959 = %broadcast_in_dim3A_883, %scan3A_960 = %broadcast_in_dim3A_883) -> (vector<16xf32>, vector<16xf32>)  : i32 {
      %mul3A_961 = arith.constant 16 : i32
      %mul3A_962 = arith.muli %scan3A_958, %mul3A_961 : i32
      %get3A_963 = arith.index_cast %mul3A_962 : i32 to index
      %get3A_964 = tpu.vector_load %arg27[%get3A_963] {strides = array<i32>} : memref<1008xf32, #tpu.memory_space<vmem>>, vector<16xf32>,
      %get3A_965 = vector.shape_cast %get3A_964 : vector<16xf32> to vector<16xf32>
      %get3A_966 = arith.index_cast %mul3A_962 : i32 to index
      %get3A_967 = tpu.vector_load %arg28[%get3A_966] {strides = array<i32>} : memref<1008xf32, #tpu.memory_space<vmem>>, vector<16xf32>,
      %get3A_968 = vector.shape_cast %get3A_967 : vector<16xf32> to vector<16xf32>
      %get3A_969 = arith.index_cast %mul3A_962 : i32 to index
      %get3A_970 = tpu.vector_load %arg29[%get3A_969] {strides = array<i32>} : memref<1008xf32, #tpu.memory_space<vmem>>, vector<16xf32>,
      %get3A_971 = vector.shape_cast %get3A_970 : vector<16xf32> to vector<16xf32>
      %get3A_972 = arith.index_cast %mul3A_962 : i32 to index
      %get3A_973 = tpu.vector_load %arg19[%get3A_972] {strides = array<i32>} : memref<1008xf32, #tpu.memory_space<vmem>>, vector<16xf32>,
      %get3A_974 = vector.shape_cast %get3A_973 : vector<16xf32> to vector<16xf32>
      %get3A_975 = arith.index_cast %mul3A_962 : i32 to index
      %get3A_976 = tpu.vector_load %arg20[%get3A_975] {strides = array<i32>} : memref<1008xf32, #tpu.memory_space<vmem>>, vector<16xf32>,
      %get3A_977 = vector.shape_cast %get3A_976 : vector<16xf32> to vector<16xf32>
      %get3A_978 = arith.index_cast %mul3A_962 : i32 to index
      %get3A_979 = tpu.vector_load %arg21[%get3A_978] {strides = array<i32>} : memref<1008xf32, #tpu.memory_space<vmem>>, vector<16xf32>,
      %get3A_980 = vector.shape_cast %get3A_979 : vector<16xf32> to vector<16xf32>
      %get3A_981 = arith.index_cast %mul3A_962 : i32 to index
      %get3A_982 = tpu.vector_load %arg22[%get3A_981] {strides = array<i32>} : memref<1008xf32, #tpu.memory_space<vmem>>, vector<16xf32>,
      %get3A_983 = vector.shape_cast %get3A_982 : vector<16xf32> to vector<16xf32>
      %get3A_984 = arith.index_cast %mul3A_962 : i32 to index
      %get3A_985 = tpu.vector_load %arg23[%get3A_984] {strides = array<i32>} : memref<1008xf32, #tpu.memory_space<vmem>>, vector<16xf32>,
      %get3A_986 = vector.shape_cast %get3A_985 : vector<16xf32> to vector<16xf32>
      %get3A_987 = arith.index_cast %mul3A_962 : i32 to index
      %get3A_988 = tpu.vector_load %arg24[%get3A_987] {strides = array<i32>} : memref<1008xf32, #tpu.memory_space<vmem>>, vector<16xf32>,
      %get3A_989 = vector.shape_cast %get3A_988 : vector<16xf32> to vector<16xf32>
      %get3A_990 = arith.index_cast %mul3A_962 : i32 to index
      %get3A_991 = tpu.vector_load %arg25[%get3A_990] {strides = array<i32>} : memref<1008xf32, #tpu.memory_space<vmem>>, vector<16xf32>,
      %get3A_992 = vector.shape_cast %get3A_991 : vector<16xf32> to vector<16xf32>
      %get3A_993 = arith.index_cast %mul3A_962 : i32 to index
      %get3A_994 = tpu.vector_load %arg26[%get3A_993] {strides = array<i32>} : memref<1008xf32, #tpu.memory_space<vmem>>, vector<16xf32>,
      %get3A_995 = vector.shape_cast %get3A_994 : vector<16xf32> to vector<16xf32>
      %sub3A_996 = arith.subf %get3A_977, %get3A_974 : vector<16xf32>
      %sub3A_997 = arith.subf %sub3A_996, %get3A_968 : vector<16xf32>
      %abs3A_998 = math.absf %sub3A_997 : vector<16xf32>
      %sub3A_999 = arith.subf %get3A_980, %get3A_983 : vector<16xf32>
      %sub3A_1000 = arith.subf %sub3A_999, %get3A_968 : vector<16xf32>
      %abs3A_1001 = math.absf %sub3A_1000 : vector<16xf32>
      %add3A_1002 = arith.addf %abs3A_998, %abs3A_1001 : vector<16xf32>
      %sub3A_1003 = arith.subf %get3A_995, %get3A_986 : vector<16xf32>
      %sub3A_1004 = arith.subf %sub3A_1003, %get3A_971 : vector<16xf32>
      %abs3A_1005 = math.absf %sub3A_1004 : vector<16xf32>
      %add3A_1006 = arith.addf %add3A_1002, %abs3A_1005 : vector<16xf32>
      %sub3A_1007 = arith.subf %get3A_992, %get3A_989 : vector<16xf32>
      %sub3A_1008 = arith.subf %sub3A_1007, %get3A_971 : vector<16xf32>
      %abs3A_1009 = math.absf %sub3A_1008 : vector<16xf32>
      %add3A_1010 = arith.addf %add3A_1006, %abs3A_1009 : vector<16xf32>
      %mul3A_1011 = arith.mulf %get3A_965, %add3A_1010 : vector<16xf32>
      %add3A_1012 = arith.addf %scan3A_959, %mul3A_1011 : vector<16xf32>
      %add3A_1013 = arith.addf %scan3A_960, %get3A_965 : vector<16xf32>
      scf.yield %add3A_1012, %add3A_1013 : vector<16xf32>, vector<16xf32>
    }
    %scan3A_889 = arith.constant 62 : i32
    %lt3A = arith.constant 8 : i32
    %lt3A_890 = vector.broadcast %lt3A : i32 to vector<16xi32>
    %lt3A_891 = arith.cmpi slt, %iota3A, %lt3A_890 : vector<16xi32>
    %get3A = arith.constant 992 : index
    %get3A_892 = tpu.vector_load %arg27[%get3A] {strides = array<i32>} : memref<1008xf32, #tpu.memory_space<vmem>>, vector<16xf32>,
    %get3A_893 = vector.shape_cast %get3A_892 : vector<16xf32> to vector<16xf32>
    %jit3A = arith.constant 0.000000e+00 : f32
    %broadcast_in_dim3A_894 = vector.broadcast %jit3A : f32 to vector<16xf32>
    %select_n3A = arith.select %lt3A_891, %get3A_893, %broadcast_in_dim3A_894 : vector<16xi1>, vector<16xf32>
    %get3A_895 = arith.constant 992 : index
    %get3A_896 = tpu.vector_load %arg28[%get3A_895] {strides = array<i32>} : memref<1008xf32, #tpu.memory_space<vmem>>, vector<16xf32>,
    %get3A_897 = vector.shape_cast %get3A_896 : vector<16xf32> to vector<16xf32>
    %jit3A_898 = arith.constant 0.000000e+00 : f32
    %broadcast_in_dim3A_899 = vector.broadcast %jit3A_898 : f32 to vector<16xf32>
    %select_n3A_900 = arith.select %lt3A_891, %get3A_897, %broadcast_in_dim3A_899 : vector<16xi1>, vector<16xf32>
    %get3A_901 = arith.constant 992 : index
    %get3A_902 = tpu.vector_load %arg29[%get3A_901] {strides = array<i32>} : memref<1008xf32, #tpu.memory_space<vmem>>, vector<16xf32>,
    %get3A_903 = vector.shape_cast %get3A_902 : vector<16xf32> to vector<16xf32>
    %jit3A_904 = arith.constant 0.000000e+00 : f32
    %broadcast_in_dim3A_905 = vector.broadcast %jit3A_904 : f32 to vector<16xf32>
    %select_n3A_906 = arith.select %lt3A_891, %get3A_903, %broadcast_in_dim3A_905 : vector<16xi1>, vector<16xf32>
    %get3A_907 = arith.constant 992 : index
    %get3A_908 = tpu.vector_load %arg19[%get3A_907] {strides = array<i32>} : memref<1008xf32, #tpu.memory_space<vmem>>, vector<16xf32>,
    %get3A_909 = vector.shape_cast %get3A_908 : vector<16xf32> to vector<16xf32>
    %get3A_910 = arith.constant 992 : index
    %get3A_911 = tpu.vector_load %arg20[%get3A_910] {strides = array<i32>} : memref<1008xf32, #tpu.memory_space<vmem>>, vector<16xf32>,
    %get3A_912 = vector.shape_cast %get3A_911 : vector<16xf32> to vector<16xf32>
    %get3A_913 = arith.constant 992 : index
    %get3A_914 = tpu.vector_load %arg21[%get3A_913] {strides = array<i32>} : memref<1008xf32, #tpu.memory_space<vmem>>, vector<16xf32>,
    %get3A_915 = vector.shape_cast %get3A_914 : vector<16xf32> to vector<16xf32>
    %get3A_916 = arith.constant 992 : index
    %get3A_917 = tpu.vector_load %arg22[%get3A_916] {strides = array<i32>} : memref<1008xf32, #tpu.memory_space<vmem>>, vector<16xf32>,
    %get3A_918 = vector.shape_cast %get3A_917 : vector<16xf32> to vector<16xf32>
    %get3A_919 = arith.constant 992 : index
    %get3A_920 = tpu.vector_load %arg23[%get3A_919] {strides = array<i32>} : memref<1008xf32, #tpu.memory_space<vmem>>, vector<16xf32>,
    %get3A_921 = vector.shape_cast %get3A_920 : vector<16xf32> to vector<16xf32>
    %get3A_922 = arith.constant 992 : index
    %get3A_923 = tpu.vector_load %arg24[%get3A_922] {strides = array<i32>} : memref<1008xf32, #tpu.memory_space<vmem>>, vector<16xf32>,
    %get3A_924 = vector.shape_cast %get3A_923 : vector<16xf32> to vector<16xf32>
    %get3A_925 = arith.constant 992 : index
    %get3A_926 = tpu.vector_load %arg25[%get3A_925] {strides = array<i32>} : memref<1008xf32, #tpu.memory_space<vmem>>, vector<16xf32>,
    %get3A_927 = vector.shape_cast %get3A_926 : vector<16xf32> to vector<16xf32>
    %get3A_928 = arith.constant 992 : index
    %get3A_929 = tpu.vector_load %arg26[%get3A_928] {strides = array<i32>} : memref<1008xf32, #tpu.memory_space<vmem>>, vector<16xf32>,
    %get3A_930 = vector.shape_cast %get3A_929 : vector<16xf32> to vector<16xf32>
    %sub3A = arith.subf %get3A_912, %get3A_909 : vector<16xf32>
    %sub3A_931 = arith.subf %sub3A, %select_n3A_900 : vector<16xf32>
    %abs3A = math.absf %sub3A_931 : vector<16xf32>
    %sub3A_932 = arith.subf %get3A_915, %get3A_918 : vector<16xf32>
    %sub3A_933 = arith.subf %sub3A_932, %select_n3A_900 : vector<16xf32>
    %abs3A_934 = math.absf %sub3A_933 : vector<16xf32>
    %add3A_935 = arith.addf %abs3A, %abs3A_934 : vector<16xf32>
    %sub3A_936 = arith.subf %get3A_930, %get3A_921 : vector<16xf32>
    %sub3A_937 = arith.subf %sub3A_936, %select_n3A_906 : vector<16xf32>
    %abs3A_938 = math.absf %sub3A_937 : vector<16xf32>
    %add3A_939 = arith.addf %add3A_935, %abs3A_938 : vector<16xf32>
    %sub3A_940 = arith.subf %get3A_927, %get3A_924 : vector<16xf32>
    %sub3A_941 = arith.subf %sub3A_940, %select_n3A_906 : vector<16xf32>
    %abs3A_942 = math.absf %sub3A_941 : vector<16xf32>
    %add3A_943 = arith.addf %add3A_939, %abs3A_942 : vector<16xf32>
    %mul3A_944 = arith.mulf %select_n3A, %add3A_943 : vector<16xf32>
    %add3A_945 = arith.addf %scan3A_888#0, %mul3A_944 : vector<16xf32>
    %add3A_946 = arith.addf %scan3A_888#1, %select_n3A : vector<16xf32>
    %swap3A = arith.constant 0 : i32
    %swap3A_947 = arith.index_cast %swap3A : i32 to index
    %swap3A_948 = arith.constant 0 : index
    %swap3A_949 = tpu.vector_load %arg30[%swap3A_947, %swap3A_948] {strides = array<i32>} : memref<2x16xf32, #tpu.memory_space<vmem>>, vector<1x16xf32>,
    %swap3A_950 = vector.shape_cast %swap3A_949 : vector<1x16xf32> to vector<16xf32>
    %swap3A_951 = vector.shape_cast %add3A_945 : vector<16xf32> to vector<1x16xf32>
    tpu.vector_store %arg30[%swap3A_947, %swap3A_948], %swap3A_951 {strides = array<i32>} : memref<2x16xf32, #tpu.memory_space<vmem>>, vector<1x16xf32>,
    %swap3A_952 = arith.constant 1 : i32
    %swap3A_953 = arith.index_cast %swap3A_952 : i32 to index
    %swap3A_954 = arith.constant 0 : index
    %swap3A_955 = tpu.vector_load %arg30[%swap3A_953, %swap3A_954] {strides = array<i32>} : memref<2x16xf32, #tpu.memory_space<vmem>>, vector<1x16xf32>,
    %swap3A_956 = vector.shape_cast %swap3A_955 : vector<1x16xf32> to vector<16xf32>
    %swap3A_957 = vector.shape_cast %add3A_946 : vector<16xf32> to vector<1x16xf32>
    tpu.vector_store %arg30[%swap3A_953, %swap3A_954], %swap3A_957 {strides = array<i32>} : memref<2x16xf32, #tpu.memory_space<vmem>>, vector<1x16xf32>,
    "tpu.region"() ({
      %run_scoped3A = tpu.sem_alloc : memref<!tpu.dma_semaphore, #tpu.memory_space<semaphore_mem>>
      %dma_start3A_958 = arith.constant 0 : i32
      %dma_start3A_959 = arith.constant 0 : i32
      %dma_start3A_960 = tpu.memref_slice %arg6[%add3A, %dma_start3A_958, %dma_start3A_959] : memref<32x2x16xf32, #tpu.memory_space<hbm>> -> memref<1x2x16xf32, #tpu.memory_space<hbm>>
      %dma_start3A_961 = tpu.memref_squeeze %dma_start3A_960 : memref<1x2x16xf32, #tpu.memory_space<hbm>> -> memref<2x16xf32, #tpu.memory_space<hbm>>
      %dma_start3A_962 = arith.constant 0 : i32
      %dma_start3A_963 = arith.constant 0 : i32
      %dma_start3A_964 = tpu.memref_slice %arg6[%add3A, %dma_start3A_962, %dma_start3A_963] : memref<32x2x16xf32, #tpu.memory_space<hbm>> -> memref<1x2x16xf32, #tpu.memory_space<hbm>>
      %dma_start3A_965 = tpu.memref_squeeze %dma_start3A_964 : memref<1x2x16xf32, #tpu.memory_space<hbm>> -> memref<2x16xf32, #tpu.memory_space<hbm>>
      tpu.enqueue_dma source(%arg30 : memref<2x16xf32, #tpu.memory_space<vmem>>) target(%dma_start3A_965 : memref<2x16xf32, #tpu.memory_space<hbm>>) target_semaphore(%run_scoped3A : memref<!tpu.dma_semaphore, #tpu.memory_space<semaphore_mem>>)
      %dma_wait3A_966 = arith.constant 0 : i32
      %dma_wait3A_967 = arith.constant 0 : i32
      %dma_wait3A_968 = tpu.memref_slice %arg6[%add3A, %dma_wait3A_966, %dma_wait3A_967] : memref<32x2x16xf32, #tpu.memory_space<hbm>> -> memref<1x2x16xf32, #tpu.memory_space<hbm>>
      %dma_wait3A_969 = tpu.memref_squeeze %dma_wait3A_968 : memref<1x2x16xf32, #tpu.memory_space<hbm>> -> memref<2x16xf32, #tpu.memory_space<hbm>>
      %dma_wait3A_970 = arith.constant 0 : i32
      %dma_wait3A_971 = arith.constant 0 : i32
      %dma_wait3A_972 = tpu.memref_slice %arg6[%add3A, %dma_wait3A_970, %dma_wait3A_971] : memref<32x2x16xf32, #tpu.memory_space<hbm>> -> memref<1x2x16xf32, #tpu.memory_space<hbm>>
      %dma_wait3A_973 = tpu.memref_squeeze %dma_wait3A_972 : memref<1x2x16xf32, #tpu.memory_space<hbm>> -> memref<2x16xf32, #tpu.memory_space<hbm>>
      tpu.wait_dma2 semaphore(%run_scoped3A : memref<!tpu.dma_semaphore, #tpu.memory_space<semaphore_mem>>) src(%arg30 : memref<2x16xf32, #tpu.memory_space<vmem>>) dst(%dma_wait3A_973 : memref<2x16xf32, #tpu.memory_space<hbm>>)
      tpu.yield
    }) : () -> ()
    return
  }
}

module attributes {stable_mosaic.version = 14 : i64} {
  func.func @_dense_body(%arg0: i32, %arg1: memref<2048x512xf32, #tpu.memory_space<vmem>>, %arg2: memref<2048x512xf32, #tpu.memory_space<vmem>>, %arg3: memref<2048x512xf32, #tpu.memory_space<vmem>>, %arg4: memref<1x1xf32, #tpu.memory_space<smem>>, %arg5: memref<1x1xf32, #tpu.memory_space<smem>>) attributes {dimension_semantics = [#tpu.dimension_semantics<arbitrary>], iteration_bounds = array<i64: 16>, scalar_prefetch = 0 : i64, scratch_operands = 0 : i64, tpu.core_type = #tpu.core_type<tc>, window_params = [{transform_indices = @transform_0, window_bounds = array<i64: 2048, 512>}, {transform_indices = @transform_1, window_bounds = array<i64: 2048, 512>}, {transform_indices = @transform_2, window_bounds = array<i64: 2048, 512>}, {transform_indices = @transform_3, window_bounds = array<i64: 1, 1>}, {transform_indices = @transform_4, window_bounds = array<i64: 1, 1>}]} {
    %eq3A = arith.constant 0 : i32
    %eq3A_0 = arith.cmpi eq, %arg0, %eq3A : i32
    %convert_element_type3A = arith.extui %eq3A_0 : i1 to i32
    %cond3A = arith.constant 0 : i32
    %cond3A_1 = arith.cmpi ne, %convert_element_type3A, %cond3A : i32
    scf.if %cond3A_1 {
      %swap3A_32 = arith.constant 0.000000e+00 : f32
      %swap3A_33 = arith.constant 0 : index
      %swap3A_34 = arith.constant 0 : index
      %swap3A_35 = memref.load %arg4[%swap3A_33, %swap3A_34] : memref<1x1xf32, #tpu.memory_space<smem>>
      memref.store %swap3A_32, %arg4[%swap3A_33, %swap3A_34] : memref<1x1xf32, #tpu.memory_space<smem>>
      %swap3A_36 = arith.constant 0.000000e+00 : f32
      %swap3A_37 = arith.constant 0 : index
      %swap3A_38 = arith.constant 0 : index
      %swap3A_39 = memref.load %arg5[%swap3A_37, %swap3A_38] : memref<1x1xf32, #tpu.memory_space<smem>>
      memref.store %swap3A_36, %arg5[%swap3A_37, %swap3A_38] : memref<1x1xf32, #tpu.memory_space<smem>>
    } else {
    }
    %get3A = arith.constant 0 : index
    %get3A_2 = arith.constant 0 : index
    %get3A_3 = vector.load %arg3[%get3A, %get3A_2] : memref<2048x512xf32, #tpu.memory_space<vmem>>, vector<2048x512xf32>
    %get3A_4 = arith.constant 0 : index
    %get3A_5 = arith.constant 0 : index
    %get3A_6 = memref.load %arg4[%get3A_4, %get3A_5] : memref<1x1xf32, #tpu.memory_space<smem>>
    %get3A_7 = arith.constant 0 : index
    %get3A_8 = arith.constant 0 : index
    %get3A_9 = vector.load %arg1[%get3A_7, %get3A_8] : memref<2048x512xf32, #tpu.memory_space<vmem>>, vector<2048x512xf32>
    %mul3A = arith.mulf %get3A_9, %get3A_3 : vector<2048x512xf32>
    %get3A_10 = arith.constant 0 : index
    %get3A_11 = arith.constant 0 : index
    %get3A_12 = vector.load %arg2[%get3A_10, %get3A_11] : memref<2048x512xf32, #tpu.memory_space<vmem>>, vector<2048x512xf32>
    %mul3A_13 = arith.mulf %get3A_12, %get3A_3 : vector<2048x512xf32>
    %sub3A = arith.subf %mul3A, %mul3A_13 : vector<2048x512xf32>
    %abs3A = math.absf %sub3A : vector<2048x512xf32>
    %reduce_sum3A = vector.shape_cast %abs3A : vector<2048x512xf32> to vector<1x2048x512xf32>
    %reduce_sum3A_14 = arith.constant dense<0.000000e+00> : vector<1xf32>
    %reduce_sum3A_15 = vector.multi_reduction <add>, %reduce_sum3A, %reduce_sum3A_14 [1, 2] : vector<1x2048x512xf32> to vector<1xf32>
    %reduce_sum3A_16 = vector.shape_cast %reduce_sum3A_15 : vector<1xf32> to vector<1x1x1xf32>
    %reduce_sum3A_17 = vector.extract %reduce_sum3A_16[0, 0, 0] : f32 from vector<1x1x1xf32>
    %add3A = arith.addf %get3A_6, %reduce_sum3A_17 : f32
    %swap3A = arith.constant 0 : index
    %swap3A_18 = arith.constant 0 : index
    %swap3A_19 = memref.load %arg4[%swap3A, %swap3A_18] : memref<1x1xf32, #tpu.memory_space<smem>>
    memref.store %add3A, %arg4[%swap3A, %swap3A_18] : memref<1x1xf32, #tpu.memory_space<smem>>
    %get3A_20 = arith.constant 0 : index
    %get3A_21 = arith.constant 0 : index
    %get3A_22 = memref.load %arg5[%get3A_20, %get3A_21] : memref<1x1xf32, #tpu.memory_space<smem>>
    %reduce_sum3A_23 = vector.shape_cast %get3A_3 : vector<2048x512xf32> to vector<1x2048x512xf32>
    %reduce_sum3A_24 = arith.constant dense<0.000000e+00> : vector<1xf32>
    %reduce_sum3A_25 = vector.multi_reduction <add>, %reduce_sum3A_23, %reduce_sum3A_24 [1, 2] : vector<1x2048x512xf32> to vector<1xf32>
    %reduce_sum3A_26 = vector.shape_cast %reduce_sum3A_25 : vector<1xf32> to vector<1x1x1xf32>
    %reduce_sum3A_27 = vector.extract %reduce_sum3A_26[0, 0, 0] : f32 from vector<1x1x1xf32>
    %add3A_28 = arith.addf %get3A_22, %reduce_sum3A_27 : f32
    %swap3A_29 = arith.constant 0 : index
    %swap3A_30 = arith.constant 0 : index
    %swap3A_31 = memref.load %arg5[%swap3A_29, %swap3A_30] : memref<1x1xf32, #tpu.memory_space<smem>>
    memref.store %add3A_28, %arg5[%swap3A_29, %swap3A_30] : memref<1x1xf32, #tpu.memory_space<smem>>
    return
  }
  func.func @transform_0(%arg0: i32) -> (i32, i32) {
    %add3A = arith.constant 0 : i32
    %add3A_0 = arith.addi %arg0, %add3A : i32
    %c0_i32 = arith.constant 0 : i32
    %c0_i32_1 = arith.constant 0 : i32
    return %add3A_0, %c0_i32 : i32, i32
  }
  func.func @transform_1(%arg0: i32) -> (i32, i32) {
    %add3A = arith.constant 0 : i32
    %add3A_0 = arith.addi %arg0, %add3A : i32
    %c0_i32 = arith.constant 0 : i32
    %c0_i32_1 = arith.constant 0 : i32
    return %add3A_0, %c0_i32 : i32, i32
  }
  func.func @transform_2(%arg0: i32) -> (i32, i32) {
    %add3A = arith.constant 0 : i32
    %add3A_0 = arith.addi %arg0, %add3A : i32
    %c0_i32 = arith.constant 0 : i32
    %c0_i32_1 = arith.constant 0 : i32
    return %add3A_0, %c0_i32 : i32, i32
  }
  func.func @transform_3(%arg0: i32) -> (i32, i32) {
    %c0_i32 = arith.constant 0 : i32
    %c0_i32_0 = arith.constant 0 : i32
    %c0_i32_1 = arith.constant 0 : i32
    return %c0_i32, %c0_i32_0 : i32, i32
  }
  func.func @transform_4(%arg0: i32) -> (i32, i32) {
    %c0_i32 = arith.constant 0 : i32
    %c0_i32_0 = arith.constant 0 : i32
    %c0_i32_1 = arith.constant 0 : i32
    return %c0_i32, %c0_i32_0 : i32, i32
  }
}

</mosaic_0001>

<sc_bundles>
// kernel: kernel.4.cloned.1.call-start
scs
__scs_entry_jumppad:
0x0: {  	(pc) =	sbr.rel $0x88, $3  }
0x1: {  	(tag) =	ssettag $0x0;
	lr =	simm.s32 $0x1  }
0x2: {  	[smem:$0x3F9B] =	sst lr;
	_ =	strace $0xD0000000  }
0x3: {  	_ = 	snop  }
0x4: {  	_ = 	snop  }
0x5: {  	_ = 	snop  }
0x6: {  	_ = 	snop  }
0x7: {  	_ = 	snop  }
__scs_overlays_trampoline_lowered:
0x8: {  	[smem:$0x3FAA] =	sst s0  }
0x9: {  	[smem:$0x3FAB] =	sst s1  }
0xa: {  	[smem:$0x3FAC] =	sst s2  }
0xb: {  	[smem:$0x3FAD] =	sst s3  }
0xc: {  	[smem:$0x3FAE] =	sst s4  }
0xd: {  	[smem:$0x3FAF] =	sst s5  }
0xe: {  	[smem:$0x3FB0] =	sst s6  }
0xf: {  	[smem:$0x3FB1] =	sst s7  }
0x10: {  	[smem:$0x3FB2] =	sst s8  }
0x11: {  	[smem:$0x3FB3] =	sst s9;
	s0 =	simm.s32 @!p0 $0x0  }
0x12: {  	s1 =	sld [smem:$0x3F99];
	s0 =	simm.s32 @p0 $0x1  }
0x13: {  	[smem:$0x3FB4] =	sst s0;
	s0 =	simm.s32 @!p1 $0x0  }
0x14: {  	s2 =	sld [smem:$0x3F98];
	s0 =	simm.s32 @p1 $0x1  }
0x15: {  	[smem:$0x3FB5] =	sst s0;
	s0 =	simm.s32 @!p2 $0x0  }
0x16: {  	s3 =	sld [smem:$0x3FDB];
	s0 =	simm.s32 @p2 $0x1  }
0x17: {  	s4 =	simm.s32 $0x1BF5;
	[smem:$0x3FB7] =	sst s0  }
0x18: {  	s0 =	sld [smem:$0x3F9A];
	_ =	swait.ge [sflag:s4], $0x0  }
0x19: {  	s7 =	sld [smem:$0x3F9B]  }
0x1a: {  	s8 =	sadd.s32 $0xFFFFE003, lr  }
0x1b: {  	s9 =	sadd.s32 $0xFFFFFEF7, lr;
	s5 =	simm.s32 $0xFFFFFFFF;
	p2 =	slt.u32 s8, $0xFFFFF086  }
0x1c: {  	p1 =	slt.u32 s9, $0xF7A;
	s5 =	simm.s32 @!p2 $0x0  }
0x1d: {  	s5 =	simm.s32 @p1 $0x1;
	p0 =	seq.s32 s7, s2  }
0x1e: {  	s7 =	smul.u32 @!p0 $0xF7A, s2;
	p2 =	seq.s32 @!p0 s5, $0x0  }
0x1f: {  	s9 =	smul.u32 $0xF7A, s1;
	s8 =	simm.s32 @!p0 $0x1BF5;
	p2 =	por !p2, p0  }
0x20: {  	[sflag:s8] =	ssyncset.s32 @!p0 $0xFFFFF086;
	s6 =	sadd.s32 @!p0 s3, s7;
	s7 =	simm.s32 @!p0 $0x108  }
0x21: {  	s3 =	sadd.s32 s3, s9;
	s6 =	sadd.s32 @!p0 $0x88, s6;
	s7 =	simm.s32 @p2 $0x1082  }
0x22: {  	[simem:s7], [sflag:s8] =	dma.local @!p0 [hbm:s6], $0xF7A  }
0x23: {  	s9 =	sor.u32 $0xD0000000, s2;
	s6 =	simm.s32 $0x108;
	_ =	swait.ge @!p0 [sflag:s8], $0x0  }
0x24: {  	s3 =	sadd.s32 $0x88, s3;
	s6 =	simm.s32 @!p1 $0x1082;
	[sflag:s4] =	ssyncset.s32 $0xFFFFF086  }
0x25: {  	[simem:s6], [sflag:s4] =	dma.local [hbm:s3], $0xF7A  }
0x26: {  	[smem:$0x3F9B] =	sst s1;
	(tag) =	ssettag s2;
	_ =	strace s9  }
0x27: {  	s1 =	sld [smem:$0x3FAB]  }
0x28: {  	s2 =	sld [smem:$0x3FAC]  }
0x29: {  	s4 =	sld [smem:$0x3FAE]  }
0x2a: {  	p0 =	seq.s32 s5, $0x0;
	s5 =	sld [smem:$0x3FAF]  }
0x2b: {  	s6 =	sld [smem:$0x3FB0]  }
0x2c: {  	s7 =	sld [smem:$0x3FB1]  }
0x2d: {  	s3 =	simm.s32 $0x108;
	s8 =	sld [smem:$0x3FB2]  }
0x2e: {  	s3 =	simm.s32 @!p0 $0x1082;
	s9 =	sld [smem:$0x3FB3]  }
0x2f: {  	lr =	sadd.s32 s0, s3;
	s0 =	sld [smem:$0x3FAA]  }
0x30: {  	s3 =	sld [smem:$0x3FAD]  }
0x31: {  	[smem:$0x3FB6] =	sst s10  }
0x32: {  	s10 =	sld [smem:$0x3FB4];
	_ =	sdelay $0x3  }
0x33: {  	p0 =	seq.s32 s10, $0x1;
	s10 =	sld [smem:$0x3FB6];
	_ =	sdelay $0x3  }
0x34: {  	[smem:$0x3FB6] =	sst s10  }
0x35: {  	s10 =	sld [smem:$0x3FB5];
	_ =	sdelay $0x3  }
0x36: {  	p1 =	seq.s32 s10, $0x1;
	s10 =	sld [smem:$0x3FB6];
	_ =	sdelay $0x3  }
0x37: {  	[smem:$0x3FB6] =	sst s10  }
0x38: {  	s10 =	sld [smem:$0x3FB7]  }
0x39: {  	_ = 	snop;
	(pc) =	sbr.ind lr, $3  }
0x3a: {  	_ = 	snop  }
0x3b: {  	_ = 	snop  }
0x3c: {  	p2 =	seq.s32 s10, $0x1;
	s10 =	sld [smem:$0x3FB6]  }
0x3d: {  	_ =	shalt  }
0x3e: {  	_ =	shalt  }
0x3f: {  	_ =	shalt  }
0x40: {  	_ =	shalt  }
0x41: {  	_ =	shalt  }
0x42: {  	_ =	shalt  }
0x43: {  	_ =	shalt  }
0x44: {  	_ =	shalt  }
0x45: {  	_ =	shalt  }
0x46: {  	_ =	shalt  }
0x47: {  	_ =	shalt  }
0x48: {  	_ =	shalt  }
0x49: {  	_ =	shalt  }
0x4a: {  	_ =	shalt  }
0x4b: {  	_ =	shalt  }
0x4c: {  	_ =	shalt  }
0x4d: {  	_ =	shalt  }
0x4e: {  	_ =	shalt  }
0x4f: {  	_ =	shalt  }
0x50: {  	_ =	shalt  }
0x51: {  	_ =	shalt  }
0x52: {  	_ =	shalt  }
0x53: {  	_ =	shalt  }
0x54: {  	_ =	shalt  }
0x55: {  	_ =	shalt  }
0x56: {  	_ =	shalt  }
0x57: {  	_ =	shalt  }
0x58: {  	_ =	shalt  }
0x59: {  	_ =	shalt  }
0x5a: {  	_ =	shalt  }
0x5b: {  	_ =	shalt  }
0x5c: {  	_ =	shalt  }
0x5d: {  	_ =	shalt  }
0x5e: {  	_ =	shalt  }
0x5f: {  	_ =	shalt  }
0x60: {  	_ =	shalt  }
0x61: {  	_ =	shalt  }
0x62: {  	_ =	shalt  }
0x63: {  	_ =	shalt  }
0x64: {  	_ =	shalt  }
0x65: {  	_ =	shalt  }
0x66: {  	_ =	shalt  }
0x67: {  	_ =	shalt  }
0x68: {  	_ =	shalt  }
0x69: {  	_ =	shalt  }
0x6a: {  	_ =	shalt  }
0x6b: {  	_ =	shalt  }
0x6c: {  	_ =	shalt  }
0x6d: {  	_ =	shalt  }
0x6e: {  	_ =	shalt  }
0x6f: {  	_ =	shalt  }
0x70: {  	_ =	shalt  }
0x71: {  	_ =	shalt  }
0x72: {  	_ =	shalt  }
0x73: {  	_ =	shalt  }
0x74: {  	_ =	shalt  }
0x75: {  	_ =	shalt  }
0x76: {  	_ =	shalt  }
0x77: {  	_ =	shalt  }
0x78: {  	_ =	shalt  }
0x79: {  	_ =	shalt  }
0x7a: {  	_ =	shalt  }
0x7b: {  	_ =	shalt  }
0x7c: {  	_ =	shalt  }
0x7d: {  	_ =	shalt  }
0x7e: {  	_ =	shalt  }
0x7f: {  	_ =	shalt  }
0x80: {  	_ =	shalt  }
0x81: {  	_ =	shalt  }
0x82: {  	_ =	shalt  }
0x83: {  	_ =	shalt  }
0x84: {  	_ =	shalt  }
0x85: {  	_ =	shalt  }
0x86: {  	_ =	shalt  }
0x87: {  	_ =	shalt  }
.Lfunc_end0:
.L_simem_size_0:
called_computation.1_lowered:
.L_overlay_start_0:
0x88: {  	s2 =	sld [smem:$0x3FD9]  }
0x89: {  	s3 =	sld [smem:$0x3FFE];
	_ =	sdelay $0x1  }
0x8a: {  	s1 =	srdreg.scid  }
0x8b: {  	s0 =	sand.u32 $0x1, s1  }
0x8c: {  	s16 =	sshll.u32 s0, $0xA;
	s2 =	sadd.s32 s3, s2  }
0x8d: {  	s2 =	sadd.s32 s2, s16  }
0x8e: {  	[smem:$0x3FC2] =	sst s2  }
0x8f: {  	_ = 	snop  }
0x90: {  	(tm) =	ssettm $0x1  }
0x91: {  	s17 =	sld [smem:$0x3FFB];
	_ =	sdelay $0x3  }
0x92: {  	_ =	strace s17  }
0x93: {  	s2 =	sld [smem:$0x3FFC];
	_ =	sdelay $0x3  }
0x94: {  	_ =	strace s2  }
0x95: {  	s2 =	sld [smem:$0x3FFD];
	_ =	sdelay $0x3  }
0x96: {  	_ =	strace s2  }
0x97: {  	_ =	strace $0x8FFFFFFF  }
0x98: {  	s18 =	sld [smem:$0x3FDB];
	_ =	sdelay $0x1  }
0x99: {  	s19 =	simm.s32 $_scs_section_size  }
0x9a: {  	s4 =	simm.s32 $_size__tile_overlayer_lowered;
	s5 =	simm.s32 $_tile_overlayer_lowered  }
0x9b: {  	s22 =	simm.s32 $0x1BFF;
	s21 =	sshll.u32 s5, $0x1;
	s2 =	sadd.s32 s19, s18  }
0x9c: {  	s6 =	simm.s32 $0x0;
	s20 =	sshll.u32 s4, $0x1;
	s4 =	sadd.s32 s21, s2  }
0x9d: {  	[timem:s6], [sflag:s22] =	dma.local [hbm:s4], s20  }
0x9e: {  	_ =	swait.ge [sflag:s22], s20  }
0x9f: {  	s3 =	ssub.s32 $0x0, s20;
	[sflag:s22] =	ssyncset.done $0x0  }
0xa0: {  	[sflag:s22] =	ssyncadd.s32 s3;
	_ =	sdelay $0x1  }
0xa1: {  	s23 =	simm.s32 $0x1B8B  }
0xa2: {  	_ =	swait.ge [sflag:s23], $0x1  }
0xa3: {  	[sflag:s23] =	ssyncset.done $0x0  }
0xa4: {  	s25 =	simm.s32 $0x1B8E;
	s24 =	sld [smem:$0x3FFE];
	[sflag:s23] =	ssyncadd.s32 $0xFFFFFFFF  }
0xa5: {  	s26 =	simm.s32 $execute0_lowered;
	[smem:$0x3FD2] =	sst s25  }
0xa6: {  	s4 =	sshll.u32 s26, $0x1;
	_ =	strace $0x80000049;
	[dreg:$0x1] =	wrdreg $0xFFFFFFFF  }
0xa7: {  	s28 =	simm.s32 $_size_execute0_lowered;
	s2 =	sadd.s32 s2, s4;
	[dreg:$0x0] =	wrdreg $0x0  }
0xa8: {  	s4 =	sshll.u32 s28, $0x1;
	[dreg:$0x2] =	wrdreg s2  }
0xa9: {  	[dreg:$0x3] =	wrdreg s4  }
0xaa: {  	[dreg:$0x4] =	wrdreg $0xC0  }
0xab: {  	_ =	task [dreg:s6], $0x5FFFF  }
0xac: {  	[dreg:$0x1] =	wrdreg $0xFFFFFFFF  }
0xad: {  	[dreg:$0x0] =	wrdreg $0x60  }
0xae: {  	[dreg:$0x2] =	wrdreg s24  }
0xaf: {  	[dreg:$0x3] =	wrdreg $0x9  }
0xb0: {  	_ =	task.clear_ibuf [dreg:s6], $0x4FFFF;
	_ =	strace $0x90000049  }
0xb1: {  	s29 =	simm.s32 $0x9;
	_ =	strace $0x8000004B  }
0xb2: {  	_ =	swait.ge [sflag:s29], $0x1  }
0xb3: {  	[sflag:s29] =	ssyncadd.s32 $0xFFFFFFFF  }
0xb4: {  	_ =	strace $0x9000004B  }
0xb5: {  	_ =	sfence  }
0xb6: {  	s30 =	sld [smem:$0x0];
	_ =	sdelay $0x2  }
0xb7: {  	s31 =	sshll.u32 s1, $0xD;
	s1 =	sshrl.u32 s1, $0x2  }
0xb8: {  	s3 =	sand.u32 $0x4000, s31;
	s1 =	sadd.s32 s1, s30  }
0xb9: {  	s0 =	sor.u32 s3, s0;
	s1 =	sshll.u32 s1, $0x11  }
0xba: {  	s0 =	sor.u32 s1, s0  }
0xbb: {  	s0 =	sadd.s32 $0x8F2B, s0  }
0xbc: {  	[sflag:s0] =	ssyncadd.remote.s32 $0x1  }
0xbd: {  	_ =	sfence.sel $0xFFFF  }
0xbe: {  	[dreg:$0x0] =	wrdreg $0xFFFFFFFF;
	(pc) =	sbr.abs _section_cstart, $3  }
0xbf: {  	[dreg:$0x1] =	wrdreg $0xFFFFFFFF  }
0xc0: {  	_ =	task.clear_ibuf [dreg:s6], $0x2FFFF;
	_ =	strace $0x9FFFFFFF  }
0xc1: {  	(tm) =	ssettm $0x7FFFFFFF  }
tec
execute0_lowered:
.L_overlay_start_1:
0x0: {  	(tag) =	ssettag $0x1  }
0x1: {  	s0 =	srdreg.scid  }
0x2: {  	s2 =	stileid.u32;
	s1 =	rddreg [dreg:$0x0];
	s19 =	simm.s32 $0x1  }
0x3: {  	s20 =	simm.s32 $0x80;
	s25 =	simm.s32 $0x70;
	s13 =	simm.s32 $0x3F80  }
0x4: {  	s14 =	simm.s32 $0x2380;
	s15 =	simm.s32 $0x4380;
	s16 =	simm.s32 $0x2780  }
0x5: {  	s17 =	simm.s32 $0x4780;
	s18 =	simm.s32 $0x2B80;
	s22 =	simm.s32 $0x2F80  }
0x6: {  	s23 =	simm.s32 $0x4F80;
	s24 =	simm.s32 $0x5C00;
	s26 =	simm.s32 $0x2  }
0x7: {  	s28 =	simm.s32 $0x0;
	s0 =	sand.u32 $0x1, s0;
	s3 =	sshll.u32 s2, $0x1  }
0x8: {  	s2 =	simm.s32 $0x0;
	s5 =	sadd.s32 $0x200800, s1;
	s10 =	sadd.s32 $0x204800, s1  }
0x9: {  	s11 =	sor.u32 s0, s3;
	[smem:$0x7FF] =	sst s2;
	s3 =	sadd.s32 $0x800, s1  }
0xa: {  	s0 =	ssub.s32 $0x2, s0;
	s8 =	smul.u32 $0x7D, s11;
	_ =	strace $0x8000004A  }
0xb: {  	s4 =	smul.u32 $0x3E8, s11;
	s31 =	sshrl.u32 s0, $0x1;
	s21 =	sshll.u32 s11, $0x13  }
0xc: {  	s6 =	sshll.u32 s11, $0x5;
	s0 =	ssub.s32 s0, s31;
	v0 =	vmov s21;
	s21 =	simm.s32 $0x4B80  }
0xd: {  	s9 =	sadd.s32 s8, s1;
	s1 =	sadd.s32 s6, s1;
	s4 =	sshrl.u32 s4, $0x3  }
0xe: {  	s12 =	sadd.s32 $0xFA0, s4;
	s7 =	sadd.s32 s5, s4;
	s4 =	sadd.s32 s5, s8  }
0xf: {  	s8 =	sadd.s32 s10, s8;
	s9 =	sadd.s32 $0x206800, s9;
	s11 =	sadd.s32 $0x207800, s1  }
0x10: {  	s5 =	sadd.s32 s5, s12;
	s6 =	sadd.s32 $0x1F40, s7;
	s7 =	sadd.s32 $0x2EE0, s7  }
0x11: {  	vm0 =	vmmov $0xff;
	v1 =	vor.u32 $0x40000, v0;
	s10 =	sadd.s32 s10, s12;
	s12 =	smax.u32 s0, $0x1;
	s0 =	simm.s32 $0x1F80  }
.LBB2_1:
0x12: {  	[tilespmem:s2], [sflag:$0x1] =	stream.linear.gather [hbm4b:s4+s2], $0x3E8, $0x38;
	[tilespmem:$0x5D00] =	vst v63  }
0x13: {  	s1 =	simm.s32 $0x400  }
0x14: {  	[tilespmem:s1], [sflag:$0x1] =	stream.linear.gather [hbm4b:s5+s2], $0x3E8, $0x38;
	[tilespmem:$0x5D00] =	vst v63  }
0x15: {  	s1 =	simm.s32 $0x800  }
0x16: {  	[tilespmem:s1], [sflag:$0x1] =	stream.linear.gather [hbm4b:s6+s2], $0x3E8, $0x38;
	[tilespmem:$0x5D00] =	vst v63  }
0x17: {  	s1 =	simm.s32 $0xC00  }
0x18: {  	[tilespmem:s1], [sflag:$0x1] =	stream.linear.gather [hbm4b:s7+s2], $0x3E8, $0x38;
	[tilespmem:$0x5D00] =	vst v63  }
0x19: {  	s1 =	simm.s32 $0x5400  }
0x1a: {  	[tilespmem:s1], [sflag:$0x1] =	stream.linear.gather [hbm4b:s8+s2], $0x3E8, $0x38;
	[tilespmem:$0x5D00] =	vst v63  }
0x1b: {  	s1 =	simm.s32 $0x5800  }
0x1c: {  	[tilespmem:s1], [sflag:$0x1] =	stream.linear.gather [hbm4b:s10+s2], $0x3E8, $0x38;
	[tilespmem:$0x5D00] =	vst v63  }
0x1d: {  	s1 =	simm.s32 $0x5000  }
0x1e: {  	[tilespmem:s1], [sflag:$0x1] =	stream.linear.gather [hbm4b:s9+s2], $0x3E8, $0x38;
	[tilespmem:$0x5D00] =	vst v63  }
0x1f: {  	_ =	swait.ge [sflag:s19], $0x3E8  }
0x20: {  	[sflag:s19] =	ssyncset.done $0x0  }
0x21: {  	[sflag:s19] =	ssyncadd.s32 $0xFFFFFC18  }
0x22: {  	_ =	swait.ge [sflag:s19], $0x3E8  }
0x23: {  	[sflag:s19] =	ssyncset.done $0x0  }
0x24: {  	[sflag:s19] =	ssyncadd.s32 $0xFFFFFC18  }
0x25: {  	_ =	swait.ge [sflag:s19], $0x3E8  }
0x26: {  	[sflag:s19] =	ssyncset.done $0x0  }
0x27: {  	[sflag:s19] =	ssyncadd.s32 $0xFFFFFC18  }
0x28: {  	_ =	swait.ge [sflag:s19], $0x3E8  }
0x29: {  	[sflag:s19] =	ssyncset.done $0x0  }
0x2a: {  	[sflag:s19] =	ssyncadd.s32 $0xFFFFFC18  }
0x2b: {  	_ =	swait.ge [sflag:s19], $0x3E8  }
0x2c: {  	[sflag:s19] =	ssyncset.done $0x0  }
0x2d: {  	[sflag:s19] =	ssyncadd.s32 $0xFFFFFC18  }
0x2e: {  	_ =	swait.ge [sflag:s19], $0x3E8  }
0x2f: {  	[sflag:s19] =	ssyncset.done $0x0  }
0x30: {  	[sflag:s19] =	ssyncadd.s32 $0xFFFFFC18  }
0x31: {  	_ =	swait.ge [sflag:s19], $0x3E8  }
0x32: {  	[sflag:s19] =	ssyncset.done $0x0  }
0x33: {  	s30 =	simm.s32 $0x0;
	[sflag:s19] =	ssyncadd.s32 $0xFFFFFC18  }
0x34: {  	v2 =	vld [tilespmem:s30+$0xC00];
	_ =	sdelay $0x1  }
0x35: {  	v3 =	vld [tilespmem:s30+$0x0];
	_ =	sdelay $0x1  }
0x36: {  	s29 =	simm.s32 $0x10;
	v4 =	vld [tilespmem:s30+$0x400]  }
0x37: {  	v9 =	vld [tilespmem:s29+$0x0];
	vm1 =	vgt.s32 v2, $0x0  }
0x38: {  	v5 =	vld [tilespmem:s30+$0x800];
	v2 =	vnsel vm1, $0x0, v2  }
0x39: {  	v8 =	vld [tilespmem:s29+$0xC00];
	vm1 =	vgt.s32 v3, $0x0;
	v7 =	vmin.u32 v2, $0x3FFFF  }
0x3a: {  	v3 =	vnsel vm1, $0x0, v3;
	v2 =	vor.u32 v1, v7  }
0x3b: {  	vm1 =	vgt.s32 v4, $0x0;
	v6 =	vmin.u32 v3, $0x3FFFF;
	[tilespmem:s30+$0x2C00] =	vst v2  }
0x3c: {  	vm2 =	vgt.s32 v9, $0x0;
	v4 =	vnsel vm1, $0x0, v4;
	v10 =	vor.u32 v0, v6;
	v3 =	vld [tilespmem:s29+$0x400]  }
0x3d: {  	vm1 =	vgt.s32 v5, $0x0;
	v4 =	vmin.u32 v4, $0x3FFFF;
	v6 =	vor.u32 v1, v6;
	v2 =	vld [tilespmem:s29+$0x800];
	[tilespmem:s30+$0x1000] =	vst v10  }
0x3e: {  	v5 =	vnsel vm1, $0x0, v5;
	vm1 =	vgt.s32 v8, $0x0;
	v63 =	vor.u32 v0, v4;
	[tilespmem:s30+$0x2000] =	vst v6  }
0x3f: {  	v5 =	vmin.u32 v5, $0x3FFFF;
	v4 =	vor.u32 v1, v4;
	v8 =	vnsel vm1, $0x0, v8;
	[tilespmem:s30+$0x1400] =	vst v63  }
0x40: {  	v11 =	vor.u32 v0, v5;
	v6 =	vor.u32 v1, v5;
	v5 =	vor.u32 v0, v7;
	[tilespmem:s30+$0x2400] =	vst v4  }
0x41: {  	s31 =	simm.s32 $0x20;
	s1 =	simm.s32 $0xC0;
	v7 =	vnsel vm2, $0x0, v9;
	v4 =	vmin.u32 v8, $0x3FFFF;
	[tilespmem:s30+$0x1800] =	vst v11;
	vm1 =	vgt.s32 v3, $0x0  }
.LBB2_2:
0x42: {  	p0 =	sne.s32 s1, $0xF80;
	v8 =	vld [tilespmem:s31+$0xC00];
	v3 =	vnsel vm1, $0x0, v3;
	vm1 =	vgt.s32 v2, $0x0;
	v9 =	vor.u32 v1, v4;
	[tilespmem:s30+$0x2800] =	vst v6  }
0x43: {  	v6 =	vmin.u32 v7, $0x3FFFF;
	v10 =	vld [tilespmem:s31+$0x0];
	v7 =	vmin.u32 v3, $0x3FFFF;
	v2 =	vnsel vm1, $0x0, v2;
	[tilespmem:s29+$0x2C00] =	vst v9  }
0x44: {  	v9 =	vor.u32 v0, v6;
	v6 =	vor.u32 v1, v6;
	v3 =	vld [tilespmem:s31+$0x400];
	v11 =	vmin.u32 v2, $0x3FFFF;
	[tilespmem:s30+$0x1C00] =	vst v5;
	s30 =	smov.u32 s29;
	s29 =	smov.u32 s31  }
.Ltmp0:
0x45: {  	v2 =	vld [tilespmem:s29+$0x800];
	[tilespmem:s30+$0x1000] =	vst v9;
	v9 =	vor.u32 v0, v7;
	v7 =	vor.u32 v1, v7;
	v12 =	vor.u32 v0, v11;
	(pc) =	sbr.rel @p0 .LBB2_2-.Ltmp0, $4  }
0x46: {  	v5 =	vor.u32 v0, v4;
	[tilespmem:s30+$0x2000] =	vst v6;
	v6 =	vor.u32 v1, v11  }
0x47: {  	vm1 =	vgt.s32 v8, $0x0;
	[tilespmem:s30+$0x1400] =	vst v9  }
0x48: {  	vm2 =	vgt.s32 v10, $0x0;
	v4 =	vnsel vm1, $0x0, v8;
	[tilespmem:s30+$0x2400] =	vst v7  }
0x49: {  	s31 =	sshra.s32 s1, $0x2;
	s1 =	sadd.s32 $0x40, s1;
	v7 =	vnsel vm2, $0x0, v10;
	vm1 =	vgt.s32 v3, $0x0;
	v4 =	vmin.u32 v4, $0x3FFFF;
	[tilespmem:s30+$0x1800] =	vst v12  }
0x4a: {  	v8 =	vld [tilespmem:s31+$0xC00];
	[tilespmem:s30+$0x2800] =	vst v6;
	v6 =	vor.u32 v1, v4  }
0x4b: {  	v9 =	vld [tilespmem:s31+$0x0];
	[tilespmem:s29+$0x2C00] =	vst v6  }
0x4c: {  	v6 =	vld [tilespmem:s31+$0x400];
	[tilespmem:s30+$0x1C00] =	vst v5;
	v5 =	vmin.u32 v7, $0x3FFFF  }
0x4d: {  	v3 =	vnsel vm1, $0x0, v3;
	v7 =	vor.u32 v0, v5  }
0x4e: {  	vm1 =	vgt.s32 v2, $0x0;
	v3 =	vmin.u32 v3, $0x3FFFF;
	v10 =	vld [tilespmem:s31+$0x800];
	v5 =	vor.u32 v1, v5;
	[tilespmem:s29+$0x1000] =	vst v7  }
0x4f: {  	v2 =	vnsel vm1, $0x0, v2;
	v7 =	vor.u32 v0, v3;
	[tilespmem:s29+$0x2000] =	vst v5  }
0x50: {  	v2 =	vmin.u32 v2, $0x3FFFF;
	v3 =	vor.u32 v1, v3;
	vm1 =	vgt.s32 v8, $0x0;
	[tilespmem:s29+$0x1400] =	vst v7  }
0x51: {  	v5 =	vor.u32 v0, v2;
	[tilespmem:s29+$0x2400] =	vst v3;
	v7 =	vnsel vm1, $0x0, v8  }
0x52: {  	v2 =	vor.u32 v1, v2;
	[tilespmem:s29+$0x1800] =	vst v5;
	vm1 =	vgt.s32 v9, $0x0;
	v3 =	vmin.u32 v7, $0x3FFFF  }
0x53: {  	[tilespmem:s29+$0x2800] =	vst v2;
	v5 =	vnsel vm1, $0x0, v9;
	v7 =	vor.u32 v1, v3  }
0x54: {  	v2 =	vor.u32 v0, v4;
	vm1 =	vgt.s32 v6, $0x0;
	v4 =	vmin.u32 v5, $0x3FFFF;
	[tilespmem:s31+$0x2C00] =	vst v7  }
0x55: {  	v5 =	vnsel vm1, $0x0, v6;
	v6 =	vor.u32 v0, v4;
	[tilespmem:s29+$0x1C00] =	vst v2  }
0x56: {  	v4 =	vor.u32 v1, v4;
	[tilespmem:s31+$0x1000] =	vst v6  }
0x57: {  	vm1 =	vgt.s32 v10, $0x0;
	v3 =	vor.u32 v0, v3;
	v2 =	vmin.u32 v5, $0x3FFFF;
	[tilespmem:s31+$0x2000] =	vst v4  }
0x58: {  	v5 =	vnsel vm1, $0x0, v10;
	v6 =	vor.u32 v0, v2;
	[tilespmem:s31+$0x1C00] =	vst v3  }
0x59: {  	v4 =	vmin.u32 v5, $0x3FFFF;
	v2 =	vor.u32 v1, v2;
	[tilespmem:s31+$0x1400] =	vst v6  }
0x5a: {  	v5 =	vor.u32 v0, v4;
	[tilespmem:s31+$0x2400] =	vst v2  }
0x5b: {  	v2 =	vor.u32 v1, v4;
	[tilespmem:s31+$0x1800] =	vst v5  }
0x5c: {  	s1 =	simm.s32 $0x1000;
	s29 =	simm.s32 $0x3000;
	[tilespmem:s31+$0x2800] =	vst v2  }
0x5d: {  	[tilespmem:s29], [sflag:$0x1] =	stream.indirect.gather [hbm4b:s3+s20], $0x1, s1, s20, $0xb8;
	[tilespmem:$0x5D00] =	vst v63  }
0x5e: {  	s31 =	simm.s32 $0x1400;
	s29 =	simm.s32 $0x3400  }
0x5f: {  	[tilespmem:s29], [sflag:$0x1] =	stream.indirect.gather [hbm4b:s3+s20], $0x1, s31, s20, $0xb8;
	[tilespmem:$0x5D00] =	vst v63  }
0x60: {  	s30 =	simm.s32 $0x1800;
	s29 =	simm.s32 $0x3800  }
0x61: {  	[tilespmem:s29], [sflag:$0x1] =	stream.indirect.gather [hbm4b:s3+s20], $0x1, s30, s20, $0xb8;
	[tilespmem:$0x5D00] =	vst v63  }
0x62: {  	s31 =	simm.s32 $0x1C00;
	s29 =	simm.s32 $0x3C00  }
0x63: {  	[tilespmem:s29], [sflag:$0x1] =	stream.indirect.gather [hbm4b:s3+s20], $0x1, s31, s20, $0xb8;
	[tilespmem:$0x5D00] =	vst v63  }
0x64: {  	s30 =	simm.s32 $0x2000;
	s29 =	simm.s32 $0x4000  }
0x65: {  	[tilespmem:s29], [sflag:$0x1] =	stream.indirect.gather [hbm4b:s3+s20], $0x1, s30, s20, $0xb8;
	[tilespmem:$0x5D00] =	vst v63  }
0x66: {  	s31 =	simm.s32 $0x2400;
	s29 =	simm.s32 $0x4400  }
0x67: {  	[tilespmem:s29], [sflag:$0x1] =	stream.indirect.gather [hbm4b:s3+s20], $0x1, s31, s20, $0xb8;
	[tilespmem:$0x5D00] =	vst v63  }
0x68: {  	s30 =	simm.s32 $0x2800;
	s29 =	simm.s32 $0x4800  }
0x69: {  	[tilespmem:s29], [sflag:$0x1] =	stream.indirect.gather [hbm4b:s3+s20], $0x1, s30, s20, $0xb8;
	[tilespmem:$0x5D00] =	vst v63  }
0x6a: {  	s31 =	simm.s32 $0x2C00;
	s29 =	simm.s32 $0x4C00  }
0x6b: {  	[tilespmem:s29], [sflag:$0x1] =	stream.indirect.gather [hbm4b:s3+s20], $0x1, s31, s20, $0xb8;
	[tilespmem:$0x5D00] =	vst v63  }
0x6c: {  	s30 =	simm.s32 $0x1080;
	s29 =	simm.s32 $0x3080  }
0x6d: {  	[tilespmem:s29], [sflag:$0x1] =	stream.indirect.gather [hbm4b:s3+s20], $0x1, s30, s20, $0xb8;
	[tilespmem:$0x5D00] =	vst v63  }
0x6e: {  	s31 =	simm.s32 $0x1480;
	s29 =	simm.s32 $0x3480  }
0x6f: {  	[tilespmem:s29], [sflag:$0x1] =	stream.indirect.gather [hbm4b:s3+s20], $0x1, s31, s20, $0xb8;
	[tilespmem:$0x5D00] =	vst v63  }
0x70: {  	s30 =	simm.s32 $0x1880;
	s29 =	simm.s32 $0x3880  }
0x71: {  	[tilespmem:s29], [sflag:$0x1] =	stream.indirect.gather [hbm4b:s3+s20], $0x1, s30, s20, $0xb8;
	[tilespmem:$0x5D00] =	vst v63  }
0x72: {  	s31 =	simm.s32 $0x1C80;
	s29 =	simm.s32 $0x3C80  }
0x73: {  	[tilespmem:s29], [sflag:$0x1] =	stream.indirect.gather [hbm4b:s3+s20], $0x1, s31, s20, $0xb8;
	[tilespmem:$0x5D00] =	vst v63  }
0x74: {  	s30 =	simm.s32 $0x2080;
	s29 =	simm.s32 $0x4080  }
0x75: {  	[tilespmem:s29], [sflag:$0x1] =	stream.indirect.gather [hbm4b:s3+s20], $0x1, s30, s20, $0xb8;
	[tilespmem:$0x5D00] =	vst v63  }
0x76: {  	s31 =	simm.s32 $0x2480;
	s29 =	simm.s32 $0x4480  }
0x77: {  	[tilespmem:s29], [sflag:$0x1] =	stream.indirect.gather [hbm4b:s3+s20], $0x1, s31, s20, $0xb8;
	[tilespmem:$0x5D00] =	vst v63  }
0x78: {  	s30 =	simm.s32 $0x2880;
	s29 =	simm.s32 $0x4880  }
0x79: {  	[tilespmem:s29], [sflag:$0x1] =	stream.indirect.gather [hbm4b:s3+s20], $0x1, s30, s20, $0xb8;
	[tilespmem:$0x5D00] =	vst v63  }
0x7a: {  	s31 =	simm.s32 $0x2C80;
	s29 =	simm.s32 $0x4C80  }
0x7b: {  	[tilespmem:s29], [sflag:$0x1] =	stream.indirect.gather [hbm4b:s3+s20], $0x1, s31, s20, $0xb8;
	[tilespmem:$0x5D00] =	vst v63  }
0x7c: {  	s30 =	simm.s32 $0x1100;
	s29 =	simm.s32 $0x3100  }
0x7d: {  	[tilespmem:s29], [sflag:$0x1] =	stream.indirect.gather [hbm4b:s3+s20], $0x1, s30, s20, $0xb8;
	[tilespmem:$0x5D00] =	vst v63  }
0x7e: {  	s31 =	simm.s32 $0x1500;
	s29 =	simm.s32 $0x3500  }
0x7f: {  	[tilespmem:s29], [sflag:$0x1] =	stream.indirect.gather [hbm4b:s3+s20], $0x1, s31, s20, $0xb8;
	[tilespmem:$0x5D00] =	vst v63  }
0x80: {  	s30 =	simm.s32 $0x1900;
	s29 =	simm.s32 $0x3900  }
0x81: {  	[tilespmem:s29], [sflag:$0x1] =	stream.indirect.gather [hbm4b:s3+s20], $0x1, s30, s20, $0xb8;
	[tilespmem:$0x5D00] =	vst v63  }
0x82: {  	s31 =	simm.s32 $0x1D00;
	s29 =	simm.s32 $0x3D00  }
0x83: {  	[tilespmem:s29], [sflag:$0x1] =	stream.indirect.gather [hbm4b:s3+s20], $0x1, s31, s20, $0xb8;
	[tilespmem:$0x5D00] =	vst v63  }
0x84: {  	s30 =	simm.s32 $0x2100;
	s29 =	simm.s32 $0x4100  }
0x85: {  	[tilespmem:s29], [sflag:$0x1] =	stream.indirect.gather [hbm4b:s3+s20], $0x1, s30, s20, $0xb8;
	[tilespmem:$0x5D00] =	vst v63  }
0x86: {  	s31 =	simm.s32 $0x2500;
	s29 =	simm.s32 $0x4500  }
0x87: {  	[tilespmem:s29], [sflag:$0x1] =	stream.indirect.gather [hbm4b:s3+s20], $0x1, s31, s20, $0xb8;
	[tilespmem:$0x5D00] =	vst v63  }
0x88: {  	s30 =	simm.s32 $0x2900;
	s29 =	simm.s32 $0x4900  }
0x89: {  	[tilespmem:s29], [sflag:$0x1] =	stream.indirect.gather [hbm4b:s3+s20], $0x1, s30, s20, $0xb8;
	[tilespmem:$0x5D00] =	vst v63  }
0x8a: {  	s31 =	simm.s32 $0x2D00;
	s29 =	simm.s32 $0x4D00  }
0x8b: {  	[tilespmem:s29], [sflag:$0x1] =	stream.indirect.gather [hbm4b:s3+s20], $0x1, s31, s20, $0xb8;
	[tilespmem:$0x5D00] =	vst v63  }
0x8c: {  	s30 =	simm.s32 $0x1180;
	s29 =	simm.s32 $0x3180  }
0x8d: {  	[tilespmem:s29], [sflag:$0x1] =	stream.indirect.gather [hbm4b:s3+s20], $0x1, s30, s20, $0xb8;
	[tilespmem:$0x5D00] =	vst v63  }
0x8e: {  	s31 =	simm.s32 $0x1580;
	s29 =	simm.s32 $0x3580  }
0x8f: {  	[tilespmem:s29], [sflag:$0x1] =	stream.indirect.gather [hbm4b:s3+s20], $0x1, s31, s20, $0xb8;
	[tilespmem:$0x5D00] =	vst v63  }
0x90: {  	s30 =	simm.s32 $0x1980;
	s29 =	simm.s32 $0x3980  }
0x91: {  	[tilespmem:s29], [sflag:$0x1] =	stream.indirect.gather [hbm4b:s3+s20], $0x1, s30, s20, $0xb8;
	[tilespmem:$0x5D00] =	vst v63  }
0x92: {  	s31 =	simm.s32 $0x1D80;
	s29 =	simm.s32 $0x3D80  }
0x93: {  	[tilespmem:s29], [sflag:$0x1] =	stream.indirect.gather [hbm4b:s3+s20], $0x1, s31, s20, $0xb8;
	[tilespmem:$0x5D00] =	vst v63  }
0x94: {  	s30 =	simm.s32 $0x2180;
	s29 =	simm.s32 $0x4180  }
0x95: {  	[tilespmem:s29], [sflag:$0x1] =	stream.indirect.gather [hbm4b:s3+s20], $0x1, s30, s20, $0xb8;
	[tilespmem:$0x5D00] =	vst v63  }
0x96: {  	s31 =	simm.s32 $0x2580;
	s29 =	simm.s32 $0x4580  }
0x97: {  	[tilespmem:s29], [sflag:$0x1] =	stream.indirect.gather [hbm4b:s3+s20], $0x1, s31, s20, $0xb8;
	[tilespmem:$0x5D00] =	vst v63  }
0x98: {  	s30 =	simm.s32 $0x2980;
	s29 =	simm.s32 $0x4980  }
0x99: {  	[tilespmem:s29], [sflag:$0x1] =	stream.indirect.gather [hbm4b:s3+s20], $0x1, s30, s20, $0xb8;
	[tilespmem:$0x5D00] =	vst v63  }
0x9a: {  	s31 =	simm.s32 $0x2D80;
	s29 =	simm.s32 $0x4D80  }
0x9b: {  	[tilespmem:s29], [sflag:$0x1] =	stream.indirect.gather [hbm4b:s3+s20], $0x1, s31, s20, $0xb8;
	[tilespmem:$0x5D00] =	vst v63  }
0x9c: {  	s30 =	simm.s32 $0x1200;
	s29 =	simm.s32 $0x3200  }
0x9d: {  	[tilespmem:s29], [sflag:$0x1] =	stream.indirect.gather [hbm4b:s3+s20], $0x1, s30, s20, $0xb8;
	[tilespmem:$0x5D00] =	vst v63  }
0x9e: {  	s31 =	simm.s32 $0x1600;
	s29 =	simm.s32 $0x3600  }
0x9f: {  	[tilespmem:s29], [sflag:$0x1] =	stream.indirect.gather [hbm4b:s3+s20], $0x1, s31, s20, $0xb8;
	[tilespmem:$0x5D00] =	vst v63  }
0xa0: {  	s30 =	simm.s32 $0x1A00;
	s29 =	simm.s32 $0x3A00  }
0xa1: {  	[tilespmem:s29], [sflag:$0x1] =	stream.indirect.gather [hbm4b:s3+s20], $0x1, s30, s20, $0xb8;
	[tilespmem:$0x5D00] =	vst v63  }
0xa2: {  	s31 =	simm.s32 $0x1E00;
	s29 =	simm.s32 $0x3E00  }
0xa3: {  	[tilespmem:s29], [sflag:$0x1] =	stream.indirect.gather [hbm4b:s3+s20], $0x1, s31, s20, $0xb8;
	[tilespmem:$0x5D00] =	vst v63  }
0xa4: {  	s30 =	simm.s32 $0x2200;
	s29 =	simm.s32 $0x4200  }
0xa5: {  	[tilespmem:s29], [sflag:$0x1] =	stream.indirect.gather [hbm4b:s3+s20], $0x1, s30, s20, $0xb8;
	[tilespmem:$0x5D00] =	vst v63  }
0xa6: {  	s31 =	simm.s32 $0x2600;
	s29 =	simm.s32 $0x4600  }
0xa7: {  	[tilespmem:s29], [sflag:$0x1] =	stream.indirect.gather [hbm4b:s3+s20], $0x1, s31, s20, $0xb8;
	[tilespmem:$0x5D00] =	vst v63  }
0xa8: {  	s30 =	simm.s32 $0x2A00;
	s29 =	simm.s32 $0x4A00  }
0xa9: {  	[tilespmem:s29], [sflag:$0x1] =	stream.indirect.gather [hbm4b:s3+s20], $0x1, s30, s20, $0xb8;
	[tilespmem:$0x5D00] =	vst v63  }
0xaa: {  	s31 =	simm.s32 $0x2E00;
	s29 =	simm.s32 $0x4E00  }
0xab: {  	[tilespmem:s29], [sflag:$0x1] =	stream.indirect.gather [hbm4b:s3+s20], $0x1, s31, s20, $0xb8;
	[tilespmem:$0x5D00] =	vst v63  }
0xac: {  	s30 =	simm.s32 $0x1280;
	s29 =	simm.s32 $0x3280  }
0xad: {  	[tilespmem:s29], [sflag:$0x1] =	stream.indirect.gather [hbm4b:s3+s20], $0x1, s30, s20, $0xb8;
	[tilespmem:$0x5D00] =	vst v63  }
0xae: {  	s31 =	simm.s32 $0x1680;
	s29 =	simm.s32 $0x3680  }
0xaf: {  	[tilespmem:s29], [sflag:$0x1] =	stream.indirect.gather [hbm4b:s3+s20], $0x1, s31, s20, $0xb8;
	[tilespmem:$0x5D00] =	vst v63  }
0xb0: {  	s30 =	simm.s32 $0x1A80;
	s29 =	simm.s32 $0x3A80  }
0xb1: {  	[tilespmem:s29], [sflag:$0x1] =	stream.indirect.gather [hbm4b:s3+s20], $0x1, s30, s20, $0xb8;
	[tilespmem:$0x5D00] =	vst v63  }
0xb2: {  	s31 =	simm.s32 $0x1E80;
	s29 =	simm.s32 $0x3E80  }
0xb3: {  	[tilespmem:s29], [sflag:$0x1] =	stream.indirect.gather [hbm4b:s3+s20], $0x1, s31, s20, $0xb8;
	[tilespmem:$0x5D00] =	vst v63  }
0xb4: {  	s30 =	simm.s32 $0x2280;
	s29 =	simm.s32 $0x4280  }
0xb5: {  	[tilespmem:s29], [sflag:$0x1] =	stream.indirect.gather [hbm4b:s3+s20], $0x1, s30, s20, $0xb8;
	[tilespmem:$0x5D00] =	vst v63  }
0xb6: {  	s31 =	simm.s32 $0x2680;
	s29 =	simm.s32 $0x4680  }
0xb7: {  	[tilespmem:s29], [sflag:$0x1] =	stream.indirect.gather [hbm4b:s3+s20], $0x1, s31, s20, $0xb8;
	[tilespmem:$0x5D00] =	vst v63  }
0xb8: {  	s30 =	simm.s32 $0x2A80;
	s29 =	simm.s32 $0x4A80  }
0xb9: {  	[tilespmem:s29], [sflag:$0x1] =	stream.indirect.gather [hbm4b:s3+s20], $0x1, s30, s20, $0xb8;
	[tilespmem:$0x5D00] =	vst v63  }
0xba: {  	s31 =	simm.s32 $0x2E80;
	s29 =	simm.s32 $0x4E80  }
0xbb: {  	[tilespmem:s29], [sflag:$0x1] =	stream.indirect.gather [hbm4b:s3+s20], $0x1, s31, s20, $0xb8;
	[tilespmem:$0x5D00] =	vst v63  }
0xbc: {  	s30 =	simm.s32 $0x1300;
	s29 =	simm.s32 $0x3300  }
0xbd: {  	[tilespmem:s29], [sflag:$0x1] =	stream.indirect.gather [hbm4b:s3+s20], $0x1, s30, s20, $0xb8;
	[tilespmem:$0x5D00] =	vst v63  }
0xbe: {  	s31 =	simm.s32 $0x1700;
	s29 =	simm.s32 $0x3700  }
0xbf: {  	[tilespmem:s29], [sflag:$0x1] =	stream.indirect.gather [hbm4b:s3+s20], $0x1, s31, s20, $0xb8;
	[tilespmem:$0x5D00] =	vst v63  }
0xc0: {  	s30 =	simm.s32 $0x1B00;
	s29 =	simm.s32 $0x3B00  }
0xc1: {  	[tilespmem:s29], [sflag:$0x1] =	stream.indirect.gather [hbm4b:s3+s20], $0x1, s30, s20, $0xb8;
	[tilespmem:$0x5D00] =	vst v63  }
0xc2: {  	s31 =	simm.s32 $0x1F00;
	s29 =	simm.s32 $0x3F00  }
0xc3: {  	[tilespmem:s29], [sflag:$0x1] =	stream.indirect.gather [hbm4b:s3+s20], $0x1, s31, s20, $0xb8;
	[tilespmem:$0x5D00] =	vst v63  }
0xc4: {  	s30 =	simm.s32 $0x2300;
	s29 =	simm.s32 $0x4300  }
0xc5: {  	[tilespmem:s29], [sflag:$0x1] =	stream.indirect.gather [hbm4b:s3+s20], $0x1, s30, s20, $0xb8;
	[tilespmem:$0x5D00] =	vst v63  }
0xc6: {  	s31 =	simm.s32 $0x2700;
	s29 =	simm.s32 $0x4700  }
0xc7: {  	[tilespmem:s29], [sflag:$0x1] =	stream.indirect.gather [hbm4b:s3+s20], $0x1, s31, s20, $0xb8;
	[tilespmem:$0x5D00] =	vst v63  }
0xc8: {  	s30 =	simm.s32 $0x2B00;
	s29 =	simm.s32 $0x4B00  }
0xc9: {  	[tilespmem:s29], [sflag:$0x1] =	stream.indirect.gather [hbm4b:s3+s20], $0x1, s30, s20, $0xb8;
	[tilespmem:$0x5D00] =	vst v63  }
0xca: {  	s31 =	simm.s32 $0x2F00;
	s29 =	simm.s32 $0x4F00  }
0xcb: {  	[tilespmem:s29], [sflag:$0x1] =	stream.indirect.gather [hbm4b:s3+s20], $0x1, s31, s20, $0xb8;
	[tilespmem:$0x5D00] =	vst v63  }
0xcc: {  	s30 =	simm.s32 $0x1380;
	s29 =	simm.s32 $0x3380  }
0xcd: {  	[tilespmem:s29], [sflag:$0x1] =	stream.indirect.gather [hbm4b:s3+s25], $0x1, s30, s25, $0xb8;
	[tilespmem:$0x5D00] =	vst v63  }
0xce: {  	s31 =	simm.s32 $0x1780;
	s29 =	simm.s32 $0x3780  }
0xcf: {  	[tilespmem:s29], [sflag:$0x1] =	stream.indirect.gather [hbm4b:s3+s25], $0x1, s31, s25, $0xb8;
	[tilespmem:$0x5D00] =	vst v63  }
0xd0: {  	s30 =	simm.s32 $0x1B80;
	s29 =	simm.s32 $0x3B80  }
0xd1: {  	[tilespmem:s29], [sflag:$0x1] =	stream.indirect.gather [hbm4b:s3+s25], $0x1, s30, s25, $0xb8;
	[tilespmem:$0x5D00] =	vst v63  }
0xd2: {  	_ = 	snop  }
0xd3: {  	[tilespmem:s13], [sflag:$0x1] =	stream.indirect.gather [hbm4b:s3+s25], $0x1, s0, s25, $0xb8;
	[tilespmem:$0x5D00] =	vst v63  }
0xd4: {  	_ = 	snop  }
0xd5: {  	[tilespmem:s15], [sflag:$0x1] =	stream.indirect.gather [hbm4b:s3+s25], $0x1, s14, s25, $0xb8;
	[tilespmem:$0x5D00] =	vst v63  }
0xd6: {  	_ = 	snop  }
0xd7: {  	[tilespmem:s17], [sflag:$0x1] =	stream.indirect.gather [hbm4b:s3+s25], $0x1, s16, s25, $0xb8;
	[tilespmem:$0x5D00] =	vst v63  }
0xd8: {  	_ = 	snop  }
0xd9: {  	[tilespmem:s21], [sflag:$0x1] =	stream.indirect.gather [hbm4b:s3+s25], $0x1, s18, s25, $0xb8;
	[tilespmem:$0x5D00] =	vst v63  }
0xda: {  	_ = 	snop  }
0xdb: {  	[tilespmem:s23], [sflag:$0x1] =	stream.indirect.gather [hbm4b:s3+s25], $0x1, s22, s25, $0xb8;
	[tilespmem:$0x5D00] =	vst v63  }
0xdc: {  	_ =	swait.ge [sflag:s19], $0x80  }
0xdd: {  	[sflag:s19] =	ssyncset.done $0x0  }
0xde: {  	[sflag:s19] =	ssyncadd.s32 $0xFFFFFF80  }
0xdf: {  	_ =	swait.ge [sflag:s19], $0x80  }
0xe0: {  	[sflag:s19] =	ssyncset.done $0x0  }
0xe1: {  	[sflag:s19] =	ssyncadd.s32 $0xFFFFFF80  }
0xe2: {  	_ =	swait.ge [sflag:s19], $0x80  }
0xe3: {  	[sflag:s19] =	ssyncset.done $0x0  }
0xe4: {  	[sflag:s19] =	ssyncadd.s32 $0xFFFFFF80  }
0xe5: {  	_ =	swait.ge [sflag:s19], $0x80  }
0xe6: {  	[sflag:s19] =	ssyncset.done $0x0  }
0xe7: {  	[sflag:s19] =	ssyncadd.s32 $0xFFFFFF80  }
0xe8: {  	_ =	swait.ge [sflag:s19], $0x80  }
0xe9: {  	[sflag:s19] =	ssyncset.done $0x0  }
0xea: {  	[sflag:s19] =	ssyncadd.s32 $0xFFFFFF80  }
0xeb: {  	_ =	swait.ge [sflag:s19], $0x80  }
0xec: {  	[sflag:s19] =	ssyncset.done $0x0  }
0xed: {  	[sflag:s19] =	ssyncadd.s32 $0xFFFFFF80  }
0xee: {  	_ =	swait.ge [sflag:s19], $0x80  }
0xef: {  	[sflag:s19] =	ssyncset.done $0x0  }
0xf0: {  	[sflag:s19] =	ssyncadd.s32 $0xFFFFFF80  }
0xf1: {  	_ =	swait.ge [sflag:s19], $0x80  }
0xf2: {  	[sflag:s19] =	ssyncset.done $0x0  }
0xf3: {  	[sflag:s19] =	ssyncadd.s32 $0xFFFFFF80  }
0xf4: {  	_ =	swait.ge [sflag:s19], $0x80  }
0xf5: {  	[sflag:s19] =	ssyncset.done $0x0  }
0xf6: {  	[sflag:s19] =	ssyncadd.s32 $0xFFFFFF80  }
0xf7: {  	_ =	swait.ge [sflag:s19], $0x80  }
0xf8: {  	[sflag:s19] =	ssyncset.done $0x0  }
0xf9: {  	[sflag:s19] =	ssyncadd.s32 $0xFFFFFF80  }
0xfa: {  	_ =	swait.ge [sflag:s19], $0x80  }
0xfb: {  	[sflag:s19] =	ssyncset.done $0x0  }
0xfc: {  	[sflag:s19] =	ssyncadd.s32 $0xFFFFFF80  }
0xfd: {  	_ =	swait.ge [sflag:s19], $0x80  }
0xfe: {  	[sflag:s19] =	ssyncset.done $0x0  }
0xff: {  	[sflag:s19] =	ssyncadd.s32 $0xFFFFFF80  }
0x100: {  	_ =	swait.ge [sflag:s19], $0x80  }
0x101: {  	[sflag:s19] =	ssyncset.done $0x0  }
0x102: {  	[sflag:s19] =	ssyncadd.s32 $0xFFFFFF80  }
0x103: {  	_ =	swait.ge [sflag:s19], $0x80  }
0x104: {  	[sflag:s19] =	ssyncset.done $0x0  }
0x105: {  	[sflag:s19] =	ssyncadd.s32 $0xFFFFFF80  }
0x106: {  	_ =	swait.ge [sflag:s19], $0x80  }
0x107: {  	[sflag:s19] =	ssyncset.done $0x0  }
0x108: {  	[sflag:s19] =	ssyncadd.s32 $0xFFFFFF80  }
0x109: {  	_ =	swait.ge [sflag:s19], $0x80  }
0x10a: {  	[sflag:s19] =	ssyncset.done $0x0  }
0x10b: {  	[sflag:s19] =	ssyncadd.s32 $0xFFFFFF80  }
0x10c: {  	_ =	swait.ge [sflag:s19], $0x80  }
0x10d: {  	[sflag:s19] =	ssyncset.done $0x0  }
0x10e: {  	[sflag:s19] =	ssyncadd.s32 $0xFFFFFF80  }
0x10f: {  	_ =	swait.ge [sflag:s19], $0x80  }
0x110: {  	[sflag:s19] =	ssyncset.done $0x0  }
0x111: {  	[sflag:s19] =	ssyncadd.s32 $0xFFFFFF80  }
0x112: {  	_ =	swait.ge [sflag:s19], $0x80  }
0x113: {  	[sflag:s19] =	ssyncset.done $0x0  }
0x114: {  	[sflag:s19] =	ssyncadd.s32 $0xFFFFFF80  }
0x115: {  	_ =	swait.ge [sflag:s19], $0x80  }
0x116: {  	[sflag:s19] =	ssyncset.done $0x0  }
0x117: {  	[sflag:s19] =	ssyncadd.s32 $0xFFFFFF80  }
0x118: {  	_ =	swait.ge [sflag:s19], $0x80  }
0x119: {  	[sflag:s19] =	ssyncset.done $0x0  }
0x11a: {  	[sflag:s19] =	ssyncadd.s32 $0xFFFFFF80  }
0x11b: {  	_ =	swait.ge [sflag:s19], $0x80  }
0x11c: {  	[sflag:s19] =	ssyncset.done $0x0  }
0x11d: {  	[sflag:s19] =	ssyncadd.s32 $0xFFFFFF80  }
0x11e: {  	_ =	swait.ge [sflag:s19], $0x80  }
0x11f: {  	[sflag:s19] =	ssyncset.done $0x0  }
0x120: {  	[sflag:s19] =	ssyncadd.s32 $0xFFFFFF80  }
0x121: {  	_ =	swait.ge [sflag:s19], $0x80  }
0x122: {  	[sflag:s19] =	ssyncset.done $0x0  }
0x123: {  	[sflag:s19] =	ssyncadd.s32 $0xFFFFFF80  }
0x124: {  	_ =	swait.ge [sflag:s19], $0x80  }
0x125: {  	[sflag:s19] =	ssyncset.done $0x0  }
0x126: {  	[sflag:s19] =	ssyncadd.s32 $0xFFFFFF80  }
0x127: {  	_ =	swait.ge [sflag:s19], $0x80  }
0x128: {  	[sflag:s19] =	ssyncset.done $0x0  }
0x129: {  	[sflag:s19] =	ssyncadd.s32 $0xFFFFFF80  }
0x12a: {  	_ =	swait.ge [sflag:s19], $0x80  }
0x12b: {  	[sflag:s19] =	ssyncset.done $0x0  }
0x12c: {  	[sflag:s19] =	ssyncadd.s32 $0xFFFFFF80  }
0x12d: {  	_ =	swait.ge [sflag:s19], $0x80  }
0x12e: {  	[sflag:s19] =	ssyncset.done $0x0  }
0x12f: {  	[sflag:s19] =	ssyncadd.s32 $0xFFFFFF80  }
0x130: {  	_ =	swait.ge [sflag:s19], $0x80  }
0x131: {  	[sflag:s19] =	ssyncset.done $0x0  }
0x132: {  	[sflag:s19] =	ssyncadd.s32 $0xFFFFFF80  }
0x133: {  	_ =	swait.ge [sflag:s19], $0x80  }
0x134: {  	[sflag:s19] =	ssyncset.done $0x0  }
0x135: {  	[sflag:s19] =	ssyncadd.s32 $0xFFFFFF80  }
0x136: {  	_ =	swait.ge [sflag:s19], $0x80  }
0x137: {  	[sflag:s19] =	ssyncset.done $0x0  }
0x138: {  	[sflag:s19] =	ssyncadd.s32 $0xFFFFFF80  }
0x139: {  	_ =	swait.ge [sflag:s19], $0x80  }
0x13a: {  	[sflag:s19] =	ssyncset.done $0x0  }
0x13b: {  	[sflag:s19] =	ssyncadd.s32 $0xFFFFFF80  }
0x13c: {  	_ =	swait.ge [sflag:s19], $0x80  }
0x13d: {  	[sflag:s19] =	ssyncset.done $0x0  }
0x13e: {  	[sflag:s19] =	ssyncadd.s32 $0xFFFFFF80  }
0x13f: {  	_ =	swait.ge [sflag:s19], $0x80  }
0x140: {  	[sflag:s19] =	ssyncset.done $0x0  }
0x141: {  	[sflag:s19] =	ssyncadd.s32 $0xFFFFFF80  }
0x142: {  	_ =	swait.ge [sflag:s19], $0x80  }
0x143: {  	[sflag:s19] =	ssyncset.done $0x0  }
0x144: {  	[sflag:s19] =	ssyncadd.s32 $0xFFFFFF80  }
0x145: {  	_ =	swait.ge [sflag:s19], $0x80  }
0x146: {  	[sflag:s19] =	ssyncset.done $0x0  }
0x147: {  	[sflag:s19] =	ssyncadd.s32 $0xFFFFFF80  }
0x148: {  	_ =	swait.ge [sflag:s19], $0x80  }
0x149: {  	[sflag:s19] =	ssyncset.done $0x0  }
0x14a: {  	[sflag:s19] =	ssyncadd.s32 $0xFFFFFF80  }
0x14b: {  	_ =	swait.ge [sflag:s19], $0x80  }
0x14c: {  	[sflag:s19] =	ssyncset.done $0x0  }
0x14d: {  	[sflag:s19] =	ssyncadd.s32 $0xFFFFFF80  }
0x14e: {  	_ =	swait.ge [sflag:s19], $0x80  }
0x14f: {  	[sflag:s19] =	ssyncset.done $0x0  }
0x150: {  	[sflag:s19] =	ssyncadd.s32 $0xFFFFFF80  }
0x151: {  	_ =	swait.ge [sflag:s19], $0x80  }
0x152: {  	[sflag:s19] =	ssyncset.done $0x0  }
0x153: {  	[sflag:s19] =	ssyncadd.s32 $0xFFFFFF80  }
0x154: {  	_ =	swait.ge [sflag:s19], $0x80  }
0x155: {  	[sflag:s19] =	ssyncset.done $0x0  }
0x156: {  	[sflag:s19] =	ssyncadd.s32 $0xFFFFFF80  }
0x157: {  	_ =	swait.ge [sflag:s19], $0x80  }
0x158: {  	[sflag:s19] =	ssyncset.done $0x0  }
0x159: {  	[sflag:s19] =	ssyncadd.s32 $0xFFFFFF80  }
0x15a: {  	_ =	swait.ge [sflag:s19], $0x80  }
0x15b: {  	[sflag:s19] =	ssyncset.done $0x0  }
0x15c: {  	[sflag:s19] =	ssyncadd.s32 $0xFFFFFF80  }
0x15d: {  	_ =	swait.ge [sflag:s19], $0x80  }
0x15e: {  	[sflag:s19] =	ssyncset.done $0x0  }
0x15f: {  	[sflag:s19] =	ssyncadd.s32 $0xFFFFFF80  }
0x160: {  	_ =	swait.ge [sflag:s19], $0x80  }
0x161: {  	[sflag:s19] =	ssyncset.done $0x0  }
0x162: {  	[sflag:s19] =	ssyncadd.s32 $0xFFFFFF80  }
0x163: {  	_ =	swait.ge [sflag:s19], $0x80  }
0x164: {  	[sflag:s19] =	ssyncset.done $0x0  }
0x165: {  	[sflag:s19] =	ssyncadd.s32 $0xFFFFFF80  }
0x166: {  	_ =	swait.ge [sflag:s19], $0x80  }
0x167: {  	[sflag:s19] =	ssyncset.done $0x0  }
0x168: {  	[sflag:s19] =	ssyncadd.s32 $0xFFFFFF80  }
0x169: {  	_ =	swait.ge [sflag:s19], $0x80  }
0x16a: {  	[sflag:s19] =	ssyncset.done $0x0  }
0x16b: {  	[sflag:s19] =	ssyncadd.s32 $0xFFFFFF80  }
0x16c: {  	_ =	swait.ge [sflag:s19], $0x80  }
0x16d: {  	[sflag:s19] =	ssyncset.done $0x0  }
0x16e: {  	[sflag:s19] =	ssyncadd.s32 $0xFFFFFF80  }
0x16f: {  	_ =	swait.ge [sflag:s19], $0x80  }
0x170: {  	[sflag:s19] =	ssyncset.done $0x0  }
0x171: {  	[sflag:s19] =	ssyncadd.s32 $0xFFFFFF80  }
0x172: {  	_ =	swait.ge [sflag:s19], $0x80  }
0x173: {  	[sflag:s19] =	ssyncset.done $0x0  }
0x174: {  	[sflag:s19] =	ssyncadd.s32 $0xFFFFFF80  }
0x175: {  	_ =	swait.ge [sflag:s19], $0x80  }
0x176: {  	[sflag:s19] =	ssyncset.done $0x0  }
0x177: {  	[sflag:s19] =	ssyncadd.s32 $0xFFFFFF80  }
0x178: {  	_ =	swait.ge [sflag:s19], $0x80  }
0x179: {  	[sflag:s19] =	ssyncset.done $0x0  }
0x17a: {  	[sflag:s19] =	ssyncadd.s32 $0xFFFFFF80  }
0x17b: {  	_ =	swait.ge [sflag:s19], $0x80  }
0x17c: {  	[sflag:s19] =	ssyncset.done $0x0  }
0x17d: {  	[sflag:s19] =	ssyncadd.s32 $0xFFFFFF80  }
0x17e: {  	_ =	swait.ge [sflag:s19], $0x80  }
0x17f: {  	[sflag:s19] =	ssyncset.done $0x0  }
0x180: {  	[sflag:s19] =	ssyncadd.s32 $0xFFFFFF80  }
0x181: {  	_ =	swait.ge [sflag:s19], $0x80  }
0x182: {  	[sflag:s19] =	ssyncset.done $0x0  }
0x183: {  	[sflag:s19] =	ssyncadd.s32 $0xFFFFFF80  }
0x184: {  	_ =	swait.ge [sflag:s19], $0x70  }
0x185: {  	[sflag:s19] =	ssyncset.done $0x0  }
0x186: {  	[sflag:s19] =	ssyncadd.s32 $0xFFFFFF90  }
0x187: {  	_ =	swait.ge [sflag:s19], $0x70  }
0x188: {  	[sflag:s19] =	ssyncset.done $0x0  }
0x189: {  	[sflag:s19] =	ssyncadd.s32 $0xFFFFFF90  }
0x18a: {  	_ =	swait.ge [sflag:s19], $0x70  }
0x18b: {  	[sflag:s19] =	ssyncset.done $0x0  }
0x18c: {  	[sflag:s19] =	ssyncadd.s32 $0xFFFFFF90  }
0x18d: {  	_ =	swait.ge [sflag:s19], $0x70  }
0x18e: {  	[sflag:s19] =	ssyncset.done $0x0  }
0x18f: {  	[sflag:s19] =	ssyncadd.s32 $0xFFFFFF90  }
0x190: {  	_ =	swait.ge [sflag:s19], $0x70  }
0x191: {  	[sflag:s19] =	ssyncset.done $0x0  }
0x192: {  	[sflag:s19] =	ssyncadd.s32 $0xFFFFFF90  }
0x193: {  	_ =	swait.ge [sflag:s19], $0x70  }
0x194: {  	[sflag:s19] =	ssyncset.done $0x0  }
0x195: {  	[sflag:s19] =	ssyncadd.s32 $0xFFFFFF90  }
0x196: {  	_ =	swait.ge [sflag:s19], $0x70  }
0x197: {  	[sflag:s19] =	ssyncset.done $0x0  }
0x198: {  	[sflag:s19] =	ssyncadd.s32 $0xFFFFFF90  }
0x199: {  	_ =	swait.ge [sflag:s19], $0x70  }
0x19a: {  	[sflag:s19] =	ssyncset.done $0x0  }
0x19b: {  	s31 =	simm.s32 $0x0;
	[sflag:s19] =	ssyncadd.s32 $0xFFFFFF90  }
0x19c: {  	v3 =	vld [tilespmem:s31+$0x5400]  }
0x19d: {  	v4 =	vld [tilespmem:s31+$0x4000]  }
0x19e: {  	v2 =	vld [tilespmem:s31+$0x3000]  }
0x19f: {  	v5 =	vld [tilespmem:s31+$0x3400]  }
0x1a0: {  	v6 =	vld [tilespmem:s31+$0x3800]  }
0x1a1: {  	v8 =	vld [tilespmem:s31+$0x3C00]  }
0x1a2: {  	v9 =	vld [tilespmem:s31+$0x4C00]  }
0x1a3: {  	v10 =	vld [tilespmem:s31+$0x4400]  }
0x1a4: {  	v11 =	vld [tilespmem:s31+$0x4800]  }
0x1a5: {  	v7 =	vld [tilespmem:s31+$0x5800]  }
0x1a6: {  	s29 =	simm.s32 $0x10;
	v5 =	vsub.f32 v5, v2;
	v2 =	vld [tilespmem:s31+$0x5000];
	v8 =	vsub.f32 v6, v8  }
0x1a7: {  	v6 =	vld [tilespmem:s29+$0x5400];
	v4 =	vsub.f32 v9, v4  }
0x1a8: {  	v9 =	vld [tilespmem:s29+$0x3400];
	v12 =	vsub.f32 v5, v3;
	v13 =	vsub.f32 v8, v3  }
0x1a9: {  	v11 =	vsub.f32 v11, v10;
	v10 =	vld [tilespmem:s29+$0x3800];
	v3 =	vimm.f32 $0.0e+00  }
0x1aa: {  	v5 =	vld [tilespmem:s29+$0x4000];
	v12 =	vand.u32 $0x7FFFFFFF, v12;
	v14 =	vand.u32 $0x7FFFFFFF, v13;
	v13 =	vsub.f32 v4, v7  }
0x1ab: {  	s1 =	simm.s32 $0x80;
	v8 =	vld [tilespmem:s29+$0x3000];
	v12 =	vadd.f32 v14, v12;
	v4 =	vadd.f32 v2, v3  }
.LBB2_4:
0x1ac: {  	p0 =	sne.s32 s1, $0xF40;
	v14 =	vld [tilespmem:s29+$0x3C00];
	v13 =	vand.u32 $0x7FFFFFFF, v13;
	v7 =	vsub.f32 v11, v7;
	v11 =	vmov v6  }
0x1ad: {  	v15 =	vld [tilespmem:s29+$0x4C00];
	v6 =	vadd.f32 v13, v12  }
0x1ae: {  	v12 =	vld [tilespmem:s29+$0x4400];
	v7 =	vand.u32 $0x7FFFFFFF, v7  }
0x1af: {  	v13 =	vld [tilespmem:s29+$0x4800];
	v6 =	vadd.f32 v6, v7  }
0x1b0: {  	v8 =	vsub.f32 v9, v8;
	v7 =	vld [tilespmem:s29+$0x5800]  }
0x1b1: {  	v9 =	vsub.f32 v10, v14;
	v10 =	vmul.f32 v6, v2;
	v2 =	vld [tilespmem:s29+$0x5000];
	s29 =	sshra.s32 s1, $0x2  }
.Ltmp1:
0x1b2: {  	v14 =	vsub.f32 v8, v11;
	v6 =	vld [tilespmem:s29+$0x5400];
	v15 =	vsub.f32 v15, v5;
	(pc) =	sbr.rel @p0 .LBB2_4-.Ltmp1, $4  }
0x1b3: {  	v5 =	vld [tilespmem:s29+$0x4000];
	v16 =	vsub.f32 v9, v11;
	v3 =	vadd.f32 v10, v3  }
0x1b4: {  	v8 =	vld [tilespmem:s29+$0x3000];
	v11 =	vsub.f32 v13, v12  }
0x1b5: {  	v12 =	vand.u32 $0x7FFFFFFF, v14;
	v9 =	vld [tilespmem:s29+$0x3400];
	v14 =	vand.u32 $0x7FFFFFFF, v16;
	v13 =	vsub.f32 v15, v7  }
0x1b6: {  	s1 =	sadd.s32 $0x40, s1;
	v10 =	vld [tilespmem:s29+$0x3800];
	v12 =	vadd.f32 v14, v12;
	v4 =	vadd.f32 v2, v4  }
0x1b7: {  	v14 =	vld [tilespmem:s29+$0x3C00]  }
0x1b8: {  	v15 =	vld [tilespmem:s29+$0x4C00]  }
0x1b9: {  	v16 =	vld [tilespmem:s29+$0x4400]  }
0x1ba: {  	v17 =	vld [tilespmem:s29+$0x4800]  }
0x1bb: {  	v19 =	vld [tilespmem:$0x57E0]  }
0x1bc: {  	v20 =	vld [tilespmem:$0x33E0]  }
0x1bd: {  	v21 =	vld [tilespmem:$0x37E0]  }
0x1be: {  	v46 =	vld [tilespmem:$0x3BE0]  }
0x1bf: {  	v47 =	vld [tilespmem:$0x3FE0]  }
0x1c0: {  	v48 =	vld [tilespmem:$0x5BE0]  }
0x1c1: {  	v49 =	vld [tilespmem:$0x43E0]  }
0x1c2: {  	v13 =	vand.u32 $0x7FFFFFFF, v13;
	v7 =	vsub.f32 v11, v7;
	v50 =	vld [tilespmem:$0x4FE0]  }
0x1c3: {  	v53 =	vld [tilespmem:$0x47E0];
	v12 =	vadd.f32 v13, v12  }
0x1c4: {  	v55 =	vld [tilespmem:$0x4BE0];
	v7 =	vand.u32 $0x7FFFFFFF, v7;
	v8 =	vsub.f32 v9, v8  }
0x1c5: {  	v18 =	vld [tilespmem:s29+$0x5800];
	v7 =	vadd.f32 v12, v7;
	v10 =	vsub.f32 v10, v14  }
0x1c6: {  	v8 =	vsub.f32 v8, v6;
	v5 =	vsub.f32 v15, v5  }
0x1c7: {  	v52 =	vsub.f32 v17, v16;
	v54 =	vsub.f32 v21, v20  }
0x1c8: {  	v11 =	vsub.f32 v46, v47;
	v56 =	vnsel vm0, $0x0, v19;
	v12 =	vsub.f32 v50, v49  }
0x1c9: {  	v9 =	vnsel vm0, $0x0, v48;
	v13 =	vsub.f32 v55, v53;
	v51 =	vsub.f32 v10, v6  }
0x1ca: {  	v8 =	vand.u32 $0x7FFFFFFF, v8;
	v5 =	vsub.f32 v5, v18;
	v57 =	vsub.f32 v54, v56  }
0x1cb: {  	v11 =	vsub.f32 v11, v56;
	v10 =	vsub.f32 v52, v18;
	v6 =	vand.u32 $0x7FFFFFFF, v51  }
0x1cc: {  	v12 =	vsub.f32 v12, v9;
	v6 =	vadd.f32 v6, v8  }
0x1cd: {  	v58 =	vld [tilespmem:s29+$0x5000];
	v5 =	vand.u32 $0x7FFFFFFF, v5;
	v11 =	vand.u32 $0x7FFFFFFF, v11;
	v8 =	vand.u32 $0x7FFFFFFF, v57  }
0x1ce: {  	v59 =	vld [tilespmem:$0x53E0];
	v8 =	vadd.f32 v11, v8;
	v5 =	vadd.f32 v5, v6  }
0x1cf: {  	v9 =	vsub.f32 v13, v9;
	v10 =	vand.u32 $0x7FFFFFFF, v10;
	v60 =	vand.u32 $0x7FFFFFFF, v12  }
0x1d0: {  	v2 =	vmul.f32 v7, v2;
	v61 =	vadd.f32 v60, v8;
	v5 =	vadd.f32 v5, v10  }
0x1d1: {  	v62 =	vand.u32 $0x7FFFFFFF, v9  }
0x1d2: {  	v2 =	vadd.f32 v2, v3;
	v63 =	vadd.f32 v61, v62;
	v3 =	vmul.f32 v5, v58  }
0x1d3: {  	v6 =	vnsel vm0, $0x0, v59  }
0x1d4: {  	v2 =	vadd.f32 v3, v2;
	v3 =	vmul.f32 v63, v6  }
0x1d5: {  	v4 =	vadd.f32 v58, v4  }
0x1d6: {  	v2 =	vadd.f32 v3, v2  }
0x1d7: {  	s28 =	sadd.s32 $0x1, s28;
	v3 =	vadd.f32 v6, v4  }
0x1d8: {  	p0 =	sne.s32 s28, s12;
	[tilespmem:$0x5C00] =	vst v2  }
.Ltmp2:
0x1d9: {  	[tilespmem:$0x5C80] =	vst v3;
	(pc) =	sbr.rel @p0 .LBB2_1-.Ltmp2, $4  }
0x1da: {  	[hbm4b:s11+s2] =	stream.linear.scatter [tilespmem:s24], [sflag:$0x2], $0x100, $0x38;
	[tilespmem:$0x5D00] =	vst v63  }
0x1db: {  	_ =	swait.ge [sflag:s26], $0x100  }
0x1dc: {  	[sflag:s26] =	ssyncset.done $0x0  }
0x1dd: {  	[sflag:s26] =	ssyncadd.s32 $0xFFFFFF00  }
0x1de: {  	_ =	sfence.sel $0x180000  }
0x1df: {  	[bflag:$0x0] =	sbarrier.arrive $0xFFFF  }
0x1e0: {  	_ =	strace $0x9000004A  }
0x1e1: {  	s0 =	stileid.u32;
	[bflag:$0x2] =	sbarrier.arrive $0xFFFF  }
0x1e2: {  	p0 =	sne.s32 s0, $0x0;
	s0 =	rddreg [dreg:$0x1]  }
0x1e3: {  	s0 =	sadd.s32 @!p0 $0x100000, s0  }
0x1e4: {  	[sflag:s0] =	ssyncadd.tile.s32 @!p0 $0x1;
	_ =	shalt  }
.Lfunc_end2:
_tile_overlayer_lowered:
.L_overlay_start_2:
0x1e5: {  	(tag) =	ssettag $0x2  }
0x1e6: {  	s0 =	rddreg [dreg:$0x0];
	s2 =	stileid.u32  }
0x1e7: {  	s1 =	rddreg [dreg:$0x1];
	p0 =	sne.s32 s2, $0x0  }
0x1e8: {  	s3 =	rddreg [dreg:$0x2];
	[bflag:$0x3] =	sbarrier.arrive $0xFFFF;
	s2 =	simm.s32 @!p0 $0x1C02  }
0x1e9: {  	[timem:s3], [sflag:s2] =	dma.local @!p0 [hbm:s0], s1  }
0x1ea: {  	s0 =	simm.s32 @!p0 $0x2  }
0x1eb: {  	_ =	swait.ge @!p0 [sflag:s0], s1  }
0x1ec: {  	s1 =	ssub.s32 @!p0 $0x0, s1;
	[sflag:s0] =	ssyncset.done @!p0 $0x0  }
0x1ed: {  	[sflag:s0] =	ssyncadd.s32 @!p0 s1  }
0x1ee: {  	[bflag:$0x3] =	sbarrier.arrive $0xFFFF  }
0x1ef: {  	_ =	shalt  }

// kernel: sparse-core-data-format-call.cloned.1.call-start
scs
called_computation_lowered:
.L_overlay_start_0:
0x0: {  	s2 =	sld [smem:$0x3FD9]  }
0x1: {  	s3 =	sld [smem:$0x3FFE];
	_ =	sdelay $0x1  }
0x2: {  	s1 =	srdreg.scid  }
0x3: {  	s0 =	sand.u32 $0x1, s1  }
0x4: {  	s18 =	sshll.u32 s0, $0xA;
	s2 =	sadd.s32 s3, s2  }
0x5: {  	s2 =	sadd.s32 s2, s18  }
0x6: {  	[smem:$0x3FC2] =	sst s2  }
0x7: {  	_ = 	snop  }
0x8: {  	s2 =	sld [smem:$0x3FC9];
	(tm) =	ssettm $0x1  }
0x9: {  	s19 =	sld [smem:$0x3FFB];
	_ =	sdelay $0x3  }
0xa: {  	_ =	strace s19  }
0xb: {  	s3 =	sld [smem:$0x3FFC];
	_ =	sdelay $0x3  }
0xc: {  	_ =	strace s3  }
0xd: {  	s3 =	sld [smem:$0x3FFD];
	_ =	sdelay $0x3  }
0xe: {  	_ =	strace s3  }
0xf: {  	_ =	strace $0x8FFFFFFF  }
0x10: {  	s20 =	sld [smem:$0x3FDB];
	_ =	sdelay $0x1  }
0x11: {  	s4 =	simm.s32 $_scs_section_size  }
0x12: {  	s5 =	simm.s32 $_size__tile_overlayer_lowered;
	s6 =	simm.s32 $_tile_overlayer_lowered  }
0x13: {  	s23 =	simm.s32 $0x1BFF;
	s22 =	sshll.u32 s6, $0x1;
	s3 =	sadd.s32 s4, s20  }
0x14: {  	s7 =	simm.s32 $0x0;
	s21 =	sshll.u32 s5, $0x1;
	s5 =	sadd.s32 s22, s3  }
0x15: {  	[timem:s7], [sflag:s23] =	dma.local [hbm:s5], s21  }
0x16: {  	_ =	swait.ge [sflag:s23], s21  }
0x17: {  	s4 =	ssub.s32 $0x0, s21;
	[sflag:s23] =	ssyncset.done $0x0  }
0x18: {  	[sflag:s23] =	ssyncadd.s32 s4;
	_ =	sdelay $0x1  }
0x19: {  	s24 =	simm.s32 $0x1B8B  }
0x1a: {  	_ =	swait.ge [sflag:s24], $0x1  }
0x1b: {  	[sflag:s24] =	ssyncset.done $0x0  }
0x1c: {  	s26 =	simm.s32 $0x1B8E;
	s25 =	sld [smem:$0x3FFE];
	[sflag:s24] =	ssyncadd.s32 $0xFFFFFFFF  }
0x1d: {  	s27 =	simm.s32 $execute0_lowered;
	[smem:$0x3FD2] =	sst s26  }
0x1e: {  	s5 =	sshll.u32 s27, $0x1;
	_ =	strace $0x80000046;
	[dreg:$0x1] =	wrdreg $0xFFFFFFFF  }
0x1f: {  	s28 =	simm.s32 $_size_execute0_lowered;
	s3 =	sadd.s32 s3, s5;
	[dreg:$0x0] =	wrdreg $0x0  }
0x20: {  	s5 =	sshll.u32 s28, $0x1;
	[dreg:$0x2] =	wrdreg s3  }
0x21: {  	[dreg:$0x3] =	wrdreg s5  }
0x22: {  	[dreg:$0x4] =	wrdreg $0xC0  }
0x23: {  	_ =	task [dreg:s7], $0x5FFFF  }
0x24: {  	[dreg:$0x1] =	wrdreg $0xFFFFFFFF  }
0x25: {  	[dreg:$0x0] =	wrdreg $0x60  }
0x26: {  	[dreg:$0x2] =	wrdreg s2  }
0x27: {  	[dreg:$0x3] =	wrdreg s25  }
0x28: {  	[dreg:$0x4] =	wrdreg $0x9  }
0x29: {  	_ =	task.clear_ibuf [dreg:s7], $0x5FFFF;
	_ =	strace $0x90000046  }
0x2a: {  	s29 =	simm.s32 $0x9;
	_ =	strace $0x80000048  }
0x2b: {  	_ =	swait.ge [sflag:s29], $0x1  }
0x2c: {  	[sflag:s29] =	ssyncadd.s32 $0xFFFFFFFF  }
0x2d: {  	_ =	strace $0x90000048  }
0x2e: {  	_ =	sfence  }
0x2f: {  	s30 =	sld [smem:$0x0];
	_ =	sdelay $0x2  }
0x30: {  	s31 =	sshll.u32 s1, $0xD;
	s1 =	sshrl.u32 s1, $0x2  }
0x31: {  	s3 =	sand.u32 $0x4000, s31;
	s1 =	sadd.s32 s1, s30  }
0x32: {  	s0 =	sor.u32 s3, s0;
	s1 =	sshll.u32 s1, $0x11  }
0x33: {  	s0 =	sor.u32 s1, s0  }
0x34: {  	s0 =	sadd.s32 $0x8F2B, s0  }
0x35: {  	[sflag:s0] =	ssyncadd.remote.s32 $0x1  }
0x36: {  	_ =	sfence.sel $0xFFFF  }
0x37: {  	[dreg:$0x0] =	wrdreg $0xFFFFFFFF;
	(pc) =	sbr.abs _section_cstart, $3  }
0x38: {  	[dreg:$0x1] =	wrdreg $0xFFFFFFFF  }
0x39: {  	_ =	task.clear_ibuf [dreg:s7], $0x2FFFF;
	_ =	strace $0x9FFFFFFF  }
0x3a: {  	(tm) =	ssettm $0x7FFFFFFF  }
0x3b: {  	_ =	shalt  }
tec
execute0_lowered:
.L_overlay_start_1:
0x0: {  	(tag) =	ssettag $0x1  }
0x1: {  	s0 =	srdreg.scid  }
0x2: {  	s1 =	sshll.u32 s0, $0x4  }
0x3: {  	s2 =	rddreg [dreg:$0x0];
	s0 =	stileid.u32;
	s1 =	sand.u32 $0x10, s1  }
0x4: {  	s4 =	rddreg [dreg:$0x1];
	s7 =	simm.s32 $0x1;
	s1 =	sor.u32 s0, s1  }
0x5: {  	s8 =	simm.s32 $0x2;
	s9 =	simm.s32 $0x0;
	s3 =	sshll.u32 s1, $0x2  }
0x6: {  	s12 =	simm.s32 $0x0;
	s11 =	simm.s32 $0x0;
	s6 =	ssub.s32 $0x1000, s3  }
.Ltmp0:
0x7: {  	s4 =	sadd.s32 $0x800, s4;
	s5 =	sand.u32 $0x7C, s6;
	(pc) =	sbr.rel .LBB1_1-.Ltmp0, $4  }
0x8: {  	s1 =	rddreg [dreg:$0x2];
	_ =	strace $0x80000047;
	p0 =	sne.s32 s5, $0x0  }
0x9: {  	s6 =	sshrl.u32 s6, $0x7;
	s5 =	simm.s32 $0x1;
	s7 =	simm.s32 @!p0 $0x0  }
0xa: {  	s10 =	smov.u32 s3;
	[sflag:s5] =	ssyncpa.u1 $0x0;
	s6 =	sadd.s32 s7, s6  }
0xb: {  	[sflag:s8] =	ssyncpa.u1 $0x0;
	s8 =	simm.s32 $0x0;
	s7 =	sadd.s32 $0x1, s6  }
.LBB1_9:
0xc: {  	s14 =	sadd.s32 $0x80, s10  }
0xd: {  	p1 =	sgt.s32 s14, $0xFFF  }
0xe: {  	s14 =	smov.u32 @p1 s3;
	p1 =	sne.s32 s11, s7  }
.Ltmp1:
0xf: {  	p0 =	slt.u32 s11, $0x2;
	(pc) =	sbr.rel @!p1 .LBB1_10-.Ltmp1, $4  }
0x10: {  	s13 =	simm.s32 @!p0 $0x2  }
0x11: {  	s15 =	sadd.s32 $0x1, s11;
	_ =	swait.ge @!p0 [sflag:s13], $0x4000  }
0x12: {  	s12 =	smov.u32 s10;
	s9 =	sadd.s32 $0x4000, s9;
	[sflag:s13] =	ssyncset.done @!p0 $0x0  }
0x13: {  	s11 =	smov.u32 s15;
	s10 =	smov.u32 s14;
	[sflag:s13] =	ssyncadd.s32 @!p0 $0xFFFFC000  }
.LBB1_1:
0x14: {  	p0 =	sge.u32 s11, s6  }
0x15: {  	s13 =	sxor.u32 @!p0 $0xFFFFFFFF, s11  }
0x16: {  	s31 =	sadd.s32 $0xFFFFFFFF, s11;
	s14 =	sshll.u32 @!p0 s10, $0x9;
	s13 =	sshll.u32 @!p0 s13, $0xE  }
0x17: {  	s15 =	simm.s32 @!p0 $0x0;
	s14 =	sadd.s32 @!p0 s2, s14;
	s13 =	sand.u32 @!p0 $0x4000, s13  }
0x18: {  	[tilespmem:s13], [sflag:$0x1] =	stream.linear.gather @!p0 [hbm4b:s14+s15], $0x4000, $0x38;
	[tilespmem:$0x10000] =	vst v63  }
0x19: {  	p0 =	sge.u32 s31, s6  }
.Ltmp2:
0x1a: {  	_ = 	snop;
	(pc) =	sbr.rel @p0 .LBB1_9-.Ltmp2, $1  }
0x1b: {  	_ =	sdelay $0x3  }
0x1c: {  	s14 =	sand.u32 $0x4000, s9  }
0x1d: {  	_ =	swait.ge [sflag:s5], $0x4000;
	s15 =	sshll.u32 s11, $0xE;
	s16 =	simm.s32 $0x0  }
0x1e: {  	s13 =	sor.u32 $0x40, s14;
	[sflag:s5] =	ssyncset.done $0x0;
	s15 =	sand.u32 $0x4000, s15  }
0x1f: {  	s14 =	sor.u32 $0x8040, s14;
	[sflag:s5] =	ssyncadd.s32 $0xFFFFC000;
	s15 =	sor.u32 $0x8000, s15  }
.LBB1_3:
0x20: {  	s17 =	smov.u32 s14;
	s18 =	smov.u32 s13;
	s19 =	simm.s32 $0x0  }
.LBB1_4:
0x21: {  	v0 =	vmov s17;
	v2 =	vld [tilespmem:s18+$0x30]  }
0x22: {  	v4 =	vld [tilespmem:s18+$0xFFFFFFD0]  }
0x23: {  	v6 =	vld [tilespmem:s18+$0xFFFFFFE0]  }
0x24: {  	v7 =	vld [tilespmem:s18+$0xFFFFFFF0]  }
0x25: {  	s20 =	simm.s32 $0x0;
	v1 =	vld [tilespmem:s18+$0x0]  }
0x26: {  	v3 =	vld [tilespmem:s18+$0x10];
	[tilespmem:v0+s20+$0x30 ss:$0x1] =	vst.idx.msk $0xffff, v2  }
0x27: {  	v5 =	vld [tilespmem:s18+$0x20];
	[tilespmem:v0+s20+$0xFFFFFFD0 ss:$0x1] =	vst.idx.msk $0xffff, v4  }
0x28: {  	s21 =	sadd.s32 $0x80, s18;
	v2 =	vld [tilespmem:s18+$0xFFFFFFC0];
	[tilespmem:v0+s20+$0xFFFFFFE0 ss:$0x1] =	vst.idx.msk $0xffff, v6  }
0x29: {  	s22 =	simm.s32 $0x800;
	s23 =	simm.s32 $0x1000;
	v4 =	vld [tilespmem:s21+$0x30];
	[tilespmem:v0+s20+$0xFFFFFFF0 ss:$0x1] =	vst.idx.msk $0xffff, v7  }
.LBB1_5:
0x2a: {  	p0 =	sne.s32 s23, $0x3800;
	v6 =	vld [tilespmem:s21+$0xFFFFFFD0];
	[tilespmem:v0+s20+$0x0 ss:$0x1] =	vst.idx.msk $0xffff, v1  }
0x2b: {  	v7 =	vld [tilespmem:s21+$0xFFFFFFE0];
	[tilespmem:v0+s20+$0x10 ss:$0x1] =	vst.idx.msk $0xffff, v3  }
0x2c: {  	v8 =	vld [tilespmem:s21+$0xFFFFFFF0];
	[tilespmem:v0+s20+$0x20 ss:$0x1] =	vst.idx.msk $0xffff, v5  }
.Ltmp3:
0x2d: {  	v1 =	vld [tilespmem:s21+$0x0];
	[tilespmem:v0+s20+$0xFFFFFFC0 ss:$0x1] =	vst.idx.msk $0xffff, v2;
	s20 =	sshra.s32 s22, $0x2;
	s22 =	smov.u32 s23;
	(pc) =	sbr.rel @p0 .LBB1_5-.Ltmp3, $4  }
0x2e: {  	v3 =	vld [tilespmem:s21+$0x10];
	[tilespmem:v0+s20+$0x30 ss:$0x1] =	vst.idx.msk $0xffff, v4  }
0x2f: {  	[tilespmem:v0+s20+$0xFFFFFFD0 ss:$0x1] =	vst.idx.msk $0xffff, v6;
	v5 =	vld [tilespmem:s21+$0x20]  }
0x30: {  	v2 =	vld [tilespmem:s21+$0xFFFFFFC0];
	[tilespmem:v0+s20+$0xFFFFFFE0 ss:$0x1] =	vst.idx.msk $0xffff, v7;
	s21 =	sadd.s32 $0x80, s21  }
0x31: {  	s23 =	sadd.s32 $0x800, s23;
	v4 =	vld [tilespmem:s21+$0x30];
	[tilespmem:v0+s20+$0xFFFFFFF0 ss:$0x1] =	vst.idx.msk $0xffff, v8  }
0x32: {  	_ =	sdelay $0x3  }
0x33: {  	v6 =	vld [tilespmem:s21+$0xFFFFFFD0];
	[tilespmem:v0+s20+$0x0 ss:$0x1] =	vst.idx.msk $0xffff, v1  }
0x34: {  	v58 =	vld [tilespmem:s21+$0xFFFFFFE0];
	[tilespmem:v0+s20+$0x10 ss:$0x1] =	vst.idx.msk $0xffff, v3  }
0x35: {  	v59 =	vld [tilespmem:s21+$0xFFFFFFF0];
	[tilespmem:v0+s20+$0x20 ss:$0x1] =	vst.idx.msk $0xffff, v5  }
0x36: {  	s22 =	sshra.s32 s22, $0x2;
	v60 =	vld [tilespmem:s21+$0x0];
	[tilespmem:v0+s20+$0xFFFFFFC0 ss:$0x1] =	vst.idx.msk $0xffff, v2  }
0x37: {  	v61 =	vld [tilespmem:s21+$0x10];
	[tilespmem:v0+s22+$0x30 ss:$0x1] =	vst.idx.msk $0xffff, v4  }
0x38: {  	v62 =	vld [tilespmem:s21+$0x20];
	s19 =	sadd.s32 $0x1, s19;
	[tilespmem:v0+s22+$0xFFFFFFD0 ss:$0x1] =	vst.idx.msk $0xffff, v6  }
0x39: {  	v63 =	vld [tilespmem:s21+$0xFFFFFFC0];
	p0 =	sne.s32 s19, $0x4;
	[tilespmem:v0+s22+$0xFFFFFFE0 ss:$0x1] =	vst.idx.msk $0xffff, v58  }
.Ltmp4:
0x3a: {  	[tilespmem:v0+s22+$0xFFFFFFF0 ss:$0x1] =	vst.idx.msk $0xffff, v59;
	(pc) =	sbr.rel @p0 .LBB1_4-.Ltmp4, $4  }
0x3b: {  	[tilespmem:v0+s22+$0x0 ss:$0x1] =	vst.idx.msk $0xffff, v60  }
0x3c: {  	[tilespmem:v0+s22+$0x10 ss:$0x1] =	vst.idx.msk $0xffff, v61  }
0x3d: {  	[tilespmem:v0+s22+$0x20 ss:$0x1] =	vst.idx.msk $0xffff, v62  }
0x3e: {  	s18 =	sadd.s32 $0x400, s18;
	s17 =	sadd.s32 $0x80, s17;
	[tilespmem:v0+s22+$0xFFFFFFC0 ss:$0x1] =	vst.idx.msk $0xffff, v63  }
0x3f: {  	s16 =	sadd.s32 $0x1, s16  }
0x40: {  	p0 =	sne.s32 s16, $0x4  }
.Ltmp5:
0x41: {  	_ = 	snop;
	(pc) =	sbr.rel @p0 .LBB1_3-.Ltmp5, $2  }
0x42: {  	_ =	sdelay $0x2  }
0x43: {  	s13 =	sadd.s32 $0x1000, s13;
	s14 =	sadd.s32 $0x1000, s14  }
.Ltmp6:
0x44: {  	(pc) =	sbr.rel .LBB1_9-.Ltmp6, $4  }
0x45: {  	_ = 	snop  }
0x46: {  	s12 =	sshll.u32 s12, $0x9  }
0x47: {  	s12 =	sadd.s32 s4, s12  }
0x48: {  	[hbm4b:s12+s8] =	stream.linear.scatter [tilespmem:s15], [sflag:$0x2], $0x4000, $0x38;
	[tilespmem:$0x10000] =	vst v63  }
.LBB1_10:
0x49: {  	_ =	sfence.sel $0x180000  }
0x4a: {  	s2 =	simm.s32 $0x1;
	[bflag:$0x0] =	sbarrier.arrive $0xFFFF  }
0x4b: {  	s31 =	simm.s32 $0x2;
	[sflag:s2] =	ssyncpa.u1 $0x1  }
0x4c: {  	[sflag:s31] =	ssyncpa.u1 $0x1  }
0x4d: {  	p0 =	sne.s32 s0, $0x0;
	_ =	strace $0x90000047  }
0x4e: {  	s0 =	sadd.s32 @!p0 $0x100000, s1;
	[bflag:$0x2] =	sbarrier.arrive $0xFFFF  }
0x4f: {  	[sflag:s0] =	ssyncadd.tile.s32 @!p0 $0x1;
	_ =	shalt  }
.Lfunc_end1:
_tile_overlayer_lowered:
.L_overlay_start_2:
0x50: {  	(tag) =	ssettag $0x2  }
0x51: {  	s0 =	rddreg [dreg:$0x0];
	s2 =	stileid.u32  }
0x52: {  	s1 =	rddreg [dreg:$0x1];
	p0 =	sne.s32 s2, $0x0  }
0x53: {  	s3 =	rddreg [dreg:$0x2];
	[bflag:$0x3] =	sbarrier.arrive $0xFFFF;
	s2 =	simm.s32 @!p0 $0x1C01  }
0x54: {  	[timem:s3], [sflag:s2] =	dma.local @!p0 [hbm:s0], s1  }
0x55: {  	s0 =	simm.s32 @!p0 $0x1  }
0x56: {  	_ =	swait.ge @!p0 [sflag:s0], s1  }
0x57: {  	s1 =	ssub.s32 @!p0 $0x0, s1;
	[sflag:s0] =	ssyncset.done @!p0 $0x0  }
0x58: {  	[sflag:s0] =	ssyncadd.s32 @!p0 s1  }
0x59: {  	[bflag:$0x3] =	sbarrier.arrive $0xFFFF  }
0x5a: {  	_ =	shalt  }

</sc_bundles>
